<compile_context>
chip_gen: v7x
topology: tpu7x:2x2x1
jax: 0.10.2.dev20260603
libtpu: 0.0.44.dev20260713+nightly
codegen_flags: <defaults>
</compile_context>

<pallas_src>
import dataclasses

import jax
import jax.numpy as jnp
from jax import lax
from jax.experimental import pallas as pl
from jax.experimental.pallas import tpu as pltpu
from jax.experimental.pallas import tpu_sc as plsc

NC = 2
NS = 16
NW = NC * NS
L = 16


def _compiler_params():
    cp = pltpu.CompilerParams(
        use_tc_tiling_on_sc=False, disable_bounds_checks=True
    )
    if "needs_layout_passes" in pltpu.CompilerParams.__dataclass_fields__:
        cp = dataclasses.replace(cp, needs_layout_passes=False)
    return cp


def _gather_call(batch, seq, emb, dtype):
    mesh = plsc.VectorSubcoreMesh(core_axis_name="c", subcore_axis_name="s")
    bt_n = batch // 128
    dt_n = emb // 8
    units = seq * bt_n
    per_w = units // NW
    idx_per_w = per_w * 128

    @jax.jit
    def run(table, flat_idx):
        @pl.kernel(
            out_type=jax.ShapeDtypeStruct((seq, dt_n, bt_n, 8, 128), dtype),
            mesh=mesh,
            compiler_params=_compiler_params(),
            scratch_types=[
                pltpu.VMEM((idx_per_w,), jnp.int32),
                pltpu.VMEM((2, 128, emb), dtype),
                pltpu.VMEM((2, emb // 8, 8, 128), dtype),
                [pltpu.SemaphoreType.DMA] * 2,
                [pltpu.SemaphoreType.DMA] * 2,
            ],
        )
        def kern(table_hbm, idx_hbm, out_hbm, idx_v, rows_v, trans_v,
                 gsems, wsems):
            wid = lax.axis_index("s") * NC + lax.axis_index("c")
            i16 = lax.iota(jnp.int32, L)
            u0 = wid * per_w

            pltpu.sync_copy(
                idx_hbm.at[0, pl.ds(u0 * 128, idx_per_w)], idx_v
            )

            def issue_gather(g, p):
                pltpu.async_copy(
                    table_hbm.at[idx_v.at[pl.ds(g * 128, 128)]],
                    rows_v.at[p],
                    gsems[p],
                )

            def wait_gather(p):
                pltpu.make_async_copy(
                    table_hbm.at[idx_v.at[pl.ds(0, 128)]],
                    rows_v.at[p],
                    gsems[p],
                ).wait()

            def drain_writes(p):
                pltpu.make_async_copy(
                    trans_v.at[p], out_hbm.at[0, :, 0], wsems[p]
                ).wait()

            def transpose(p):
                @pl.loop(0, L)
                def _(j):
                    perm = lax.rem(i16 + j, L)
                    p_hi = lax.shift_right_logical(perm, 3)
                    p_lo = lax.bitwise_and(perm, 7)
                    src_ls = [i16 + l0 for l0 in range(0, 128, L)]
                    for d0 in range(0, emb, L):
                        src_d = perm + d0
                        dst_hi = p_hi + (d0 // 8)
                        for src_l in src_ls:
                            v = plsc.load_gather(
                                rows_v.at[p], [src_l, src_d]
                            )
                            plsc.store_scatter(
                                trans_v.at[p], [dst_hi, p_lo, src_l], v
                            )

            def fire_writes(g, p):
                u = u0 + g
                t = u // bt_n
                b = u % bt_n
                pltpu.async_copy(
                    trans_v.at[p], out_hbm.at[t, :, b], wsems[p]
                )

            issue_gather(0, 0)

            @pl.loop(0, per_w, step=2)
            def _(g):
                for k in range(2):
                    @pl.when(g + k + 1 < per_w)
                    def _():
                        issue_gather(g + k + 1, (k + 1) % 2)

                    wait_gather(k)

                    @pl.when(g >= 2)
                    def _():
                        drain_writes(k)

                    transpose(k)
                    fire_writes(g + k, k)

            for k in range(2):
                drain_writes(k)

        return kern(table, flat_idx)

    return run


def kernel(input_sentence, table):
    batch, seq = input_sentence.shape
    vocab, emb = table.shape
    flat_idx = input_sentence.T.reshape(1, batch * seq).astype(jnp.int32)
    run = _gather_call(batch, seq, emb, table.dtype)
    out5 = run(table, flat_idx)
    out = out5.transpose(2, 4, 0, 1, 3).reshape(batch, seq, emb)
    return out

# --- scband reference (transcript-rebuilt; emitter-appended) ---
"""Pipeline reference for scband-word-embedding-6588479832656 (READ-ONLY COPY).

The authoritative reference and input builder live on the scoring server;
editing this copy changes nothing except your own understanding.
"""

import jax, jax.numpy as jnp
import numpy as np

VOCAB = 1000000
EMB = 64

def setup_inputs(seed: int = 0) -> dict:
    key = jax.random.key(seed)
    k1, k2 = jax.random.split(key)
    input_sentence = jax.random.randint(k1, (4096, 200), 0, VOCAB, dtype=jnp.int64 if jax.config.jax_enable_x64 else jnp.int32)
    # learned parameter: embedding table, uniform(-1, 1) as in the torch module
    table = jax.random.uniform(k2, (VOCAB, EMB), dtype=jnp.float32, minval=-1.0, maxval=1.0)
    return {"input_sentence": input_sentence, "table": table}

def reference(input_sentence, table):
    # faithful translation of nn.Embedding forward: row gather
    sen_embed = jnp.take(table, input_sentence, axis=0)
    return sen_embed

if __name__ == "__main__":
    import jax
    _d = setup_inputs()
    print(jax.jit(kernel)(*tuple(_d.values())))

</pallas_src>

<mosaic_0001>
#map = affine_map<(d0, d1) -> (0, 0)>
#map1 = affine_map<(d0, d1) -> (0, 0, 0, 0, 0)>
module attributes {stable_mosaic.version = 14 : i64} {
  func.func @kern(%arg0: i32, %arg1: i32, %arg2: memref<1000000x64xf32, #tpu.memory_space<hbm>>, %arg3: memref<1x819200xi32, #tpu.memory_space<hbm>>, %arg4: memref<200x8x32x8x128xf32, #tpu.memory_space<hbm>>, %arg5: memref<25600xi32, #tpu.memory_space<vmem>>, %arg6: memref<2x128x64xf32, #tpu.memory_space<vmem>>, %arg7: memref<2x8x8x128xf32, #tpu.memory_space<vmem>>, %arg8: memref<!tpu.dma_semaphore, #tpu.memory_space<semaphore_mem>>, %arg9: memref<!tpu.dma_semaphore, #tpu.memory_space<semaphore_mem>>, %arg10: memref<!tpu.dma_semaphore, #tpu.memory_space<semaphore_mem>>, %arg11: memref<!tpu.dma_semaphore, #tpu.memory_space<semaphore_mem>>) attributes {dimension_semantics = [#tpu.dimension_semantics<core_parallel>, #tpu.dimension_semantics<subcore_parallel>], iteration_bounds = array<i64: 2, 16>, scalar_prefetch = 0 : i64, scratch_operands = 7 : i64, tpu.core_type = #tpu.core_type<sc_vector_subcore>, window_params = [{transform_indices = #map}, {transform_indices = #map}, {transform_indices = #map1}]} {
    %mul3A = arith.constant 2 : i32
    %mul3A_0 = arith.muli %arg1, %mul3A : i32
    %add3A = arith.addi %mul3A_0, %arg0 : i32
    %iota3A = tpu.iota {dimensions = array<i32: 0>} : vector<16xi32>
    %mul3A_1 = arith.constant 200 : i32
    %mul3A_2 = arith.muli %add3A, %mul3A_1 : i32
    %mul3A_3 = arith.constant 128 : i32
    %mul3A_4 = arith.muli %mul3A_2, %mul3A_3 : i32
    %run_scoped3A = arith.constant 0 : i32
    "tpu.region"() ({
      %run_scoped3A_63 = tpu.sem_alloc : memref<!tpu.dma_semaphore, #tpu.memory_space<semaphore_mem>>
      %dma_start3A_64 = tpu.memref_slice %arg3[%run_scoped3A, %mul3A_4] : memref<1x819200xi32, #tpu.memory_space<hbm>> -> memref<1x25600xi32, #tpu.memory_space<hbm>>
      %dma_start3A_65 = tpu.memref_squeeze %dma_start3A_64 : memref<1x25600xi32, #tpu.memory_space<hbm>> -> memref<25600xi32, #tpu.memory_space<hbm>>
      %dma_start3A_66 = tpu.memref_slice %arg3[%run_scoped3A, %mul3A_4] : memref<1x819200xi32, #tpu.memory_space<hbm>> -> memref<1x25600xi32, #tpu.memory_space<hbm>>
      %dma_start3A_67 = tpu.memref_squeeze %dma_start3A_66 : memref<1x25600xi32, #tpu.memory_space<hbm>> -> memref<25600xi32, #tpu.memory_space<hbm>>
      tpu.enqueue_dma source(%dma_start3A_67 : memref<25600xi32, #tpu.memory_space<hbm>>) target(%arg5 : memref<25600xi32, #tpu.memory_space<vmem>>) target_semaphore(%run_scoped3A_63 : memref<!tpu.dma_semaphore, #tpu.memory_space<semaphore_mem>>)
      %dma_wait3A_68 = tpu.memref_slice %arg3[%run_scoped3A, %mul3A_4] : memref<1x819200xi32, #tpu.memory_space<hbm>> -> memref<1x25600xi32, #tpu.memory_space<hbm>>
      %dma_wait3A_69 = tpu.memref_squeeze %dma_wait3A_68 : memref<1x25600xi32, #tpu.memory_space<hbm>> -> memref<25600xi32, #tpu.memory_space<hbm>>
      %dma_wait3A_70 = tpu.memref_slice %arg3[%run_scoped3A, %mul3A_4] : memref<1x819200xi32, #tpu.memory_space<hbm>> -> memref<1x25600xi32, #tpu.memory_space<hbm>>
      %dma_wait3A_71 = tpu.memref_squeeze %dma_wait3A_70 : memref<1x25600xi32, #tpu.memory_space<hbm>> -> memref<25600xi32, #tpu.memory_space<hbm>>
      tpu.wait_dma2 semaphore(%run_scoped3A_63 : memref<!tpu.dma_semaphore, #tpu.memory_space<semaphore_mem>>) src(%dma_wait3A_71 : memref<25600xi32, #tpu.memory_space<hbm>>) dst(%arg5 : memref<25600xi32, #tpu.memory_space<vmem>>)
      tpu.yield
    }) : () -> ()
    %dma_start3A = arith.constant 0 : i32
    %dma_start3A_5 = arith.constant 0 : i32
    %dma_start3A_6 = arith.constant 0 : i32
    %dma_start3A_7 = tpu.memref_slice %arg6[%dma_start3A, %dma_start3A_5, %dma_start3A_6] : memref<2x128x64xf32, #tpu.memory_space<vmem>> -> memref<1x128x64xf32, #tpu.memory_space<vmem>>
    %dma_start3A_8 = tpu.memref_squeeze %dma_start3A_7 : memref<1x128x64xf32, #tpu.memory_space<vmem>> -> memref<128x64xf32, #tpu.memory_space<vmem>>
    %dma_start3A_9 = arith.constant 0 : i32
    %dma_start3A_10 = tpu.memref_slice %arg5[%dma_start3A_9] : memref<25600xi32, #tpu.memory_space<vmem>> -> memref<128xi32, #tpu.memory_space<vmem>>
    %dma_start3A_11 = arith.constant 0 : i32
    %dma_start3A_12 = arith.constant 0 : i32
    %dma_start3A_13 = tpu.memref_slice %arg2[%dma_start3A_11, %dma_start3A_12] : memref<1000000x64xf32, #tpu.memory_space<hbm>> -> memref<1000000x64xf32, #tpu.memory_space<hbm>>
    tpu.enqueue_indirect_dma source(%dma_start3A_13 : memref<1000000x64xf32, #tpu.memory_space<hbm>>) target(%dma_start3A_8 : memref<128x64xf32, #tpu.memory_space<vmem>>) offsets(%dma_start3A_10 : memref<128xi32, #tpu.memory_space<vmem>>) semaphore(%arg8 : memref<!tpu.dma_semaphore, #tpu.memory_space<semaphore_mem>>)
    %scan3A = arith.constant 0 : i32
    %scan3A_14 = arith.constant 100 : i32
    %scan3A_15 = arith.addi %scan3A, %scan3A_14 : i32
    %scan3A_16 = arith.constant 1 : i32
    scf.for %scan3A_63 = %scan3A to %scan3A_15 step %scan3A_16  : i32 {
      %mul3A_64 = arith.constant 2 : i32
      %mul3A_65 = arith.muli %scan3A_63, %mul3A_64 : i32
      %add3A_66 = arith.constant 0 : i32
      %add3A_67 = arith.addi %add3A_66, %mul3A_65 : i32
      %add3A_68 = arith.constant 0 : i32
      %add3A_69 = arith.addi %add3A_67, %add3A_68 : i32
      %add3A_70 = arith.constant 1 : i32
      %add3A_71 = arith.addi %add3A_69, %add3A_70 : i32
      %lt3A = arith.constant 200 : i32
      %lt3A_72 = arith.cmpi slt, %add3A_71, %lt3A : i32
      %convert_element_type3A = arith.extui %lt3A_72 : i1 to i32
      %cond3A = arith.constant 0 : i32
      %cond3A_73 = arith.cmpi ne, %convert_element_type3A, %cond3A : i32
      scf.if %cond3A_73 {
        %add3A_241 = arith.constant 0 : i32
        %add3A_242 = arith.addi %add3A_67, %add3A_241 : i32
        %add3A_243 = arith.constant 1 : i32
        %add3A_244 = arith.addi %add3A_242, %add3A_243 : i32
        %mul3A_245 = arith.constant 128 : i32
        %mul3A_246 = arith.muli %add3A_244, %mul3A_245 : i32
        %dma_start3A_247 = arith.constant 1 : i32
        %dma_start3A_248 = arith.constant 0 : i32
        %dma_start3A_249 = arith.constant 0 : i32
        %dma_start3A_250 = tpu.memref_slice %arg6[%dma_start3A_247, %dma_start3A_248, %dma_start3A_249] : memref<2x128x64xf32, #tpu.memory_space<vmem>> -> memref<1x128x64xf32, #tpu.memory_space<vmem>>
        %dma_start3A_251 = tpu.memref_squeeze %dma_start3A_250 : memref<1x128x64xf32, #tpu.memory_space<vmem>> -> memref<128x64xf32, #tpu.memory_space<vmem>>
        %dma_start3A_252 = tpu.memref_slice %arg5[%mul3A_246] : memref<25600xi32, #tpu.memory_space<vmem>> -> memref<128xi32, #tpu.memory_space<vmem>>
        %dma_start3A_253 = arith.constant 0 : i32
        %dma_start3A_254 = arith.constant 0 : i32
        %dma_start3A_255 = tpu.memref_slice %arg2[%dma_start3A_253, %dma_start3A_254] : memref<1000000x64xf32, #tpu.memory_space<hbm>> -> memref<1000000x64xf32, #tpu.memory_space<hbm>>
        tpu.enqueue_indirect_dma source(%dma_start3A_255 : memref<1000000x64xf32, #tpu.memory_space<hbm>>) target(%dma_start3A_251 : memref<128x64xf32, #tpu.memory_space<vmem>>) offsets(%dma_start3A_252 : memref<128xi32, #tpu.memory_space<vmem>>) semaphore(%arg9 : memref<!tpu.dma_semaphore, #tpu.memory_space<semaphore_mem>>)
      } else {
      }
      %dma_wait3A_74 = arith.constant 0 : i32
      %dma_wait3A_75 = arith.constant 0 : i32
      %dma_wait3A_76 = arith.constant 0 : i32
      %dma_wait3A_77 = tpu.memref_slice %arg6[%dma_wait3A_74, %dma_wait3A_75, %dma_wait3A_76] : memref<2x128x64xf32, #tpu.memory_space<vmem>> -> memref<1x128x64xf32, #tpu.memory_space<vmem>>
      %dma_wait3A_78 = tpu.memref_squeeze %dma_wait3A_77 : memref<1x128x64xf32, #tpu.memory_space<vmem>> -> memref<128x64xf32, #tpu.memory_space<vmem>>
      %dma_wait3A_79 = arith.constant 0 : i32
      %dma_wait3A_80 = tpu.memref_slice %arg5[%dma_wait3A_79] : memref<25600xi32, #tpu.memory_space<vmem>> -> memref<128xi32, #tpu.memory_space<vmem>>
      %dma_wait3A_81 = arith.constant 0 : i32
      %dma_wait3A_82 = arith.constant 0 : i32
      %dma_wait3A_83 = tpu.memref_slice %arg2[%dma_wait3A_81, %dma_wait3A_82] : memref<1000000x64xf32, #tpu.memory_space<hbm>> -> memref<1000000x64xf32, #tpu.memory_space<hbm>>
      tpu.wait_indirect_dma semaphore(%arg8 : memref<!tpu.dma_semaphore, #tpu.memory_space<semaphore_mem>>) src(%dma_wait3A_83 : memref<1000000x64xf32, #tpu.memory_space<hbm>>) dst(%dma_wait3A_78 : memref<128x64xf32, #tpu.memory_space<vmem>>)
      %ge3A = arith.constant 2 : i32
      %ge3A_84 = arith.cmpi sge, %add3A_67, %ge3A : i32
      %convert_element_type3A_85 = arith.extui %ge3A_84 : i1 to i32
      %cond3A_86 = arith.constant 0 : i32
      %cond3A_87 = arith.cmpi ne, %convert_element_type3A_85, %cond3A_86 : i32
      scf.if %cond3A_87 {
        %dma_wait3A_241 = arith.constant 0 : i32
        %dma_wait3A_242 = arith.constant 0 : i32
        %dma_wait3A_243 = arith.constant 0 : i32
        %dma_wait3A_244 = arith.constant 0 : i32
        %dma_wait3A_245 = arith.constant 0 : i32
        %dma_wait3A_246 = arith.constant 0 : i32
        %dma_wait3A_247 = tpu.memref_slice %arg7[%dma_wait3A_241, %dma_wait3A_244, %dma_wait3A_245, %dma_wait3A_246] : memref<2x8x8x128xf32, #tpu.memory_space<vmem>> -> memref<1x8x8x128xf32, #tpu.memory_space<vmem>>
        %dma_wait3A_248 = tpu.memref_squeeze %dma_wait3A_247 : memref<1x8x8x128xf32, #tpu.memory_space<vmem>> -> memref<8x8x128xf32, #tpu.memory_space<vmem>>
        %dma_wait3A_249 = arith.constant 0 : i32
        %dma_wait3A_250 = arith.constant 0 : i32
        %dma_wait3A_251 = arith.constant 0 : i32
        %dma_wait3A_252 = tpu.memref_slice %arg4[%dma_wait3A_242, %dma_wait3A_249, %dma_wait3A_243, %dma_wait3A_250, %dma_wait3A_251] : memref<200x8x32x8x128xf32, #tpu.memory_space<hbm>> -> memref<1x8x1x8x128xf32, #tpu.memory_space<hbm>>
        %dma_wait3A_253 = tpu.memref_squeeze %dma_wait3A_252 : memref<1x8x1x8x128xf32, #tpu.memory_space<hbm>> -> memref<8x8x128xf32, #tpu.memory_space<hbm>>
        %dma_wait3A_254 = arith.constant 0 : i32
        %dma_wait3A_255 = arith.constant 0 : i32
        %dma_wait3A_256 = arith.constant 0 : i32
        %dma_wait3A_257 = tpu.memref_slice %arg4[%dma_wait3A_242, %dma_wait3A_254, %dma_wait3A_243, %dma_wait3A_255, %dma_wait3A_256] : memref<200x8x32x8x128xf32, #tpu.memory_space<hbm>> -> memref<1x8x1x8x128xf32, #tpu.memory_space<hbm>>
        %dma_wait3A_258 = tpu.memref_squeeze %dma_wait3A_257 : memref<1x8x1x8x128xf32, #tpu.memory_space<hbm>> -> memref<8x8x128xf32, #tpu.memory_space<hbm>>
        %dma_wait3A_259 = arith.constant 0 : i32
        %dma_wait3A_260 = arith.constant 0 : i32
        %dma_wait3A_261 = arith.constant 0 : i32
        %dma_wait3A_262 = tpu.memref_slice %arg7[%dma_wait3A_241, %dma_wait3A_259, %dma_wait3A_260, %dma_wait3A_261] : memref<2x8x8x128xf32, #tpu.memory_space<vmem>> -> memref<1x8x8x128xf32, #tpu.memory_space<vmem>>
        %dma_wait3A_263 = tpu.memref_squeeze %dma_wait3A_262 : memref<1x8x8x128xf32, #tpu.memory_space<vmem>> -> memref<8x8x128xf32, #tpu.memory_space<vmem>>
        tpu.wait_dma2 semaphore(%arg10 : memref<!tpu.dma_semaphore, #tpu.memory_space<semaphore_mem>>) src(%dma_wait3A_263 : memref<8x8x128xf32, #tpu.memory_space<vmem>>) dst(%dma_wait3A_258 : memref<8x8x128xf32, #tpu.memory_space<hbm>>)
      } else {
      }
      %scan3A_88 = arith.constant 0 : i32
      %scan3A_89 = arith.constant 16 : i32
      %scan3A_90 = arith.addi %scan3A_88, %scan3A_89 : i32
      %scan3A_91 = arith.constant 1 : i32
      scf.for %scan3A_241 = %scan3A_88 to %scan3A_90 step %scan3A_91  : i32 {
        %mul3A_242 = arith.constant 1 : i32
        %mul3A_243 = arith.muli %scan3A_241, %mul3A_242 : i32
        %add3A_244 = arith.constant 0 : i32
        %add3A_245 = arith.addi %add3A_244, %mul3A_243 : i32
        %add3A_246 = vector.broadcast %add3A_245 : i32 to vector<16xi32>
        %add3A_247 = arith.addi %iota3A, %add3A_246 : vector<16xi32>
        %rem3A_248 = arith.constant 16 : i32
        %rem3A_249 = vector.broadcast %rem3A_248 : i32 to vector<16xi32>
        %rem3A_250 = arith.remsi %add3A_247, %rem3A_249 : vector<16xi32>
        %shift_right_logical3A = arith.constant 3 : i32
        %shift_right_logical3A_251 = vector.broadcast %shift_right_logical3A : i32 to vector<16xi32>
        %shift_right_logical3A_252 = arith.shrui %rem3A_250, %shift_right_logical3A_251 : vector<16xi32>
        %and3A_253 = arith.constant 7 : i32
        %and3A_254 = vector.broadcast %and3A_253 : i32 to vector<16xi32>
        %and3A_255 = arith.andi %rem3A_250, %and3A_254 : vector<16xi32>
        %add3A_256 = arith.constant 0 : i32
        %add3A_257 = vector.broadcast %add3A_256 : i32 to vector<16xi32>
        %add3A_258 = arith.addi %iota3A, %add3A_257 : vector<16xi32>
        %add3A_259 = arith.constant 16 : i32
        %add3A_260 = vector.broadcast %add3A_259 : i32 to vector<16xi32>
        %add3A_261 = arith.addi %iota3A, %add3A_260 : vector<16xi32>
        %add3A_262 = arith.constant 32 : i32
        %add3A_263 = vector.broadcast %add3A_262 : i32 to vector<16xi32>
        %add3A_264 = arith.addi %iota3A, %add3A_263 : vector<16xi32>
        %add3A_265 = arith.constant 48 : i32
        %add3A_266 = vector.broadcast %add3A_265 : i32 to vector<16xi32>
        %add3A_267 = arith.addi %iota3A, %add3A_266 : vector<16xi32>
        %add3A_268 = arith.constant 64 : i32
        %add3A_269 = vector.broadcast %add3A_268 : i32 to vector<16xi32>
        %add3A_270 = arith.addi %iota3A, %add3A_269 : vector<16xi32>
        %add3A_271 = arith.constant 80 : i32
        %add3A_272 = vector.broadcast %add3A_271 : i32 to vector<16xi32>
        %add3A_273 = arith.addi %iota3A, %add3A_272 : vector<16xi32>
        %add3A_274 = arith.constant 96 : i32
        %add3A_275 = vector.broadcast %add3A_274 : i32 to vector<16xi32>
        %add3A_276 = arith.addi %iota3A, %add3A_275 : vector<16xi32>
        %add3A_277 = arith.constant 112 : i32
        %add3A_278 = vector.broadcast %add3A_277 : i32 to vector<16xi32>
        %add3A_279 = arith.addi %iota3A, %add3A_278 : vector<16xi32>
        %add3A_280 = arith.constant 0 : i32
        %add3A_281 = vector.broadcast %add3A_280 : i32 to vector<16xi32>
        %add3A_282 = arith.addi %rem3A_250, %add3A_281 : vector<16xi32>
        %add3A_283 = arith.constant 0 : i32
        %add3A_284 = vector.broadcast %add3A_283 : i32 to vector<16xi32>
        %add3A_285 = arith.addi %shift_right_logical3A_252, %add3A_284 : vector<16xi32>
        %gather3A = arith.constant 0 : i32
        %gather3A_286 = arith.constant 0 : i32
        %gather3A_287 = arith.constant 0 : i32
        %gather3A_288 = tpu.memref_slice %arg6[%gather3A, %gather3A_286, %gather3A_287] : memref<2x128x64xf32, #tpu.memory_space<vmem>> -> memref<1x128x64xf32, #tpu.memory_space<vmem>>
        %gather3A_289 = tpu.memref_squeeze %gather3A_288 : memref<1x128x64xf32, #tpu.memory_space<vmem>> -> memref<128x64xf32, #tpu.memory_space<vmem>>
        %gather3A_290 = tpu.vector_load_idx %gather3A_289[%add3A_258, %add3A_282] : memref<128x64xf32, #tpu.memory_space<vmem>>[vector<16xi32>, vector<16xi32>], vector<16xf32>,
        %scatter3A = arith.constant 0 : i32
        %scatter3A_291 = arith.constant 0 : i32
        %scatter3A_292 = arith.constant 0 : i32
        %scatter3A_293 = arith.constant 0 : i32
        %scatter3A_294 = tpu.memref_slice %arg7[%scatter3A, %scatter3A_291, %scatter3A_292, %scatter3A_293] : memref<2x8x8x128xf32, #tpu.memory_space<vmem>> -> memref<1x8x8x128xf32, #tpu.memory_space<vmem>>
        %scatter3A_295 = tpu.memref_squeeze %scatter3A_294 : memref<1x8x8x128xf32, #tpu.memory_space<vmem>> -> memref<8x8x128xf32, #tpu.memory_space<vmem>>
        tpu.vector_store_idx %scatter3A_295[%add3A_285, %and3A_255, %add3A_258], %gather3A_290 : memref<8x8x128xf32, #tpu.memory_space<vmem>>[vector<16xi32>, vector<16xi32>, vector<16xi32>], vector<16xf32>,
        %gather3A_296 = arith.constant 0 : i32
        %gather3A_297 = arith.constant 0 : i32
        %gather3A_298 = arith.constant 0 : i32
        %gather3A_299 = tpu.memref_slice %arg6[%gather3A_296, %gather3A_297, %gather3A_298] : memref<2x128x64xf32, #tpu.memory_space<vmem>> -> memref<1x128x64xf32, #tpu.memory_space<vmem>>
        %gather3A_300 = tpu.memref_squeeze %gather3A_299 : memref<1x128x64xf32, #tpu.memory_space<vmem>> -> memref<128x64xf32, #tpu.memory_space<vmem>>
        %gather3A_301 = tpu.vector_load_idx %gather3A_300[%add3A_261, %add3A_282] : memref<128x64xf32, #tpu.memory_space<vmem>>[vector<16xi32>, vector<16xi32>], vector<16xf32>,
        %scatter3A_302 = arith.constant 0 : i32
        %scatter3A_303 = arith.constant 0 : i32
        %scatter3A_304 = arith.constant 0 : i32
        %scatter3A_305 = arith.constant 0 : i32
        %scatter3A_306 = tpu.memref_slice %arg7[%scatter3A_302, %scatter3A_303, %scatter3A_304, %scatter3A_305] : memref<2x8x8x128xf32, #tpu.memory_space<vmem>> -> memref<1x8x8x128xf32, #tpu.memory_space<vmem>>
        %scatter3A_307 = tpu.memref_squeeze %scatter3A_306 : memref<1x8x8x128xf32, #tpu.memory_space<vmem>> -> memref<8x8x128xf32, #tpu.memory_space<vmem>>
        tpu.vector_store_idx %scatter3A_307[%add3A_285, %and3A_255, %add3A_261], %gather3A_301 : memref<8x8x128xf32, #tpu.memory_space<vmem>>[vector<16xi32>, vector<16xi32>, vector<16xi32>], vector<16xf32>,
        %gather3A_308 = arith.constant 0 : i32
        %gather3A_309 = arith.constant 0 : i32
        %gather3A_310 = arith.constant 0 : i32
        %gather3A_311 = tpu.memref_slice %arg6[%gather3A_308, %gather3A_309, %gather3A_310] : memref<2x128x64xf32, #tpu.memory_space<vmem>> -> memref<1x128x64xf32, #tpu.memory_space<vmem>>
        %gather3A_312 = tpu.memref_squeeze %gather3A_311 : memref<1x128x64xf32, #tpu.memory_space<vmem>> -> memref<128x64xf32, #tpu.memory_space<vmem>>
        %gather3A_313 = tpu.vector_load_idx %gather3A_312[%add3A_264, %add3A_282] : memref<128x64xf32, #tpu.memory_space<vmem>>[vector<16xi32>, vector<16xi32>], vector<16xf32>,
        %scatter3A_314 = arith.constant 0 : i32
        %scatter3A_315 = arith.constant 0 : i32
        %scatter3A_316 = arith.constant 0 : i32
        %scatter3A_317 = arith.constant 0 : i32
        %scatter3A_318 = tpu.memref_slice %arg7[%scatter3A_314, %scatter3A_315, %scatter3A_316, %scatter3A_317] : memref<2x8x8x128xf32, #tpu.memory_space<vmem>> -> memref<1x8x8x128xf32, #tpu.memory_space<vmem>>
        %scatter3A_319 = tpu.memref_squeeze %scatter3A_318 : memref<1x8x8x128xf32, #tpu.memory_space<vmem>> -> memref<8x8x128xf32, #tpu.memory_space<vmem>>
        tpu.vector_store_idx %scatter3A_319[%add3A_285, %and3A_255, %add3A_264], %gather3A_313 : memref<8x8x128xf32, #tpu.memory_space<vmem>>[vector<16xi32>, vector<16xi32>, vector<16xi32>], vector<16xf32>,
        %gather3A_320 = arith.constant 0 : i32
        %gather3A_321 = arith.constant 0 : i32
        %gather3A_322 = arith.constant 0 : i32
        %gather3A_323 = tpu.memref_slice %arg6[%gather3A_320, %gather3A_321, %gather3A_322] : memref<2x128x64xf32, #tpu.memory_space<vmem>> -> memref<1x128x64xf32, #tpu.memory_space<vmem>>
        %gather3A_324 = tpu.memref_squeeze %gather3A_323 : memref<1x128x64xf32, #tpu.memory_space<vmem>> -> memref<128x64xf32, #tpu.memory_space<vmem>>
        %gather3A_325 = tpu.vector_load_idx %gather3A_324[%add3A_267, %add3A_282] : memref<128x64xf32, #tpu.memory_space<vmem>>[vector<16xi32>, vector<16xi32>], vector<16xf32>,
        %scatter3A_326 = arith.constant 0 : i32
        %scatter3A_327 = arith.constant 0 : i32
        %scatter3A_328 = arith.constant 0 : i32
        %scatter3A_329 = arith.constant 0 : i32
        %scatter3A_330 = tpu.memref_slice %arg7[%scatter3A_326, %scatter3A_327, %scatter3A_328, %scatter3A_329] : memref<2x8x8x128xf32, #tpu.memory_space<vmem>> -> memref<1x8x8x128xf32, #tpu.memory_space<vmem>>
        %scatter3A_331 = tpu.memref_squeeze %scatter3A_330 : memref<1x8x8x128xf32, #tpu.memory_space<vmem>> -> memref<8x8x128xf32, #tpu.memory_space<vmem>>
        tpu.vector_store_idx %scatter3A_331[%add3A_285, %and3A_255, %add3A_267], %gather3A_325 : memref<8x8x128xf32, #tpu.memory_space<vmem>>[vector<16xi32>, vector<16xi32>, vector<16xi32>], vector<16xf32>,
        %gather3A_332 = arith.constant 0 : i32
        %gather3A_333 = arith.constant 0 : i32
        %gather3A_334 = arith.constant 0 : i32
        %gather3A_335 = tpu.memref_slice %arg6[%gather3A_332, %gather3A_333, %gather3A_334] : memref<2x128x64xf32, #tpu.memory_space<vmem>> -> memref<1x128x64xf32, #tpu.memory_space<vmem>>
        %gather3A_336 = tpu.memref_squeeze %gather3A_335 : memref<1x128x64xf32, #tpu.memory_space<vmem>> -> memref<128x64xf32, #tpu.memory_space<vmem>>
        %gather3A_337 = tpu.vector_load_idx %gather3A_336[%add3A_270, %add3A_282] : memref<128x64xf32, #tpu.memory_space<vmem>>[vector<16xi32>, vector<16xi32>], vector<16xf32>,
        %scatter3A_338 = arith.constant 0 : i32
        %scatter3A_339 = arith.constant 0 : i32
        %scatter3A_340 = arith.constant 0 : i32
        %scatter3A_341 = arith.constant 0 : i32
        %scatter3A_342 = tpu.memref_slice %arg7[%scatter3A_338, %scatter3A_339, %scatter3A_340, %scatter3A_341] : memref<2x8x8x128xf32, #tpu.memory_space<vmem>> -> memref<1x8x8x128xf32, #tpu.memory_space<vmem>>
        %scatter3A_343 = tpu.memref_squeeze %scatter3A_342 : memref<1x8x8x128xf32, #tpu.memory_space<vmem>> -> memref<8x8x128xf32, #tpu.memory_space<vmem>>
        tpu.vector_store_idx %scatter3A_343[%add3A_285, %and3A_255, %add3A_270], %gather3A_337 : memref<8x8x128xf32, #tpu.memory_space<vmem>>[vector<16xi32>, vector<16xi32>, vector<16xi32>], vector<16xf32>,
        %gather3A_344 = arith.constant 0 : i32
        %gather3A_345 = arith.constant 0 : i32
        %gather3A_346 = arith.constant 0 : i32
        %gather3A_347 = tpu.memref_slice %arg6[%gather3A_344, %gather3A_345, %gather3A_346] : memref<2x128x64xf32, #tpu.memory_space<vmem>> -> memref<1x128x64xf32, #tpu.memory_space<vmem>>
        %gather3A_348 = tpu.memref_squeeze %gather3A_347 : memref<1x128x64xf32, #tpu.memory_space<vmem>> -> memref<128x64xf32, #tpu.memory_space<vmem>>
        %gather3A_349 = tpu.vector_load_idx %gather3A_348[%add3A_273, %add3A_282] : memref<128x64xf32, #tpu.memory_space<vmem>>[vector<16xi32>, vector<16xi32>], vector<16xf32>,
        %scatter3A_350 = arith.constant 0 : i32
        %scatter3A_351 = arith.constant 0 : i32
        %scatter3A_352 = arith.constant 0 : i32
        %scatter3A_353 = arith.constant 0 : i32
        %scatter3A_354 = tpu.memref_slice %arg7[%scatter3A_350, %scatter3A_351, %scatter3A_352, %scatter3A_353] : memref<2x8x8x128xf32, #tpu.memory_space<vmem>> -> memref<1x8x8x128xf32, #tpu.memory_space<vmem>>
        %scatter3A_355 = tpu.memref_squeeze %scatter3A_354 : memref<1x8x8x128xf32, #tpu.memory_space<vmem>> -> memref<8x8x128xf32, #tpu.memory_space<vmem>>
        tpu.vector_store_idx %scatter3A_355[%add3A_285, %and3A_255, %add3A_273], %gather3A_349 : memref<8x8x128xf32, #tpu.memory_space<vmem>>[vector<16xi32>, vector<16xi32>, vector<16xi32>], vector<16xf32>,
        %gather3A_356 = arith.constant 0 : i32
        %gather3A_357 = arith.constant 0 : i32
        %gather3A_358 = arith.constant 0 : i32
        %gather3A_359 = tpu.memref_slice %arg6[%gather3A_356, %gather3A_357, %gather3A_358] : memref<2x128x64xf32, #tpu.memory_space<vmem>> -> memref<1x128x64xf32, #tpu.memory_space<vmem>>
        %gather3A_360 = tpu.memref_squeeze %gather3A_359 : memref<1x128x64xf32, #tpu.memory_space<vmem>> -> memref<128x64xf32, #tpu.memory_space<vmem>>
        %gather3A_361 = tpu.vector_load_idx %gather3A_360[%add3A_276, %add3A_282] : memref<128x64xf32, #tpu.memory_space<vmem>>[vector<16xi32>, vector<16xi32>], vector<16xf32>,
        %scatter3A_362 = arith.constant 0 : i32
        %scatter3A_363 = arith.constant 0 : i32
        %scatter3A_364 = arith.constant 0 : i32
        %scatter3A_365 = arith.constant 0 : i32
        %scatter3A_366 = tpu.memref_slice %arg7[%scatter3A_362, %scatter3A_363, %scatter3A_364, %scatter3A_365] : memref<2x8x8x128xf32, #tpu.memory_space<vmem>> -> memref<1x8x8x128xf32, #tpu.memory_space<vmem>>
        %scatter3A_367 = tpu.memref_squeeze %scatter3A_366 : memref<1x8x8x128xf32, #tpu.memory_space<vmem>> -> memref<8x8x128xf32, #tpu.memory_space<vmem>>
        tpu.vector_store_idx %scatter3A_367[%add3A_285, %and3A_255, %add3A_276], %gather3A_361 : memref<8x8x128xf32, #tpu.memory_space<vmem>>[vector<16xi32>, vector<16xi32>, vector<16xi32>], vector<16xf32>,
        %gather3A_368 = arith.constant 0 : i32
        %gather3A_369 = arith.constant 0 : i32
        %gather3A_370 = arith.constant 0 : i32
        %gather3A_371 = tpu.memref_slice %arg6[%gather3A_368, %gather3A_369, %gather3A_370] : memref<2x128x64xf32, #tpu.memory_space<vmem>> -> memref<1x128x64xf32, #tpu.memory_space<vmem>>
        %gather3A_372 = tpu.memref_squeeze %gather3A_371 : memref<1x128x64xf32, #tpu.memory_space<vmem>> -> memref<128x64xf32, #tpu.memory_space<vmem>>
        %gather3A_373 = tpu.vector_load_idx %gather3A_372[%add3A_279, %add3A_282] : memref<128x64xf32, #tpu.memory_space<vmem>>[vector<16xi32>, vector<16xi32>], vector<16xf32>,
        %scatter3A_374 = arith.constant 0 : i32
        %scatter3A_375 = arith.constant 0 : i32
        %scatter3A_376 = arith.constant 0 : i32
        %scatter3A_377 = arith.constant 0 : i32
        %scatter3A_378 = tpu.memref_slice %arg7[%scatter3A_374, %scatter3A_375, %scatter3A_376, %scatter3A_377] : memref<2x8x8x128xf32, #tpu.memory_space<vmem>> -> memref<1x8x8x128xf32, #tpu.memory_space<vmem>>
        %scatter3A_379 = tpu.memref_squeeze %scatter3A_378 : memref<1x8x8x128xf32, #tpu.memory_space<vmem>> -> memref<8x8x128xf32, #tpu.memory_space<vmem>>
        tpu.vector_store_idx %scatter3A_379[%add3A_285, %and3A_255, %add3A_279], %gather3A_373 : memref<8x8x128xf32, #tpu.memory_space<vmem>>[vector<16xi32>, vector<16xi32>, vector<16xi32>], vector<16xf32>,
        %add3A_380 = arith.constant 16 : i32
        %add3A_381 = vector.broadcast %add3A_380 : i32 to vector<16xi32>
        %add3A_382 = arith.addi %rem3A_250, %add3A_381 : vector<16xi32>
        %add3A_383 = arith.constant 2 : i32
        %add3A_384 = vector.broadcast %add3A_383 : i32 to vector<16xi32>
        %add3A_385 = arith.addi %shift_right_logical3A_252, %add3A_384 : vector<16xi32>
        %gather3A_386 = arith.constant 0 : i32
        %gather3A_387 = arith.constant 0 : i32
        %gather3A_388 = arith.constant 0 : i32
        %gather3A_389 = tpu.memref_slice %arg6[%gather3A_386, %gather3A_387, %gather3A_388] : memref<2x128x64xf32, #tpu.memory_space<vmem>> -> memref<1x128x64xf32, #tpu.memory_space<vmem>>
        %gather3A_390 = tpu.memref_squeeze %gather3A_389 : memref<1x128x64xf32, #tpu.memory_space<vmem>> -> memref<128x64xf32, #tpu.memory_space<vmem>>
        %gather3A_391 = tpu.vector_load_idx %gather3A_390[%add3A_258, %add3A_382] : memref<128x64xf32, #tpu.memory_space<vmem>>[vector<16xi32>, vector<16xi32>], vector<16xf32>,
        %scatter3A_392 = arith.constant 0 : i32
        %scatter3A_393 = arith.constant 0 : i32
        %scatter3A_394 = arith.constant 0 : i32
        %scatter3A_395 = arith.constant 0 : i32
        %scatter3A_396 = tpu.memref_slice %arg7[%scatter3A_392, %scatter3A_393, %scatter3A_394, %scatter3A_395] : memref<2x8x8x128xf32, #tpu.memory_space<vmem>> -> memref<1x8x8x128xf32, #tpu.memory_space<vmem>>
        %scatter3A_397 = tpu.memref_squeeze %scatter3A_396 : memref<1x8x8x128xf32, #tpu.memory_space<vmem>> -> memref<8x8x128xf32, #tpu.memory_space<vmem>>
        tpu.vector_store_idx %scatter3A_397[%add3A_385, %and3A_255, %add3A_258], %gather3A_391 : memref<8x8x128xf32, #tpu.memory_space<vmem>>[vector<16xi32>, vector<16xi32>, vector<16xi32>], vector<16xf32>,
        %gather3A_398 = arith.constant 0 : i32
        %gather3A_399 = arith.constant 0 : i32
        %gather3A_400 = arith.constant 0 : i32
        %gather3A_401 = tpu.memref_slice %arg6[%gather3A_398, %gather3A_399, %gather3A_400] : memref<2x128x64xf32, #tpu.memory_space<vmem>> -> memref<1x128x64xf32, #tpu.memory_space<vmem>>
        %gather3A_402 = tpu.memref_squeeze %gather3A_401 : memref<1x128x64xf32, #tpu.memory_space<vmem>> -> memref<128x64xf32, #tpu.memory_space<vmem>>
        %gather3A_403 = tpu.vector_load_idx %gather3A_402[%add3A_261, %add3A_382] : memref<128x64xf32, #tpu.memory_space<vmem>>[vector<16xi32>, vector<16xi32>], vector<16xf32>,
        %scatter3A_404 = arith.constant 0 : i32
        %scatter3A_405 = arith.constant 0 : i32
        %scatter3A_406 = arith.constant 0 : i32
        %scatter3A_407 = arith.constant 0 : i32
        %scatter3A_408 = tpu.memref_slice %arg7[%scatter3A_404, %scatter3A_405, %scatter3A_406, %scatter3A_407] : memref<2x8x8x128xf32, #tpu.memory_space<vmem>> -> memref<1x8x8x128xf32, #tpu.memory_space<vmem>>
        %scatter3A_409 = tpu.memref_squeeze %scatter3A_408 : memref<1x8x8x128xf32, #tpu.memory_space<vmem>> -> memref<8x8x128xf32, #tpu.memory_space<vmem>>
        tpu.vector_store_idx %scatter3A_409[%add3A_385, %and3A_255, %add3A_261], %gather3A_403 : memref<8x8x128xf32, #tpu.memory_space<vmem>>[vector<16xi32>, vector<16xi32>, vector<16xi32>], vector<16xf32>,
        %gather3A_410 = arith.constant 0 : i32
        %gather3A_411 = arith.constant 0 : i32
        %gather3A_412 = arith.constant 0 : i32
        %gather3A_413 = tpu.memref_slice %arg6[%gather3A_410, %gather3A_411, %gather3A_412] : memref<2x128x64xf32, #tpu.memory_space<vmem>> -> memref<1x128x64xf32, #tpu.memory_space<vmem>>
        %gather3A_414 = tpu.memref_squeeze %gather3A_413 : memref<1x128x64xf32, #tpu.memory_space<vmem>> -> memref<128x64xf32, #tpu.memory_space<vmem>>
        %gather3A_415 = tpu.vector_load_idx %gather3A_414[%add3A_264, %add3A_382] : memref<128x64xf32, #tpu.memory_space<vmem>>[vector<16xi32>, vector<16xi32>], vector<16xf32>,
        %scatter3A_416 = arith.constant 0 : i32
        %scatter3A_417 = arith.constant 0 : i32
        %scatter3A_418 = arith.constant 0 : i32
        %scatter3A_419 = arith.constant 0 : i32
        %scatter3A_420 = tpu.memref_slice %arg7[%scatter3A_416, %scatter3A_417, %scatter3A_418, %scatter3A_419] : memref<2x8x8x128xf32, #tpu.memory_space<vmem>> -> memref<1x8x8x128xf32, #tpu.memory_space<vmem>>
        %scatter3A_421 = tpu.memref_squeeze %scatter3A_420 : memref<1x8x8x128xf32, #tpu.memory_space<vmem>> -> memref<8x8x128xf32, #tpu.memory_space<vmem>>
        tpu.vector_store_idx %scatter3A_421[%add3A_385, %and3A_255, %add3A_264], %gather3A_415 : memref<8x8x128xf32, #tpu.memory_space<vmem>>[vector<16xi32>, vector<16xi32>, vector<16xi32>], vector<16xf32>,
        %gather3A_422 = arith.constant 0 : i32
        %gather3A_423 = arith.constant 0 : i32
        %gather3A_424 = arith.constant 0 : i32
        %gather3A_425 = tpu.memref_slice %arg6[%gather3A_422, %gather3A_423, %gather3A_424] : memref<2x128x64xf32, #tpu.memory_space<vmem>> -> memref<1x128x64xf32, #tpu.memory_space<vmem>>
        %gather3A_426 = tpu.memref_squeeze %gather3A_425 : memref<1x128x64xf32, #tpu.memory_space<vmem>> -> memref<128x64xf32, #tpu.memory_space<vmem>>
        %gather3A_427 = tpu.vector_load_idx %gather3A_426[%add3A_267, %add3A_382] : memref<128x64xf32, #tpu.memory_space<vmem>>[vector<16xi32>, vector<16xi32>], vector<16xf32>,
        %scatter3A_428 = arith.constant 0 : i32
        %scatter3A_429 = arith.constant 0 : i32
        %scatter3A_430 = arith.constant 0 : i32
        %scatter3A_431 = arith.constant 0 : i32
        %scatter3A_432 = tpu.memref_slice %arg7[%scatter3A_428, %scatter3A_429, %scatter3A_430, %scatter3A_431] : memref<2x8x8x128xf32, #tpu.memory_space<vmem>> -> memref<1x8x8x128xf32, #tpu.memory_space<vmem>>
        %scatter3A_433 = tpu.memref_squeeze %scatter3A_432 : memref<1x8x8x128xf32, #tpu.memory_space<vmem>> -> memref<8x8x128xf32, #tpu.memory_space<vmem>>
        tpu.vector_store_idx %scatter3A_433[%add3A_385, %and3A_255, %add3A_267], %gather3A_427 : memref<8x8x128xf32, #tpu.memory_space<vmem>>[vector<16xi32>, vector<16xi32>, vector<16xi32>], vector<16xf32>,
        %gather3A_434 = arith.constant 0 : i32
        %gather3A_435 = arith.constant 0 : i32
        %gather3A_436 = arith.constant 0 : i32
        %gather3A_437 = tpu.memref_slice %arg6[%gather3A_434, %gather3A_435, %gather3A_436] : memref<2x128x64xf32, #tpu.memory_space<vmem>> -> memref<1x128x64xf32, #tpu.memory_space<vmem>>
        %gather3A_438 = tpu.memref_squeeze %gather3A_437 : memref<1x128x64xf32, #tpu.memory_space<vmem>> -> memref<128x64xf32, #tpu.memory_space<vmem>>
        %gather3A_439 = tpu.vector_load_idx %gather3A_438[%add3A_270, %add3A_382] : memref<128x64xf32, #tpu.memory_space<vmem>>[vector<16xi32>, vector<16xi32>], vector<16xf32>,
        %scatter3A_440 = arith.constant 0 : i32
        %scatter3A_441 = arith.constant 0 : i32
        %scatter3A_442 = arith.constant 0 : i32
        %scatter3A_443 = arith.constant 0 : i32
        %scatter3A_444 = tpu.memref_slice %arg7[%scatter3A_440, %scatter3A_441, %scatter3A_442, %scatter3A_443] : memref<2x8x8x128xf32, #tpu.memory_space<vmem>> -> memref<1x8x8x128xf32, #tpu.memory_space<vmem>>
        %scatter3A_445 = tpu.memref_squeeze %scatter3A_444 : memref<1x8x8x128xf32, #tpu.memory_space<vmem>> -> memref<8x8x128xf32, #tpu.memory_space<vmem>>
        tpu.vector_store_idx %scatter3A_445[%add3A_385, %and3A_255, %add3A_270], %gather3A_439 : memref<8x8x128xf32, #tpu.memory_space<vmem>>[vector<16xi32>, vector<16xi32>, vector<16xi32>], vector<16xf32>,
        %gather3A_446 = arith.constant 0 : i32
        %gather3A_447 = arith.constant 0 : i32
        %gather3A_448 = arith.constant 0 : i32
        %gather3A_449 = tpu.memref_slice %arg6[%gather3A_446, %gather3A_447, %gather3A_448] : memref<2x128x64xf32, #tpu.memory_space<vmem>> -> memref<1x128x64xf32, #tpu.memory_space<vmem>>
        %gather3A_450 = tpu.memref_squeeze %gather3A_449 : memref<1x128x64xf32, #tpu.memory_space<vmem>> -> memref<128x64xf32, #tpu.memory_space<vmem>>
        %gather3A_451 = tpu.vector_load_idx %gather3A_450[%add3A_273, %add3A_382] : memref<128x64xf32, #tpu.memory_space<vmem>>[vector<16xi32>, vector<16xi32>], vector<16xf32>,
        %scatter3A_452 = arith.constant 0 : i32
        %scatter3A_453 = arith.constant 0 : i32
        %scatter3A_454 = arith.constant 0 : i32
        %scatter3A_455 = arith.constant 0 : i32
        %scatter3A_456 = tpu.memref_slice %arg7[%scatter3A_452, %scatter3A_453, %scatter3A_454, %scatter3A_455] : memref<2x8x8x128xf32, #tpu.memory_space<vmem>> -> memref<1x8x8x128xf32, #tpu.memory_space<vmem>>
        %scatter3A_457 = tpu.memref_squeeze %scatter3A_456 : memref<1x8x8x128xf32, #tpu.memory_space<vmem>> -> memref<8x8x128xf32, #tpu.memory_space<vmem>>
        tpu.vector_store_idx %scatter3A_457[%add3A_385, %and3A_255, %add3A_273], %gather3A_451 : memref<8x8x128xf32, #tpu.memory_space<vmem>>[vector<16xi32>, vector<16xi32>, vector<16xi32>], vector<16xf32>,
        %gather3A_458 = arith.constant 0 : i32
        %gather3A_459 = arith.constant 0 : i32
        %gather3A_460 = arith.constant 0 : i32
        %gather3A_461 = tpu.memref_slice %arg6[%gather3A_458, %gather3A_459, %gather3A_460] : memref<2x128x64xf32, #tpu.memory_space<vmem>> -> memref<1x128x64xf32, #tpu.memory_space<vmem>>
        %gather3A_462 = tpu.memref_squeeze %gather3A_461 : memref<1x128x64xf32, #tpu.memory_space<vmem>> -> memref<128x64xf32, #tpu.memory_space<vmem>>
        %gather3A_463 = tpu.vector_load_idx %gather3A_462[%add3A_276, %add3A_382] : memref<128x64xf32, #tpu.memory_space<vmem>>[vector<16xi32>, vector<16xi32>], vector<16xf32>,
        %scatter3A_464 = arith.constant 0 : i32
        %scatter3A_465 = arith.constant 0 : i32
        %scatter3A_466 = arith.constant 0 : i32
        %scatter3A_467 = arith.constant 0 : i32
        %scatter3A_468 = tpu.memref_slice %arg7[%scatter3A_464, %scatter3A_465, %scatter3A_466, %scatter3A_467] : memref<2x8x8x128xf32, #tpu.memory_space<vmem>> -> memref<1x8x8x128xf32, #tpu.memory_space<vmem>>
        %scatter3A_469 = tpu.memref_squeeze %scatter3A_468 : memref<1x8x8x128xf32, #tpu.memory_space<vmem>> -> memref<8x8x128xf32, #tpu.memory_space<vmem>>
        tpu.vector_store_idx %scatter3A_469[%add3A_385, %and3A_255, %add3A_276], %gather3A_463 : memref<8x8x128xf32, #tpu.memory_space<vmem>>[vector<16xi32>, vector<16xi32>, vector<16xi32>], vector<16xf32>,
        %gather3A_470 = arith.constant 0 : i32
        %gather3A_471 = arith.constant 0 : i32
        %gather3A_472 = arith.constant 0 : i32
        %gather3A_473 = tpu.memref_slice %arg6[%gather3A_470, %gather3A_471, %gather3A_472] : memref<2x128x64xf32, #tpu.memory_space<vmem>> -> memref<1x128x64xf32, #tpu.memory_space<vmem>>
        %gather3A_474 = tpu.memref_squeeze %gather3A_473 : memref<1x128x64xf32, #tpu.memory_space<vmem>> -> memref<128x64xf32, #tpu.memory_space<vmem>>
        %gather3A_475 = tpu.vector_load_idx %gather3A_474[%add3A_279, %add3A_382] : memref<128x64xf32, #tpu.memory_space<vmem>>[vector<16xi32>, vector<16xi32>], vector<16xf32>,
        %scatter3A_476 = arith.constant 0 : i32
        %scatter3A_477 = arith.constant 0 : i32
        %scatter3A_478 = arith.constant 0 : i32
        %scatter3A_479 = arith.constant 0 : i32
        %scatter3A_480 = tpu.memref_slice %arg7[%scatter3A_476, %scatter3A_477, %scatter3A_478, %scatter3A_479] : memref<2x8x8x128xf32, #tpu.memory_space<vmem>> -> memref<1x8x8x128xf32, #tpu.memory_space<vmem>>
        %scatter3A_481 = tpu.memref_squeeze %scatter3A_480 : memref<1x8x8x128xf32, #tpu.memory_space<vmem>> -> memref<8x8x128xf32, #tpu.memory_space<vmem>>
        tpu.vector_store_idx %scatter3A_481[%add3A_385, %and3A_255, %add3A_279], %gather3A_475 : memref<8x8x128xf32, #tpu.memory_space<vmem>>[vector<16xi32>, vector<16xi32>, vector<16xi32>], vector<16xf32>,
        %add3A_482 = arith.constant 32 : i32
        %add3A_483 = vector.broadcast %add3A_482 : i32 to vector<16xi32>
        %add3A_484 = arith.addi %rem3A_250, %add3A_483 : vector<16xi32>
        %add3A_485 = arith.constant 4 : i32
        %add3A_486 = vector.broadcast %add3A_485 : i32 to vector<16xi32>
        %add3A_487 = arith.addi %shift_right_logical3A_252, %add3A_486 : vector<16xi32>
        %gather3A_488 = arith.constant 0 : i32
        %gather3A_489 = arith.constant 0 : i32
        %gather3A_490 = arith.constant 0 : i32
        %gather3A_491 = tpu.memref_slice %arg6[%gather3A_488, %gather3A_489, %gather3A_490] : memref<2x128x64xf32, #tpu.memory_space<vmem>> -> memref<1x128x64xf32, #tpu.memory_space<vmem>>
        %gather3A_492 = tpu.memref_squeeze %gather3A_491 : memref<1x128x64xf32, #tpu.memory_space<vmem>> -> memref<128x64xf32, #tpu.memory_space<vmem>>
        %gather3A_493 = tpu.vector_load_idx %gather3A_492[%add3A_258, %add3A_484] : memref<128x64xf32, #tpu.memory_space<vmem>>[vector<16xi32>, vector<16xi32>], vector<16xf32>,
        %scatter3A_494 = arith.constant 0 : i32
        %scatter3A_495 = arith.constant 0 : i32
        %scatter3A_496 = arith.constant 0 : i32
        %scatter3A_497 = arith.constant 0 : i32
        %scatter3A_498 = tpu.memref_slice %arg7[%scatter3A_494, %scatter3A_495, %scatter3A_496, %scatter3A_497] : memref<2x8x8x128xf32, #tpu.memory_space<vmem>> -> memref<1x8x8x128xf32, #tpu.memory_space<vmem>>
        %scatter3A_499 = tpu.memref_squeeze %scatter3A_498 : memref<1x8x8x128xf32, #tpu.memory_space<vmem>> -> memref<8x8x128xf32, #tpu.memory_space<vmem>>
        tpu.vector_store_idx %scatter3A_499[%add3A_487, %and3A_255, %add3A_258], %gather3A_493 : memref<8x8x128xf32, #tpu.memory_space<vmem>>[vector<16xi32>, vector<16xi32>, vector<16xi32>], vector<16xf32>,
        %gather3A_500 = arith.constant 0 : i32
        %gather3A_501 = arith.constant 0 : i32
        %gather3A_502 = arith.constant 0 : i32
        %gather3A_503 = tpu.memref_slice %arg6[%gather3A_500, %gather3A_501, %gather3A_502] : memref<2x128x64xf32, #tpu.memory_space<vmem>> -> memref<1x128x64xf32, #tpu.memory_space<vmem>>
        %gather3A_504 = tpu.memref_squeeze %gather3A_503 : memref<1x128x64xf32, #tpu.memory_space<vmem>> -> memref<128x64xf32, #tpu.memory_space<vmem>>
        %gather3A_505 = tpu.vector_load_idx %gather3A_504[%add3A_261, %add3A_484] : memref<128x64xf32, #tpu.memory_space<vmem>>[vector<16xi32>, vector<16xi32>], vector<16xf32>,
        %scatter3A_506 = arith.constant 0 : i32
        %scatter3A_507 = arith.constant 0 : i32
        %scatter3A_508 = arith.constant 0 : i32
        %scatter3A_509 = arith.constant 0 : i32
        %scatter3A_510 = tpu.memref_slice %arg7[%scatter3A_506, %scatter3A_507, %scatter3A_508, %scatter3A_509] : memref<2x8x8x128xf32, #tpu.memory_space<vmem>> -> memref<1x8x8x128xf32, #tpu.memory_space<vmem>>
        %scatter3A_511 = tpu.memref_squeeze %scatter3A_510 : memref<1x8x8x128xf32, #tpu.memory_space<vmem>> -> memref<8x8x128xf32, #tpu.memory_space<vmem>>
        tpu.vector_store_idx %scatter3A_511[%add3A_487, %and3A_255, %add3A_261], %gather3A_505 : memref<8x8x128xf32, #tpu.memory_space<vmem>>[vector<16xi32>, vector<16xi32>, vector<16xi32>], vector<16xf32>,
        %gather3A_512 = arith.constant 0 : i32
        %gather3A_513 = arith.constant 0 : i32
        %gather3A_514 = arith.constant 0 : i32
        %gather3A_515 = tpu.memref_slice %arg6[%gather3A_512, %gather3A_513, %gather3A_514] : memref<2x128x64xf32, #tpu.memory_space<vmem>> -> memref<1x128x64xf32, #tpu.memory_space<vmem>>
        %gather3A_516 = tpu.memref_squeeze %gather3A_515 : memref<1x128x64xf32, #tpu.memory_space<vmem>> -> memref<128x64xf32, #tpu.memory_space<vmem>>
        %gather3A_517 = tpu.vector_load_idx %gather3A_516[%add3A_264, %add3A_484] : memref<128x64xf32, #tpu.memory_space<vmem>>[vector<16xi32>, vector<16xi32>], vector<16xf32>,
        %scatter3A_518 = arith.constant 0 : i32
        %scatter3A_519 = arith.constant 0 : i32
        %scatter3A_520 = arith.constant 0 : i32
        %scatter3A_521 = arith.constant 0 : i32
        %scatter3A_522 = tpu.memref_slice %arg7[%scatter3A_518, %scatter3A_519, %scatter3A_520, %scatter3A_521] : memref<2x8x8x128xf32, #tpu.memory_space<vmem>> -> memref<1x8x8x128xf32, #tpu.memory_space<vmem>>
        %scatter3A_523 = tpu.memref_squeeze %scatter3A_522 : memref<1x8x8x128xf32, #tpu.memory_space<vmem>> -> memref<8x8x128xf32, #tpu.memory_space<vmem>>
        tpu.vector_store_idx %scatter3A_523[%add3A_487, %and3A_255, %add3A_264], %gather3A_517 : memref<8x8x128xf32, #tpu.memory_space<vmem>>[vector<16xi32>, vector<16xi32>, vector<16xi32>], vector<16xf32>,
        %gather3A_524 = arith.constant 0 : i32
        %gather3A_525 = arith.constant 0 : i32
        %gather3A_526 = arith.constant 0 : i32
        %gather3A_527 = tpu.memref_slice %arg6[%gather3A_524, %gather3A_525, %gather3A_526] : memref<2x128x64xf32, #tpu.memory_space<vmem>> -> memref<1x128x64xf32, #tpu.memory_space<vmem>>
        %gather3A_528 = tpu.memref_squeeze %gather3A_527 : memref<1x128x64xf32, #tpu.memory_space<vmem>> -> memref<128x64xf32, #tpu.memory_space<vmem>>
        %gather3A_529 = tpu.vector_load_idx %gather3A_528[%add3A_267, %add3A_484] : memref<128x64xf32, #tpu.memory_space<vmem>>[vector<16xi32>, vector<16xi32>], vector<16xf32>,
        %scatter3A_530 = arith.constant 0 : i32
        %scatter3A_531 = arith.constant 0 : i32
        %scatter3A_532 = arith.constant 0 : i32
        %scatter3A_533 = arith.constant 0 : i32
        %scatter3A_534 = tpu.memref_slice %arg7[%scatter3A_530, %scatter3A_531, %scatter3A_532, %scatter3A_533] : memref<2x8x8x128xf32, #tpu.memory_space<vmem>> -> memref<1x8x8x128xf32, #tpu.memory_space<vmem>>
        %scatter3A_535 = tpu.memref_squeeze %scatter3A_534 : memref<1x8x8x128xf32, #tpu.memory_space<vmem>> -> memref<8x8x128xf32, #tpu.memory_space<vmem>>
        tpu.vector_store_idx %scatter3A_535[%add3A_487, %and3A_255, %add3A_267], %gather3A_529 : memref<8x8x128xf32, #tpu.memory_space<vmem>>[vector<16xi32>, vector<16xi32>, vector<16xi32>], vector<16xf32>,
        %gather3A_536 = arith.constant 0 : i32
        %gather3A_537 = arith.constant 0 : i32
        %gather3A_538 = arith.constant 0 : i32
        %gather3A_539 = tpu.memref_slice %arg6[%gather3A_536, %gather3A_537, %gather3A_538] : memref<2x128x64xf32, #tpu.memory_space<vmem>> -> memref<1x128x64xf32, #tpu.memory_space<vmem>>
        %gather3A_540 = tpu.memref_squeeze %gather3A_539 : memref<1x128x64xf32, #tpu.memory_space<vmem>> -> memref<128x64xf32, #tpu.memory_space<vmem>>
        %gather3A_541 = tpu.vector_load_idx %gather3A_540[%add3A_270, %add3A_484] : memref<128x64xf32, #tpu.memory_space<vmem>>[vector<16xi32>, vector<16xi32>], vector<16xf32>,
        %scatter3A_542 = arith.constant 0 : i32
        %scatter3A_543 = arith.constant 0 : i32
        %scatter3A_544 = arith.constant 0 : i32
        %scatter3A_545 = arith.constant 0 : i32
        %scatter3A_546 = tpu.memref_slice %arg7[%scatter3A_542, %scatter3A_543, %scatter3A_544, %scatter3A_545] : memref<2x8x8x128xf32, #tpu.memory_space<vmem>> -> memref<1x8x8x128xf32, #tpu.memory_space<vmem>>
        %scatter3A_547 = tpu.memref_squeeze %scatter3A_546 : memref<1x8x8x128xf32, #tpu.memory_space<vmem>> -> memref<8x8x128xf32, #tpu.memory_space<vmem>>
        tpu.vector_store_idx %scatter3A_547[%add3A_487, %and3A_255, %add3A_270], %gather3A_541 : memref<8x8x128xf32, #tpu.memory_space<vmem>>[vector<16xi32>, vector<16xi32>, vector<16xi32>], vector<16xf32>,
        %gather3A_548 = arith.constant 0 : i32
        %gather3A_549 = arith.constant 0 : i32
        %gather3A_550 = arith.constant 0 : i32
        %gather3A_551 = tpu.memref_slice %arg6[%gather3A_548, %gather3A_549, %gather3A_550] : memref<2x128x64xf32, #tpu.memory_space<vmem>> -> memref<1x128x64xf32, #tpu.memory_space<vmem>>
        %gather3A_552 = tpu.memref_squeeze %gather3A_551 : memref<1x128x64xf32, #tpu.memory_space<vmem>> -> memref<128x64xf32, #tpu.memory_space<vmem>>
        %gather3A_553 = tpu.vector_load_idx %gather3A_552[%add3A_273, %add3A_484] : memref<128x64xf32, #tpu.memory_space<vmem>>[vector<16xi32>, vector<16xi32>], vector<16xf32>,
        %scatter3A_554 = arith.constant 0 : i32
        %scatter3A_555 = arith.constant 0 : i32
        %scatter3A_556 = arith.constant 0 : i32
        %scatter3A_557 = arith.constant 0 : i32
        %scatter3A_558 = tpu.memref_slice %arg7[%scatter3A_554, %scatter3A_555, %scatter3A_556, %scatter3A_557] : memref<2x8x8x128xf32, #tpu.memory_space<vmem>> -> memref<1x8x8x128xf32, #tpu.memory_space<vmem>>
        %scatter3A_559 = tpu.memref_squeeze %scatter3A_558 : memref<1x8x8x128xf32, #tpu.memory_space<vmem>> -> memref<8x8x128xf32, #tpu.memory_space<vmem>>
        tpu.vector_store_idx %scatter3A_559[%add3A_487, %and3A_255, %add3A_273], %gather3A_553 : memref<8x8x128xf32, #tpu.memory_space<vmem>>[vector<16xi32>, vector<16xi32>, vector<16xi32>], vector<16xf32>,
        %gather3A_560 = arith.constant 0 : i32
        %gather3A_561 = arith.constant 0 : i32
        %gather3A_562 = arith.constant 0 : i32
        %gather3A_563 = tpu.memref_slice %arg6[%gather3A_560, %gather3A_561, %gather3A_562] : memref<2x128x64xf32, #tpu.memory_space<vmem>> -> memref<1x128x64xf32, #tpu.memory_space<vmem>>
        %gather3A_564 = tpu.memref_squeeze %gather3A_563 : memref<1x128x64xf32, #tpu.memory_space<vmem>> -> memref<128x64xf32, #tpu.memory_space<vmem>>
        %gather3A_565 = tpu.vector_load_idx %gather3A_564[%add3A_276, %add3A_484] : memref<128x64xf32, #tpu.memory_space<vmem>>[vector<16xi32>, vector<16xi32>], vector<16xf32>,
        %scatter3A_566 = arith.constant 0 : i32
        %scatter3A_567 = arith.constant 0 : i32
        %scatter3A_568 = arith.constant 0 : i32
        %scatter3A_569 = arith.constant 0 : i32
        %scatter3A_570 = tpu.memref_slice %arg7[%scatter3A_566, %scatter3A_567, %scatter3A_568, %scatter3A_569] : memref<2x8x8x128xf32, #tpu.memory_space<vmem>> -> memref<1x8x8x128xf32, #tpu.memory_space<vmem>>
        %scatter3A_571 = tpu.memref_squeeze %scatter3A_570 : memref<1x8x8x128xf32, #tpu.memory_space<vmem>> -> memref<8x8x128xf32, #tpu.memory_space<vmem>>
        tpu.vector_store_idx %scatter3A_571[%add3A_487, %and3A_255, %add3A_276], %gather3A_565 : memref<8x8x128xf32, #tpu.memory_space<vmem>>[vector<16xi32>, vector<16xi32>, vector<16xi32>], vector<16xf32>,
        %gather3A_572 = arith.constant 0 : i32
        %gather3A_573 = arith.constant 0 : i32
        %gather3A_574 = arith.constant 0 : i32
        %gather3A_575 = tpu.memref_slice %arg6[%gather3A_572, %gather3A_573, %gather3A_574] : memref<2x128x64xf32, #tpu.memory_space<vmem>> -> memref<1x128x64xf32, #tpu.memory_space<vmem>>
        %gather3A_576 = tpu.memref_squeeze %gather3A_575 : memref<1x128x64xf32, #tpu.memory_space<vmem>> -> memref<128x64xf32, #tpu.memory_space<vmem>>
        %gather3A_577 = tpu.vector_load_idx %gather3A_576[%add3A_279, %add3A_484] : memref<128x64xf32, #tpu.memory_space<vmem>>[vector<16xi32>, vector<16xi32>], vector<16xf32>,
        %scatter3A_578 = arith.constant 0 : i32
        %scatter3A_579 = arith.constant 0 : i32
        %scatter3A_580 = arith.constant 0 : i32
        %scatter3A_581 = arith.constant 0 : i32
        %scatter3A_582 = tpu.memref_slice %arg7[%scatter3A_578, %scatter3A_579, %scatter3A_580, %scatter3A_581] : memref<2x8x8x128xf32, #tpu.memory_space<vmem>> -> memref<1x8x8x128xf32, #tpu.memory_space<vmem>>
        %scatter3A_583 = tpu.memref_squeeze %scatter3A_582 : memref<1x8x8x128xf32, #tpu.memory_space<vmem>> -> memref<8x8x128xf32, #tpu.memory_space<vmem>>
        tpu.vector_store_idx %scatter3A_583[%add3A_487, %and3A_255, %add3A_279], %gather3A_577 : memref<8x8x128xf32, #tpu.memory_space<vmem>>[vector<16xi32>, vector<16xi32>, vector<16xi32>], vector<16xf32>,
        %add3A_584 = arith.constant 48 : i32
        %add3A_585 = vector.broadcast %add3A_584 : i32 to vector<16xi32>
        %add3A_586 = arith.addi %rem3A_250, %add3A_585 : vector<16xi32>
        %add3A_587 = arith.constant 6 : i32
        %add3A_588 = vector.broadcast %add3A_587 : i32 to vector<16xi32>
        %add3A_589 = arith.addi %shift_right_logical3A_252, %add3A_588 : vector<16xi32>
        %gather3A_590 = arith.constant 0 : i32
        %gather3A_591 = arith.constant 0 : i32
        %gather3A_592 = arith.constant 0 : i32
        %gather3A_593 = tpu.memref_slice %arg6[%gather3A_590, %gather3A_591, %gather3A_592] : memref<2x128x64xf32, #tpu.memory_space<vmem>> -> memref<1x128x64xf32, #tpu.memory_space<vmem>>
        %gather3A_594 = tpu.memref_squeeze %gather3A_593 : memref<1x128x64xf32, #tpu.memory_space<vmem>> -> memref<128x64xf32, #tpu.memory_space<vmem>>
        %gather3A_595 = tpu.vector_load_idx %gather3A_594[%add3A_258, %add3A_586] : memref<128x64xf32, #tpu.memory_space<vmem>>[vector<16xi32>, vector<16xi32>], vector<16xf32>,
        %scatter3A_596 = arith.constant 0 : i32
        %scatter3A_597 = arith.constant 0 : i32
        %scatter3A_598 = arith.constant 0 : i32
        %scatter3A_599 = arith.constant 0 : i32
        %scatter3A_600 = tpu.memref_slice %arg7[%scatter3A_596, %scatter3A_597, %scatter3A_598, %scatter3A_599] : memref<2x8x8x128xf32, #tpu.memory_space<vmem>> -> memref<1x8x8x128xf32, #tpu.memory_space<vmem>>
        %scatter3A_601 = tpu.memref_squeeze %scatter3A_600 : memref<1x8x8x128xf32, #tpu.memory_space<vmem>> -> memref<8x8x128xf32, #tpu.memory_space<vmem>>
        tpu.vector_store_idx %scatter3A_601[%add3A_589, %and3A_255, %add3A_258], %gather3A_595 : memref<8x8x128xf32, #tpu.memory_space<vmem>>[vector<16xi32>, vector<16xi32>, vector<16xi32>], vector<16xf32>,
        %gather3A_602 = arith.constant 0 : i32
        %gather3A_603 = arith.constant 0 : i32
        %gather3A_604 = arith.constant 0 : i32
        %gather3A_605 = tpu.memref_slice %arg6[%gather3A_602, %gather3A_603, %gather3A_604] : memref<2x128x64xf32, #tpu.memory_space<vmem>> -> memref<1x128x64xf32, #tpu.memory_space<vmem>>
        %gather3A_606 = tpu.memref_squeeze %gather3A_605 : memref<1x128x64xf32, #tpu.memory_space<vmem>> -> memref<128x64xf32, #tpu.memory_space<vmem>>
        %gather3A_607 = tpu.vector_load_idx %gather3A_606[%add3A_261, %add3A_586] : memref<128x64xf32, #tpu.memory_space<vmem>>[vector<16xi32>, vector<16xi32>], vector<16xf32>,
        %scatter3A_608 = arith.constant 0 : i32
        %scatter3A_609 = arith.constant 0 : i32
        %scatter3A_610 = arith.constant 0 : i32
        %scatter3A_611 = arith.constant 0 : i32
        %scatter3A_612 = tpu.memref_slice %arg7[%scatter3A_608, %scatter3A_609, %scatter3A_610, %scatter3A_611] : memref<2x8x8x128xf32, #tpu.memory_space<vmem>> -> memref<1x8x8x128xf32, #tpu.memory_space<vmem>>
        %scatter3A_613 = tpu.memref_squeeze %scatter3A_612 : memref<1x8x8x128xf32, #tpu.memory_space<vmem>> -> memref<8x8x128xf32, #tpu.memory_space<vmem>>
        tpu.vector_store_idx %scatter3A_613[%add3A_589, %and3A_255, %add3A_261], %gather3A_607 : memref<8x8x128xf32, #tpu.memory_space<vmem>>[vector<16xi32>, vector<16xi32>, vector<16xi32>], vector<16xf32>,
        %gather3A_614 = arith.constant 0 : i32
        %gather3A_615 = arith.constant 0 : i32
        %gather3A_616 = arith.constant 0 : i32
        %gather3A_617 = tpu.memref_slice %arg6[%gather3A_614, %gather3A_615, %gather3A_616] : memref<2x128x64xf32, #tpu.memory_space<vmem>> -> memref<1x128x64xf32, #tpu.memory_space<vmem>>
        %gather3A_618 = tpu.memref_squeeze %gather3A_617 : memref<1x128x64xf32, #tpu.memory_space<vmem>> -> memref<128x64xf32, #tpu.memory_space<vmem>>
        %gather3A_619 = tpu.vector_load_idx %gather3A_618[%add3A_264, %add3A_586] : memref<128x64xf32, #tpu.memory_space<vmem>>[vector<16xi32>, vector<16xi32>], vector<16xf32>,
        %scatter3A_620 = arith.constant 0 : i32
        %scatter3A_621 = arith.constant 0 : i32
        %scatter3A_622 = arith.constant 0 : i32
        %scatter3A_623 = arith.constant 0 : i32
        %scatter3A_624 = tpu.memref_slice %arg7[%scatter3A_620, %scatter3A_621, %scatter3A_622, %scatter3A_623] : memref<2x8x8x128xf32, #tpu.memory_space<vmem>> -> memref<1x8x8x128xf32, #tpu.memory_space<vmem>>
        %scatter3A_625 = tpu.memref_squeeze %scatter3A_624 : memref<1x8x8x128xf32, #tpu.memory_space<vmem>> -> memref<8x8x128xf32, #tpu.memory_space<vmem>>
        tpu.vector_store_idx %scatter3A_625[%add3A_589, %and3A_255, %add3A_264], %gather3A_619 : memref<8x8x128xf32, #tpu.memory_space<vmem>>[vector<16xi32>, vector<16xi32>, vector<16xi32>], vector<16xf32>,
        %gather3A_626 = arith.constant 0 : i32
        %gather3A_627 = arith.constant 0 : i32
        %gather3A_628 = arith.constant 0 : i32
        %gather3A_629 = tpu.memref_slice %arg6[%gather3A_626, %gather3A_627, %gather3A_628] : memref<2x128x64xf32, #tpu.memory_space<vmem>> -> memref<1x128x64xf32, #tpu.memory_space<vmem>>
        %gather3A_630 = tpu.memref_squeeze %gather3A_629 : memref<1x128x64xf32, #tpu.memory_space<vmem>> -> memref<128x64xf32, #tpu.memory_space<vmem>>
        %gather3A_631 = tpu.vector_load_idx %gather3A_630[%add3A_267, %add3A_586] : memref<128x64xf32, #tpu.memory_space<vmem>>[vector<16xi32>, vector<16xi32>], vector<16xf32>,
        %scatter3A_632 = arith.constant 0 : i32
        %scatter3A_633 = arith.constant 0 : i32
        %scatter3A_634 = arith.constant 0 : i32
        %scatter3A_635 = arith.constant 0 : i32
        %scatter3A_636 = tpu.memref_slice %arg7[%scatter3A_632, %scatter3A_633, %scatter3A_634, %scatter3A_635] : memref<2x8x8x128xf32, #tpu.memory_space<vmem>> -> memref<1x8x8x128xf32, #tpu.memory_space<vmem>>
        %scatter3A_637 = tpu.memref_squeeze %scatter3A_636 : memref<1x8x8x128xf32, #tpu.memory_space<vmem>> -> memref<8x8x128xf32, #tpu.memory_space<vmem>>
        tpu.vector_store_idx %scatter3A_637[%add3A_589, %and3A_255, %add3A_267], %gather3A_631 : memref<8x8x128xf32, #tpu.memory_space<vmem>>[vector<16xi32>, vector<16xi32>, vector<16xi32>], vector<16xf32>,
        %gather3A_638 = arith.constant 0 : i32
        %gather3A_639 = arith.constant 0 : i32
        %gather3A_640 = arith.constant 0 : i32
        %gather3A_641 = tpu.memref_slice %arg6[%gather3A_638, %gather3A_639, %gather3A_640] : memref<2x128x64xf32, #tpu.memory_space<vmem>> -> memref<1x128x64xf32, #tpu.memory_space<vmem>>
        %gather3A_642 = tpu.memref_squeeze %gather3A_641 : memref<1x128x64xf32, #tpu.memory_space<vmem>> -> memref<128x64xf32, #tpu.memory_space<vmem>>
        %gather3A_643 = tpu.vector_load_idx %gather3A_642[%add3A_270, %add3A_586] : memref<128x64xf32, #tpu.memory_space<vmem>>[vector<16xi32>, vector<16xi32>], vector<16xf32>,
        %scatter3A_644 = arith.constant 0 : i32
        %scatter3A_645 = arith.constant 0 : i32
        %scatter3A_646 = arith.constant 0 : i32
        %scatter3A_647 = arith.constant 0 : i32
        %scatter3A_648 = tpu.memref_slice %arg7[%scatter3A_644, %scatter3A_645, %scatter3A_646, %scatter3A_647] : memref<2x8x8x128xf32, #tpu.memory_space<vmem>> -> memref<1x8x8x128xf32, #tpu.memory_space<vmem>>
        %scatter3A_649 = tpu.memref_squeeze %scatter3A_648 : memref<1x8x8x128xf32, #tpu.memory_space<vmem>> -> memref<8x8x128xf32, #tpu.memory_space<vmem>>
        tpu.vector_store_idx %scatter3A_649[%add3A_589, %and3A_255, %add3A_270], %gather3A_643 : memref<8x8x128xf32, #tpu.memory_space<vmem>>[vector<16xi32>, vector<16xi32>, vector<16xi32>], vector<16xf32>,
        %gather3A_650 = arith.constant 0 : i32
        %gather3A_651 = arith.constant 0 : i32
        %gather3A_652 = arith.constant 0 : i32
        %gather3A_653 = tpu.memref_slice %arg6[%gather3A_650, %gather3A_651, %gather3A_652] : memref<2x128x64xf32, #tpu.memory_space<vmem>> -> memref<1x128x64xf32, #tpu.memory_space<vmem>>
        %gather3A_654 = tpu.memref_squeeze %gather3A_653 : memref<1x128x64xf32, #tpu.memory_space<vmem>> -> memref<128x64xf32, #tpu.memory_space<vmem>>
        %gather3A_655 = tpu.vector_load_idx %gather3A_654[%add3A_273, %add3A_586] : memref<128x64xf32, #tpu.memory_space<vmem>>[vector<16xi32>, vector<16xi32>], vector<16xf32>,
        %scatter3A_656 = arith.constant 0 : i32
        %scatter3A_657 = arith.constant 0 : i32
        %scatter3A_658 = arith.constant 0 : i32
        %scatter3A_659 = arith.constant 0 : i32
        %scatter3A_660 = tpu.memref_slice %arg7[%scatter3A_656, %scatter3A_657, %scatter3A_658, %scatter3A_659] : memref<2x8x8x128xf32, #tpu.memory_space<vmem>> -> memref<1x8x8x128xf32, #tpu.memory_space<vmem>>
        %scatter3A_661 = tpu.memref_squeeze %scatter3A_660 : memref<1x8x8x128xf32, #tpu.memory_space<vmem>> -> memref<8x8x128xf32, #tpu.memory_space<vmem>>
        tpu.vector_store_idx %scatter3A_661[%add3A_589, %and3A_255, %add3A_273], %gather3A_655 : memref<8x8x128xf32, #tpu.memory_space<vmem>>[vector<16xi32>, vector<16xi32>, vector<16xi32>], vector<16xf32>,
        %gather3A_662 = arith.constant 0 : i32
        %gather3A_663 = arith.constant 0 : i32
        %gather3A_664 = arith.constant 0 : i32
        %gather3A_665 = tpu.memref_slice %arg6[%gather3A_662, %gather3A_663, %gather3A_664] : memref<2x128x64xf32, #tpu.memory_space<vmem>> -> memref<1x128x64xf32, #tpu.memory_space<vmem>>
        %gather3A_666 = tpu.memref_squeeze %gather3A_665 : memref<1x128x64xf32, #tpu.memory_space<vmem>> -> memref<128x64xf32, #tpu.memory_space<vmem>>
        %gather3A_667 = tpu.vector_load_idx %gather3A_666[%add3A_276, %add3A_586] : memref<128x64xf32, #tpu.memory_space<vmem>>[vector<16xi32>, vector<16xi32>], vector<16xf32>,
        %scatter3A_668 = arith.constant 0 : i32
        %scatter3A_669 = arith.constant 0 : i32
        %scatter3A_670 = arith.constant 0 : i32
        %scatter3A_671 = arith.constant 0 : i32
        %scatter3A_672 = tpu.memref_slice %arg7[%scatter3A_668, %scatter3A_669, %scatter3A_670, %scatter3A_671] : memref<2x8x8x128xf32, #tpu.memory_space<vmem>> -> memref<1x8x8x128xf32, #tpu.memory_space<vmem>>
        %scatter3A_673 = tpu.memref_squeeze %scatter3A_672 : memref<1x8x8x128xf32, #tpu.memory_space<vmem>> -> memref<8x8x128xf32, #tpu.memory_space<vmem>>
        tpu.vector_store_idx %scatter3A_673[%add3A_589, %and3A_255, %add3A_276], %gather3A_667 : memref<8x8x128xf32, #tpu.memory_space<vmem>>[vector<16xi32>, vector<16xi32>, vector<16xi32>], vector<16xf32>,
        %gather3A_674 = arith.constant 0 : i32
        %gather3A_675 = arith.constant 0 : i32
        %gather3A_676 = arith.constant 0 : i32
        %gather3A_677 = tpu.memref_slice %arg6[%gather3A_674, %gather3A_675, %gather3A_676] : memref<2x128x64xf32, #tpu.memory_space<vmem>> -> memref<1x128x64xf32, #tpu.memory_space<vmem>>
        %gather3A_678 = tpu.memref_squeeze %gather3A_677 : memref<1x128x64xf32, #tpu.memory_space<vmem>> -> memref<128x64xf32, #tpu.memory_space<vmem>>
        %gather3A_679 = tpu.vector_load_idx %gather3A_678[%add3A_279, %add3A_586] : memref<128x64xf32, #tpu.memory_space<vmem>>[vector<16xi32>, vector<16xi32>], vector<16xf32>,
        %scatter3A_680 = arith.constant 0 : i32
        %scatter3A_681 = arith.constant 0 : i32
        %scatter3A_682 = arith.constant 0 : i32
        %scatter3A_683 = arith.constant 0 : i32
        %scatter3A_684 = tpu.memref_slice %arg7[%scatter3A_680, %scatter3A_681, %scatter3A_682, %scatter3A_683] : memref<2x8x8x128xf32, #tpu.memory_space<vmem>> -> memref<1x8x8x128xf32, #tpu.memory_space<vmem>>
        %scatter3A_685 = tpu.memref_squeeze %scatter3A_684 : memref<1x8x8x128xf32, #tpu.memory_space<vmem>> -> memref<8x8x128xf32, #tpu.memory_space<vmem>>
        tpu.vector_store_idx %scatter3A_685[%add3A_589, %and3A_255, %add3A_279], %gather3A_679 : memref<8x8x128xf32, #tpu.memory_space<vmem>>[vector<16xi32>, vector<16xi32>, vector<16xi32>], vector<16xf32>,
      }
      %scan3A_92 = arith.constant 16 : i32
      %add3A_93 = arith.constant 0 : i32
      %add3A_94 = arith.addi %add3A_67, %add3A_93 : i32
      %add3A_95 = arith.addi %mul3A_2, %add3A_94 : i32
      %jit3A = arith.constant 32 : i32
      %div3A = arith.divsi %add3A_95, %jit3A : i32
      %sign3A = arith.constant 0 : i32
      %sign3A_96 = arith.cmpi sgt, %add3A_95, %sign3A : i32
      %sign3A_97 = arith.extui %sign3A_96 : i1 to i32
      %sign3A_98 = arith.constant 0 : i32
      %sign3A_99 = arith.cmpi slt, %add3A_95, %sign3A_98 : i32
      %sign3A_100 = arith.extui %sign3A_99 : i1 to i32
      %sign3A_101 = arith.subi %sign3A_97, %sign3A_100 : i32
      %sign3A_102 = arith.constant 0 : i32
      %sign3A_103 = arith.cmpi sgt, %jit3A, %sign3A_102 : i32
      %sign3A_104 = arith.extui %sign3A_103 : i1 to i32
      %sign3A_105 = arith.constant 0 : i32
      %sign3A_106 = arith.cmpi slt, %jit3A, %sign3A_105 : i32
      %sign3A_107 = arith.extui %sign3A_106 : i1 to i32
      %sign3A_108 = arith.subi %sign3A_104, %sign3A_107 : i32
      %ne3A = arith.cmpi ne, %sign3A_101, %sign3A_108 : i32
      %rem3A = arith.remsi %add3A_95, %jit3A : i32
      %ne3A_109 = arith.constant 0 : i32
      %ne3A_110 = arith.cmpi ne, %rem3A, %ne3A_109 : i32
      %and3A = arith.andi %ne3A, %ne3A_110 : i1
      %sub3A = arith.constant 1 : i32
      %sub3A_111 = arith.subi %div3A, %sub3A : i32
      %select_n3A = arith.select %and3A, %sub3A_111, %div3A : i32
      %jit3A_112 = arith.constant 32 : i32
      %eq3A = arith.constant 0 : i32
      %eq3A_113 = arith.cmpi eq, %jit3A_112, %eq3A : i32
      %jit3A_114 = arith.constant 1 : i32
      %select_n3A_115 = arith.select %eq3A_113, %jit3A_114, %jit3A_112 : i32
      %rem3A_116 = arith.remsi %add3A_95, %select_n3A_115 : i32
      %ne3A_117 = arith.constant 0 : i32
      %ne3A_118 = arith.cmpi ne, %rem3A_116, %ne3A_117 : i32
      %lt3A_119 = arith.constant 0 : i32
      %lt3A_120 = arith.cmpi slt, %rem3A_116, %lt3A_119 : i32
      %lt3A_121 = arith.constant 0 : i32
      %lt3A_122 = arith.cmpi slt, %select_n3A_115, %lt3A_121 : i32
      %ne3A_123 = arith.xori %lt3A_120, %lt3A_122 : i1
      %and3A_124 = arith.andi %ne3A_123, %ne3A_118 : i1
      %add3A_125 = arith.addi %rem3A_116, %select_n3A_115 : i32
      %select_n3A_126 = arith.select %and3A_124, %add3A_125, %rem3A_116 : i32
      %dma_start3A_127 = arith.constant 0 : i32
      %dma_start3A_128 = arith.constant 0 : i32
      %dma_start3A_129 = arith.constant 0 : i32
      %dma_start3A_130 = arith.constant 0 : i32
      %dma_start3A_131 = tpu.memref_slice %arg7[%dma_start3A_127, %dma_start3A_128, %dma_start3A_129, %dma_start3A_130] : memref<2x8x8x128xf32, #tpu.memory_space<vmem>> -> memref<1x8x8x128xf32, #tpu.memory_space<vmem>>
      %dma_start3A_132 = tpu.memref_squeeze %dma_start3A_131 : memref<1x8x8x128xf32, #tpu.memory_space<vmem>> -> memref<8x8x128xf32, #tpu.memory_space<vmem>>
      %dma_start3A_133 = arith.constant 0 : i32
      %dma_start3A_134 = arith.constant 0 : i32
      %dma_start3A_135 = arith.constant 0 : i32
      %dma_start3A_136 = tpu.memref_slice %arg4[%select_n3A, %dma_start3A_133, %select_n3A_126, %dma_start3A_134, %dma_start3A_135] : memref<200x8x32x8x128xf32, #tpu.memory_space<hbm>> -> memref<1x8x1x8x128xf32, #tpu.memory_space<hbm>>
      %dma_start3A_137 = tpu.memref_squeeze %dma_start3A_136 : memref<1x8x1x8x128xf32, #tpu.memory_space<hbm>> -> memref<8x8x128xf32, #tpu.memory_space<hbm>>
      %dma_start3A_138 = arith.constant 0 : i32
      %dma_start3A_139 = arith.constant 0 : i32
      %dma_start3A_140 = arith.constant 0 : i32
      %dma_start3A_141 = tpu.memref_slice %arg4[%select_n3A, %dma_start3A_138, %select_n3A_126, %dma_start3A_139, %dma_start3A_140] : memref<200x8x32x8x128xf32, #tpu.memory_space<hbm>> -> memref<1x8x1x8x128xf32, #tpu.memory_space<hbm>>
      %dma_start3A_142 = tpu.memref_squeeze %dma_start3A_141 : memref<1x8x1x8x128xf32, #tpu.memory_space<hbm>> -> memref<8x8x128xf32, #tpu.memory_space<hbm>>
      %dma_start3A_143 = arith.constant 0 : i32
      %dma_start3A_144 = arith.constant 0 : i32
      %dma_start3A_145 = arith.constant 0 : i32
      %dma_start3A_146 = tpu.memref_slice %arg7[%dma_start3A_127, %dma_start3A_143, %dma_start3A_144, %dma_start3A_145] : memref<2x8x8x128xf32, #tpu.memory_space<vmem>> -> memref<1x8x8x128xf32, #tpu.memory_space<vmem>>
      %dma_start3A_147 = tpu.memref_squeeze %dma_start3A_146 : memref<1x8x8x128xf32, #tpu.memory_space<vmem>> -> memref<8x8x128xf32, #tpu.memory_space<vmem>>
      tpu.enqueue_dma source(%dma_start3A_147 : memref<8x8x128xf32, #tpu.memory_space<vmem>>) target(%dma_start3A_142 : memref<8x8x128xf32, #tpu.memory_space<hbm>>) target_semaphore(%arg10 : memref<!tpu.dma_semaphore, #tpu.memory_space<semaphore_mem>>)
      %add3A_148 = arith.constant 1 : i32
      %add3A_149 = arith.addi %add3A_67, %add3A_148 : i32
      %add3A_150 = arith.constant 1 : i32
      %add3A_151 = arith.addi %add3A_149, %add3A_150 : i32
      %lt3A_152 = arith.constant 200 : i32
      %lt3A_153 = arith.cmpi slt, %add3A_151, %lt3A_152 : i32
      %convert_element_type3A_154 = arith.extui %lt3A_153 : i1 to i32
      %cond3A_155 = arith.constant 0 : i32
      %cond3A_156 = arith.cmpi ne, %convert_element_type3A_154, %cond3A_155 : i32
      scf.if %cond3A_156 {
        %add3A_241 = arith.constant 1 : i32
        %add3A_242 = arith.addi %add3A_67, %add3A_241 : i32
        %add3A_243 = arith.constant 1 : i32
        %add3A_244 = arith.addi %add3A_242, %add3A_243 : i32
        %mul3A_245 = arith.constant 128 : i32
        %mul3A_246 = arith.muli %add3A_244, %mul3A_245 : i32
        %dma_start3A_247 = arith.constant 0 : i32
        %dma_start3A_248 = arith.constant 0 : i32
        %dma_start3A_249 = arith.constant 0 : i32
        %dma_start3A_250 = tpu.memref_slice %arg6[%dma_start3A_247, %dma_start3A_248, %dma_start3A_249] : memref<2x128x64xf32, #tpu.memory_space<vmem>> -> memref<1x128x64xf32, #tpu.memory_space<vmem>>
        %dma_start3A_251 = tpu.memref_squeeze %dma_start3A_250 : memref<1x128x64xf32, #tpu.memory_space<vmem>> -> memref<128x64xf32, #tpu.memory_space<vmem>>
        %dma_start3A_252 = tpu.memref_slice %arg5[%mul3A_246] : memref<25600xi32, #tpu.memory_space<vmem>> -> memref<128xi32, #tpu.memory_space<vmem>>
        %dma_start3A_253 = arith.constant 0 : i32
        %dma_start3A_254 = arith.constant 0 : i32
        %dma_start3A_255 = tpu.memref_slice %arg2[%dma_start3A_253, %dma_start3A_254] : memref<1000000x64xf32, #tpu.memory_space<hbm>> -> memref<1000000x64xf32, #tpu.memory_space<hbm>>
        tpu.enqueue_indirect_dma source(%dma_start3A_255 : memref<1000000x64xf32, #tpu.memory_space<hbm>>) target(%dma_start3A_251 : memref<128x64xf32, #tpu.memory_space<vmem>>) offsets(%dma_start3A_252 : memref<128xi32, #tpu.memory_space<vmem>>) semaphore(%arg8 : memref<!tpu.dma_semaphore, #tpu.memory_space<semaphore_mem>>)
      } else {
      }
      %dma_wait3A_157 = arith.constant 1 : i32
      %dma_wait3A_158 = arith.constant 0 : i32
      %dma_wait3A_159 = arith.constant 0 : i32
      %dma_wait3A_160 = tpu.memref_slice %arg6[%dma_wait3A_157, %dma_wait3A_158, %dma_wait3A_159] : memref<2x128x64xf32, #tpu.memory_space<vmem>> -> memref<1x128x64xf32, #tpu.memory_space<vmem>>
      %dma_wait3A_161 = tpu.memref_squeeze %dma_wait3A_160 : memref<1x128x64xf32, #tpu.memory_space<vmem>> -> memref<128x64xf32, #tpu.memory_space<vmem>>
      %dma_wait3A_162 = arith.constant 0 : i32
      %dma_wait3A_163 = tpu.memref_slice %arg5[%dma_wait3A_162] : memref<25600xi32, #tpu.memory_space<vmem>> -> memref<128xi32, #tpu.memory_space<vmem>>
      %dma_wait3A_164 = arith.constant 0 : i32
      %dma_wait3A_165 = arith.constant 0 : i32
      %dma_wait3A_166 = tpu.memref_slice %arg2[%dma_wait3A_164, %dma_wait3A_165] : memref<1000000x64xf32, #tpu.memory_space<hbm>> -> memref<1000000x64xf32, #tpu.memory_space<hbm>>
      tpu.wait_indirect_dma semaphore(%arg9 : memref<!tpu.dma_semaphore, #tpu.memory_space<semaphore_mem>>) src(%dma_wait3A_166 : memref<1000000x64xf32, #tpu.memory_space<hbm>>) dst(%dma_wait3A_161 : memref<128x64xf32, #tpu.memory_space<vmem>>)
      %ge3A_167 = arith.constant 2 : i32
      %ge3A_168 = arith.cmpi sge, %add3A_67, %ge3A_167 : i32
      %convert_element_type3A_169 = arith.extui %ge3A_168 : i1 to i32
      %cond3A_170 = arith.constant 0 : i32
      %cond3A_171 = arith.cmpi ne, %convert_element_type3A_169, %cond3A_170 : i32
      scf.if %cond3A_171 {
        %dma_wait3A_241 = arith.constant 1 : i32
        %dma_wait3A_242 = arith.constant 0 : i32
        %dma_wait3A_243 = arith.constant 0 : i32
        %dma_wait3A_244 = arith.constant 0 : i32
        %dma_wait3A_245 = arith.constant 0 : i32
        %dma_wait3A_246 = arith.constant 0 : i32
        %dma_wait3A_247 = tpu.memref_slice %arg7[%dma_wait3A_241, %dma_wait3A_244, %dma_wait3A_245, %dma_wait3A_246] : memref<2x8x8x128xf32, #tpu.memory_space<vmem>> -> memref<1x8x8x128xf32, #tpu.memory_space<vmem>>
        %dma_wait3A_248 = tpu.memref_squeeze %dma_wait3A_247 : memref<1x8x8x128xf32, #tpu.memory_space<vmem>> -> memref<8x8x128xf32, #tpu.memory_space<vmem>>
        %dma_wait3A_249 = arith.constant 0 : i32
        %dma_wait3A_250 = arith.constant 0 : i32
        %dma_wait3A_251 = arith.constant 0 : i32
        %dma_wait3A_252 = tpu.memref_slice %arg4[%dma_wait3A_242, %dma_wait3A_249, %dma_wait3A_243, %dma_wait3A_250, %dma_wait3A_251] : memref<200x8x32x8x128xf32, #tpu.memory_space<hbm>> -> memref<1x8x1x8x128xf32, #tpu.memory_space<hbm>>
        %dma_wait3A_253 = tpu.memref_squeeze %dma_wait3A_252 : memref<1x8x1x8x128xf32, #tpu.memory_space<hbm>> -> memref<8x8x128xf32, #tpu.memory_space<hbm>>
        %dma_wait3A_254 = arith.constant 0 : i32
        %dma_wait3A_255 = arith.constant 0 : i32
        %dma_wait3A_256 = arith.constant 0 : i32
        %dma_wait3A_257 = tpu.memref_slice %arg4[%dma_wait3A_242, %dma_wait3A_254, %dma_wait3A_243, %dma_wait3A_255, %dma_wait3A_256] : memref<200x8x32x8x128xf32, #tpu.memory_space<hbm>> -> memref<1x8x1x8x128xf32, #tpu.memory_space<hbm>>
        %dma_wait3A_258 = tpu.memref_squeeze %dma_wait3A_257 : memref<1x8x1x8x128xf32, #tpu.memory_space<hbm>> -> memref<8x8x128xf32, #tpu.memory_space<hbm>>
        %dma_wait3A_259 = arith.constant 0 : i32
        %dma_wait3A_260 = arith.constant 0 : i32
        %dma_wait3A_261 = arith.constant 0 : i32
        %dma_wait3A_262 = tpu.memref_slice %arg7[%dma_wait3A_241, %dma_wait3A_259, %dma_wait3A_260, %dma_wait3A_261] : memref<2x8x8x128xf32, #tpu.memory_space<vmem>> -> memref<1x8x8x128xf32, #tpu.memory_space<vmem>>
        %dma_wait3A_263 = tpu.memref_squeeze %dma_wait3A_262 : memref<1x8x8x128xf32, #tpu.memory_space<vmem>> -> memref<8x8x128xf32, #tpu.memory_space<vmem>>
        tpu.wait_dma2 semaphore(%arg11 : memref<!tpu.dma_semaphore, #tpu.memory_space<semaphore_mem>>) src(%dma_wait3A_263 : memref<8x8x128xf32, #tpu.memory_space<vmem>>) dst(%dma_wait3A_258 : memref<8x8x128xf32, #tpu.memory_space<hbm>>)
      } else {
      }
      %scan3A_172 = arith.constant 0 : i32
      %scan3A_173 = arith.constant 16 : i32
      %scan3A_174 = arith.addi %scan3A_172, %scan3A_173 : i32
      %scan3A_175 = arith.constant 1 : i32
      scf.for %scan3A_241 = %scan3A_172 to %scan3A_174 step %scan3A_175  : i32 {
        %mul3A_242 = arith.constant 1 : i32
        %mul3A_243 = arith.muli %scan3A_241, %mul3A_242 : i32
        %add3A_244 = arith.constant 0 : i32
        %add3A_245 = arith.addi %add3A_244, %mul3A_243 : i32
        %add3A_246 = vector.broadcast %add3A_245 : i32 to vector<16xi32>
        %add3A_247 = arith.addi %iota3A, %add3A_246 : vector<16xi32>
        %rem3A_248 = arith.constant 16 : i32
        %rem3A_249 = vector.broadcast %rem3A_248 : i32 to vector<16xi32>
        %rem3A_250 = arith.remsi %add3A_247, %rem3A_249 : vector<16xi32>
        %shift_right_logical3A = arith.constant 3 : i32
        %shift_right_logical3A_251 = vector.broadcast %shift_right_logical3A : i32 to vector<16xi32>
        %shift_right_logical3A_252 = arith.shrui %rem3A_250, %shift_right_logical3A_251 : vector<16xi32>
        %and3A_253 = arith.constant 7 : i32
        %and3A_254 = vector.broadcast %and3A_253 : i32 to vector<16xi32>
        %and3A_255 = arith.andi %rem3A_250, %and3A_254 : vector<16xi32>
        %add3A_256 = arith.constant 0 : i32
        %add3A_257 = vector.broadcast %add3A_256 : i32 to vector<16xi32>
        %add3A_258 = arith.addi %iota3A, %add3A_257 : vector<16xi32>
        %add3A_259 = arith.constant 16 : i32
        %add3A_260 = vector.broadcast %add3A_259 : i32 to vector<16xi32>
        %add3A_261 = arith.addi %iota3A, %add3A_260 : vector<16xi32>
        %add3A_262 = arith.constant 32 : i32
        %add3A_263 = vector.broadcast %add3A_262 : i32 to vector<16xi32>
        %add3A_264 = arith.addi %iota3A, %add3A_263 : vector<16xi32>
        %add3A_265 = arith.constant 48 : i32
        %add3A_266 = vector.broadcast %add3A_265 : i32 to vector<16xi32>
        %add3A_267 = arith.addi %iota3A, %add3A_266 : vector<16xi32>
        %add3A_268 = arith.constant 64 : i32
        %add3A_269 = vector.broadcast %add3A_268 : i32 to vector<16xi32>
        %add3A_270 = arith.addi %iota3A, %add3A_269 : vector<16xi32>
        %add3A_271 = arith.constant 80 : i32
        %add3A_272 = vector.broadcast %add3A_271 : i32 to vector<16xi32>
        %add3A_273 = arith.addi %iota3A, %add3A_272 : vector<16xi32>
        %add3A_274 = arith.constant 96 : i32
        %add3A_275 = vector.broadcast %add3A_274 : i32 to vector<16xi32>
        %add3A_276 = arith.addi %iota3A, %add3A_275 : vector<16xi32>
        %add3A_277 = arith.constant 112 : i32
        %add3A_278 = vector.broadcast %add3A_277 : i32 to vector<16xi32>
        %add3A_279 = arith.addi %iota3A, %add3A_278 : vector<16xi32>
        %add3A_280 = arith.constant 0 : i32
        %add3A_281 = vector.broadcast %add3A_280 : i32 to vector<16xi32>
        %add3A_282 = arith.addi %rem3A_250, %add3A_281 : vector<16xi32>
        %add3A_283 = arith.constant 0 : i32
        %add3A_284 = vector.broadcast %add3A_283 : i32 to vector<16xi32>
        %add3A_285 = arith.addi %shift_right_logical3A_252, %add3A_284 : vector<16xi32>
        %gather3A = arith.constant 1 : i32
        %gather3A_286 = arith.constant 0 : i32
        %gather3A_287 = arith.constant 0 : i32
        %gather3A_288 = tpu.memref_slice %arg6[%gather3A, %gather3A_286, %gather3A_287] : memref<2x128x64xf32, #tpu.memory_space<vmem>> -> memref<1x128x64xf32, #tpu.memory_space<vmem>>
        %gather3A_289 = tpu.memref_squeeze %gather3A_288 : memref<1x128x64xf32, #tpu.memory_space<vmem>> -> memref<128x64xf32, #tpu.memory_space<vmem>>
        %gather3A_290 = tpu.vector_load_idx %gather3A_289[%add3A_258, %add3A_282] : memref<128x64xf32, #tpu.memory_space<vmem>>[vector<16xi32>, vector<16xi32>], vector<16xf32>,
        %scatter3A = arith.constant 1 : i32
        %scatter3A_291 = arith.constant 0 : i32
        %scatter3A_292 = arith.constant 0 : i32
        %scatter3A_293 = arith.constant 0 : i32
        %scatter3A_294 = tpu.memref_slice %arg7[%scatter3A, %scatter3A_291, %scatter3A_292, %scatter3A_293] : memref<2x8x8x128xf32, #tpu.memory_space<vmem>> -> memref<1x8x8x128xf32, #tpu.memory_space<vmem>>
        %scatter3A_295 = tpu.memref_squeeze %scatter3A_294 : memref<1x8x8x128xf32, #tpu.memory_space<vmem>> -> memref<8x8x128xf32, #tpu.memory_space<vmem>>
        tpu.vector_store_idx %scatter3A_295[%add3A_285, %and3A_255, %add3A_258], %gather3A_290 : memref<8x8x128xf32, #tpu.memory_space<vmem>>[vector<16xi32>, vector<16xi32>, vector<16xi32>], vector<16xf32>,
        %gather3A_296 = arith.constant 1 : i32
        %gather3A_297 = arith.constant 0 : i32
        %gather3A_298 = arith.constant 0 : i32
        %gather3A_299 = tpu.memref_slice %arg6[%gather3A_296, %gather3A_297, %gather3A_298] : memref<2x128x64xf32, #tpu.memory_space<vmem>> -> memref<1x128x64xf32, #tpu.memory_space<vmem>>
        %gather3A_300 = tpu.memref_squeeze %gather3A_299 : memref<1x128x64xf32, #tpu.memory_space<vmem>> -> memref<128x64xf32, #tpu.memory_space<vmem>>
        %gather3A_301 = tpu.vector_load_idx %gather3A_300[%add3A_261, %add3A_282] : memref<128x64xf32, #tpu.memory_space<vmem>>[vector<16xi32>, vector<16xi32>], vector<16xf32>,
        %scatter3A_302 = arith.constant 1 : i32
        %scatter3A_303 = arith.constant 0 : i32
        %scatter3A_304 = arith.constant 0 : i32
        %scatter3A_305 = arith.constant 0 : i32
        %scatter3A_306 = tpu.memref_slice %arg7[%scatter3A_302, %scatter3A_303, %scatter3A_304, %scatter3A_305] : memref<2x8x8x128xf32, #tpu.memory_space<vmem>> -> memref<1x8x8x128xf32, #tpu.memory_space<vmem>>
        %scatter3A_307 = tpu.memref_squeeze %scatter3A_306 : memref<1x8x8x128xf32, #tpu.memory_space<vmem>> -> memref<8x8x128xf32, #tpu.memory_space<vmem>>
        tpu.vector_store_idx %scatter3A_307[%add3A_285, %and3A_255, %add3A_261], %gather3A_301 : memref<8x8x128xf32, #tpu.memory_space<vmem>>[vector<16xi32>, vector<16xi32>, vector<16xi32>], vector<16xf32>,
        %gather3A_308 = arith.constant 1 : i32
        %gather3A_309 = arith.constant 0 : i32
        %gather3A_310 = arith.constant 0 : i32
        %gather3A_311 = tpu.memref_slice %arg6[%gather3A_308, %gather3A_309, %gather3A_310] : memref<2x128x64xf32, #tpu.memory_space<vmem>> -> memref<1x128x64xf32, #tpu.memory_space<vmem>>
        %gather3A_312 = tpu.memref_squeeze %gather3A_311 : memref<1x128x64xf32, #tpu.memory_space<vmem>> -> memref<128x64xf32, #tpu.memory_space<vmem>>
        %gather3A_313 = tpu.vector_load_idx %gather3A_312[%add3A_264, %add3A_282] : memref<128x64xf32, #tpu.memory_space<vmem>>[vector<16xi32>, vector<16xi32>], vector<16xf32>,
        %scatter3A_314 = arith.constant 1 : i32
        %scatter3A_315 = arith.constant 0 : i32
        %scatter3A_316 = arith.constant 0 : i32
        %scatter3A_317 = arith.constant 0 : i32
        %scatter3A_318 = tpu.memref_slice %arg7[%scatter3A_314, %scatter3A_315, %scatter3A_316, %scatter3A_317] : memref<2x8x8x128xf32, #tpu.memory_space<vmem>> -> memref<1x8x8x128xf32, #tpu.memory_space<vmem>>
        %scatter3A_319 = tpu.memref_squeeze %scatter3A_318 : memref<1x8x8x128xf32, #tpu.memory_space<vmem>> -> memref<8x8x128xf32, #tpu.memory_space<vmem>>
        tpu.vector_store_idx %scatter3A_319[%add3A_285, %and3A_255, %add3A_264], %gather3A_313 : memref<8x8x128xf32, #tpu.memory_space<vmem>>[vector<16xi32>, vector<16xi32>, vector<16xi32>], vector<16xf32>,
        %gather3A_320 = arith.constant 1 : i32
        %gather3A_321 = arith.constant 0 : i32
        %gather3A_322 = arith.constant 0 : i32
        %gather3A_323 = tpu.memref_slice %arg6[%gather3A_320, %gather3A_321, %gather3A_322] : memref<2x128x64xf32, #tpu.memory_space<vmem>> -> memref<1x128x64xf32, #tpu.memory_space<vmem>>
        %gather3A_324 = tpu.memref_squeeze %gather3A_323 : memref<1x128x64xf32, #tpu.memory_space<vmem>> -> memref<128x64xf32, #tpu.memory_space<vmem>>
        %gather3A_325 = tpu.vector_load_idx %gather3A_324[%add3A_267, %add3A_282] : memref<128x64xf32, #tpu.memory_space<vmem>>[vector<16xi32>, vector<16xi32>], vector<16xf32>,
        %scatter3A_326 = arith.constant 1 : i32
        %scatter3A_327 = arith.constant 0 : i32
        %scatter3A_328 = arith.constant 0 : i32
        %scatter3A_329 = arith.constant 0 : i32
        %scatter3A_330 = tpu.memref_slice %arg7[%scatter3A_326, %scatter3A_327, %scatter3A_328, %scatter3A_329] : memref<2x8x8x128xf32, #tpu.memory_space<vmem>> -> memref<1x8x8x128xf32, #tpu.memory_space<vmem>>
        %scatter3A_331 = tpu.memref_squeeze %scatter3A_330 : memref<1x8x8x128xf32, #tpu.memory_space<vmem>> -> memref<8x8x128xf32, #tpu.memory_space<vmem>>
        tpu.vector_store_idx %scatter3A_331[%add3A_285, %and3A_255, %add3A_267], %gather3A_325 : memref<8x8x128xf32, #tpu.memory_space<vmem>>[vector<16xi32>, vector<16xi32>, vector<16xi32>], vector<16xf32>,
        %gather3A_332 = arith.constant 1 : i32
        %gather3A_333 = arith.constant 0 : i32
        %gather3A_334 = arith.constant 0 : i32
        %gather3A_335 = tpu.memref_slice %arg6[%gather3A_332, %gather3A_333, %gather3A_334] : memref<2x128x64xf32, #tpu.memory_space<vmem>> -> memref<1x128x64xf32, #tpu.memory_space<vmem>>
        %gather3A_336 = tpu.memref_squeeze %gather3A_335 : memref<1x128x64xf32, #tpu.memory_space<vmem>> -> memref<128x64xf32, #tpu.memory_space<vmem>>
        %gather3A_337 = tpu.vector_load_idx %gather3A_336[%add3A_270, %add3A_282] : memref<128x64xf32, #tpu.memory_space<vmem>>[vector<16xi32>, vector<16xi32>], vector<16xf32>,
        %scatter3A_338 = arith.constant 1 : i32
        %scatter3A_339 = arith.constant 0 : i32
        %scatter3A_340 = arith.constant 0 : i32
        %scatter3A_341 = arith.constant 0 : i32
        %scatter3A_342 = tpu.memref_slice %arg7[%scatter3A_338, %scatter3A_339, %scatter3A_340, %scatter3A_341] : memref<2x8x8x128xf32, #tpu.memory_space<vmem>> -> memref<1x8x8x128xf32, #tpu.memory_space<vmem>>
        %scatter3A_343 = tpu.memref_squeeze %scatter3A_342 : memref<1x8x8x128xf32, #tpu.memory_space<vmem>> -> memref<8x8x128xf32, #tpu.memory_space<vmem>>
        tpu.vector_store_idx %scatter3A_343[%add3A_285, %and3A_255, %add3A_270], %gather3A_337 : memref<8x8x128xf32, #tpu.memory_space<vmem>>[vector<16xi32>, vector<16xi32>, vector<16xi32>], vector<16xf32>,
        %gather3A_344 = arith.constant 1 : i32
        %gather3A_345 = arith.constant 0 : i32
        %gather3A_346 = arith.constant 0 : i32
        %gather3A_347 = tpu.memref_slice %arg6[%gather3A_344, %gather3A_345, %gather3A_346] : memref<2x128x64xf32, #tpu.memory_space<vmem>> -> memref<1x128x64xf32, #tpu.memory_space<vmem>>
        %gather3A_348 = tpu.memref_squeeze %gather3A_347 : memref<1x128x64xf32, #tpu.memory_space<vmem>> -> memref<128x64xf32, #tpu.memory_space<vmem>>
        %gather3A_349 = tpu.vector_load_idx %gather3A_348[%add3A_273, %add3A_282] : memref<128x64xf32, #tpu.memory_space<vmem>>[vector<16xi32>, vector<16xi32>], vector<16xf32>,
        %scatter3A_350 = arith.constant 1 : i32
        %scatter3A_351 = arith.constant 0 : i32
        %scatter3A_352 = arith.constant 0 : i32
        %scatter3A_353 = arith.constant 0 : i32
        %scatter3A_354 = tpu.memref_slice %arg7[%scatter3A_350, %scatter3A_351, %scatter3A_352, %scatter3A_353] : memref<2x8x8x128xf32, #tpu.memory_space<vmem>> -> memref<1x8x8x128xf32, #tpu.memory_space<vmem>>
        %scatter3A_355 = tpu.memref_squeeze %scatter3A_354 : memref<1x8x8x128xf32, #tpu.memory_space<vmem>> -> memref<8x8x128xf32, #tpu.memory_space<vmem>>
        tpu.vector_store_idx %scatter3A_355[%add3A_285, %and3A_255, %add3A_273], %gather3A_349 : memref<8x8x128xf32, #tpu.memory_space<vmem>>[vector<16xi32>, vector<16xi32>, vector<16xi32>], vector<16xf32>,
        %gather3A_356 = arith.constant 1 : i32
        %gather3A_357 = arith.constant 0 : i32
        %gather3A_358 = arith.constant 0 : i32
        %gather3A_359 = tpu.memref_slice %arg6[%gather3A_356, %gather3A_357, %gather3A_358] : memref<2x128x64xf32, #tpu.memory_space<vmem>> -> memref<1x128x64xf32, #tpu.memory_space<vmem>>
        %gather3A_360 = tpu.memref_squeeze %gather3A_359 : memref<1x128x64xf32, #tpu.memory_space<vmem>> -> memref<128x64xf32, #tpu.memory_space<vmem>>
        %gather3A_361 = tpu.vector_load_idx %gather3A_360[%add3A_276, %add3A_282] : memref<128x64xf32, #tpu.memory_space<vmem>>[vector<16xi32>, vector<16xi32>], vector<16xf32>,
        %scatter3A_362 = arith.constant 1 : i32
        %scatter3A_363 = arith.constant 0 : i32
        %scatter3A_364 = arith.constant 0 : i32
        %scatter3A_365 = arith.constant 0 : i32
        %scatter3A_366 = tpu.memref_slice %arg7[%scatter3A_362, %scatter3A_363, %scatter3A_364, %scatter3A_365] : memref<2x8x8x128xf32, #tpu.memory_space<vmem>> -> memref<1x8x8x128xf32, #tpu.memory_space<vmem>>
        %scatter3A_367 = tpu.memref_squeeze %scatter3A_366 : memref<1x8x8x128xf32, #tpu.memory_space<vmem>> -> memref<8x8x128xf32, #tpu.memory_space<vmem>>
        tpu.vector_store_idx %scatter3A_367[%add3A_285, %and3A_255, %add3A_276], %gather3A_361 : memref<8x8x128xf32, #tpu.memory_space<vmem>>[vector<16xi32>, vector<16xi32>, vector<16xi32>], vector<16xf32>,
        %gather3A_368 = arith.constant 1 : i32
        %gather3A_369 = arith.constant 0 : i32
        %gather3A_370 = arith.constant 0 : i32
        %gather3A_371 = tpu.memref_slice %arg6[%gather3A_368, %gather3A_369, %gather3A_370] : memref<2x128x64xf32, #tpu.memory_space<vmem>> -> memref<1x128x64xf32, #tpu.memory_space<vmem>>
        %gather3A_372 = tpu.memref_squeeze %gather3A_371 : memref<1x128x64xf32, #tpu.memory_space<vmem>> -> memref<128x64xf32, #tpu.memory_space<vmem>>
        %gather3A_373 = tpu.vector_load_idx %gather3A_372[%add3A_279, %add3A_282] : memref<128x64xf32, #tpu.memory_space<vmem>>[vector<16xi32>, vector<16xi32>], vector<16xf32>,
        %scatter3A_374 = arith.constant 1 : i32
        %scatter3A_375 = arith.constant 0 : i32
        %scatter3A_376 = arith.constant 0 : i32
        %scatter3A_377 = arith.constant 0 : i32
        %scatter3A_378 = tpu.memref_slice %arg7[%scatter3A_374, %scatter3A_375, %scatter3A_376, %scatter3A_377] : memref<2x8x8x128xf32, #tpu.memory_space<vmem>> -> memref<1x8x8x128xf32, #tpu.memory_space<vmem>>
        %scatter3A_379 = tpu.memref_squeeze %scatter3A_378 : memref<1x8x8x128xf32, #tpu.memory_space<vmem>> -> memref<8x8x128xf32, #tpu.memory_space<vmem>>
        tpu.vector_store_idx %scatter3A_379[%add3A_285, %and3A_255, %add3A_279], %gather3A_373 : memref<8x8x128xf32, #tpu.memory_space<vmem>>[vector<16xi32>, vector<16xi32>, vector<16xi32>], vector<16xf32>,
        %add3A_380 = arith.constant 16 : i32
        %add3A_381 = vector.broadcast %add3A_380 : i32 to vector<16xi32>
        %add3A_382 = arith.addi %rem3A_250, %add3A_381 : vector<16xi32>
        %add3A_383 = arith.constant 2 : i32
        %add3A_384 = vector.broadcast %add3A_383 : i32 to vector<16xi32>
        %add3A_385 = arith.addi %shift_right_logical3A_252, %add3A_384 : vector<16xi32>
        %gather3A_386 = arith.constant 1 : i32
        %gather3A_387 = arith.constant 0 : i32
        %gather3A_388 = arith.constant 0 : i32
        %gather3A_389 = tpu.memref_slice %arg6[%gather3A_386, %gather3A_387, %gather3A_388] : memref<2x128x64xf32, #tpu.memory_space<vmem>> -> memref<1x128x64xf32, #tpu.memory_space<vmem>>
        %gather3A_390 = tpu.memref_squeeze %gather3A_389 : memref<1x128x64xf32, #tpu.memory_space<vmem>> -> memref<128x64xf32, #tpu.memory_space<vmem>>
        %gather3A_391 = tpu.vector_load_idx %gather3A_390[%add3A_258, %add3A_382] : memref<128x64xf32, #tpu.memory_space<vmem>>[vector<16xi32>, vector<16xi32>], vector<16xf32>,
        %scatter3A_392 = arith.constant 1 : i32
        %scatter3A_393 = arith.constant 0 : i32
        %scatter3A_394 = arith.constant 0 : i32
        %scatter3A_395 = arith.constant 0 : i32
        %scatter3A_396 = tpu.memref_slice %arg7[%scatter3A_392, %scatter3A_393, %scatter3A_394, %scatter3A_395] : memref<2x8x8x128xf32, #tpu.memory_space<vmem>> -> memref<1x8x8x128xf32, #tpu.memory_space<vmem>>
        %scatter3A_397 = tpu.memref_squeeze %scatter3A_396 : memref<1x8x8x128xf32, #tpu.memory_space<vmem>> -> memref<8x8x128xf32, #tpu.memory_space<vmem>>
        tpu.vector_store_idx %scatter3A_397[%add3A_385, %and3A_255, %add3A_258], %gather3A_391 : memref<8x8x128xf32, #tpu.memory_space<vmem>>[vector<16xi32>, vector<16xi32>, vector<16xi32>], vector<16xf32>,
        %gather3A_398 = arith.constant 1 : i32
        %gather3A_399 = arith.constant 0 : i32
        %gather3A_400 = arith.constant 0 : i32
        %gather3A_401 = tpu.memref_slice %arg6[%gather3A_398, %gather3A_399, %gather3A_400] : memref<2x128x64xf32, #tpu.memory_space<vmem>> -> memref<1x128x64xf32, #tpu.memory_space<vmem>>
        %gather3A_402 = tpu.memref_squeeze %gather3A_401 : memref<1x128x64xf32, #tpu.memory_space<vmem>> -> memref<128x64xf32, #tpu.memory_space<vmem>>
        %gather3A_403 = tpu.vector_load_idx %gather3A_402[%add3A_261, %add3A_382] : memref<128x64xf32, #tpu.memory_space<vmem>>[vector<16xi32>, vector<16xi32>], vector<16xf32>,
        %scatter3A_404 = arith.constant 1 : i32
        %scatter3A_405 = arith.constant 0 : i32
        %scatter3A_406 = arith.constant 0 : i32
        %scatter3A_407 = arith.constant 0 : i32
        %scatter3A_408 = tpu.memref_slice %arg7[%scatter3A_404, %scatter3A_405, %scatter3A_406, %scatter3A_407] : memref<2x8x8x128xf32, #tpu.memory_space<vmem>> -> memref<1x8x8x128xf32, #tpu.memory_space<vmem>>
        %scatter3A_409 = tpu.memref_squeeze %scatter3A_408 : memref<1x8x8x128xf32, #tpu.memory_space<vmem>> -> memref<8x8x128xf32, #tpu.memory_space<vmem>>
        tpu.vector_store_idx %scatter3A_409[%add3A_385, %and3A_255, %add3A_261], %gather3A_403 : memref<8x8x128xf32, #tpu.memory_space<vmem>>[vector<16xi32>, vector<16xi32>, vector<16xi32>], vector<16xf32>,
        %gather3A_410 = arith.constant 1 : i32
        %gather3A_411 = arith.constant 0 : i32
        %gather3A_412 = arith.constant 0 : i32
        %gather3A_413 = tpu.memref_slice %arg6[%gather3A_410, %gather3A_411, %gather3A_412] : memref<2x128x64xf32, #tpu.memory_space<vmem>> -> memref<1x128x64xf32, #tpu.memory_space<vmem>>
        %gather3A_414 = tpu.memref_squeeze %gather3A_413 : memref<1x128x64xf32, #tpu.memory_space<vmem>> -> memref<128x64xf32, #tpu.memory_space<vmem>>
        %gather3A_415 = tpu.vector_load_idx %gather3A_414[%add3A_264, %add3A_382] : memref<128x64xf32, #tpu.memory_space<vmem>>[vector<16xi32>, vector<16xi32>], vector<16xf32>,
        %scatter3A_416 = arith.constant 1 : i32
        %scatter3A_417 = arith.constant 0 : i32
        %scatter3A_418 = arith.constant 0 : i32
        %scatter3A_419 = arith.constant 0 : i32
        %scatter3A_420 = tpu.memref_slice %arg7[%scatter3A_416, %scatter3A_417, %scatter3A_418, %scatter3A_419] : memref<2x8x8x128xf32, #tpu.memory_space<vmem>> -> memref<1x8x8x128xf32, #tpu.memory_space<vmem>>
        %scatter3A_421 = tpu.memref_squeeze %scatter3A_420 : memref<1x8x8x128xf32, #tpu.memory_space<vmem>> -> memref<8x8x128xf32, #tpu.memory_space<vmem>>
        tpu.vector_store_idx %scatter3A_421[%add3A_385, %and3A_255, %add3A_264], %gather3A_415 : memref<8x8x128xf32, #tpu.memory_space<vmem>>[vector<16xi32>, vector<16xi32>, vector<16xi32>], vector<16xf32>,
        %gather3A_422 = arith.constant 1 : i32
        %gather3A_423 = arith.constant 0 : i32
        %gather3A_424 = arith.constant 0 : i32
        %gather3A_425 = tpu.memref_slice %arg6[%gather3A_422, %gather3A_423, %gather3A_424] : memref<2x128x64xf32, #tpu.memory_space<vmem>> -> memref<1x128x64xf32, #tpu.memory_space<vmem>>
        %gather3A_426 = tpu.memref_squeeze %gather3A_425 : memref<1x128x64xf32, #tpu.memory_space<vmem>> -> memref<128x64xf32, #tpu.memory_space<vmem>>
        %gather3A_427 = tpu.vector_load_idx %gather3A_426[%add3A_267, %add3A_382] : memref<128x64xf32, #tpu.memory_space<vmem>>[vector<16xi32>, vector<16xi32>], vector<16xf32>,
        %scatter3A_428 = arith.constant 1 : i32
        %scatter3A_429 = arith.constant 0 : i32
        %scatter3A_430 = arith.constant 0 : i32
        %scatter3A_431 = arith.constant 0 : i32
        %scatter3A_432 = tpu.memref_slice %arg7[%scatter3A_428, %scatter3A_429, %scatter3A_430, %scatter3A_431] : memref<2x8x8x128xf32, #tpu.memory_space<vmem>> -> memref<1x8x8x128xf32, #tpu.memory_space<vmem>>
        %scatter3A_433 = tpu.memref_squeeze %scatter3A_432 : memref<1x8x8x128xf32, #tpu.memory_space<vmem>> -> memref<8x8x128xf32, #tpu.memory_space<vmem>>
        tpu.vector_store_idx %scatter3A_433[%add3A_385, %and3A_255, %add3A_267], %gather3A_427 : memref<8x8x128xf32, #tpu.memory_space<vmem>>[vector<16xi32>, vector<16xi32>, vector<16xi32>], vector<16xf32>,
        %gather3A_434 = arith.constant 1 : i32
        %gather3A_435 = arith.constant 0 : i32
        %gather3A_436 = arith.constant 0 : i32
        %gather3A_437 = tpu.memref_slice %arg6[%gather3A_434, %gather3A_435, %gather3A_436] : memref<2x128x64xf32, #tpu.memory_space<vmem>> -> memref<1x128x64xf32, #tpu.memory_space<vmem>>
        %gather3A_438 = tpu.memref_squeeze %gather3A_437 : memref<1x128x64xf32, #tpu.memory_space<vmem>> -> memref<128x64xf32, #tpu.memory_space<vmem>>
        %gather3A_439 = tpu.vector_load_idx %gather3A_438[%add3A_270, %add3A_382] : memref<128x64xf32, #tpu.memory_space<vmem>>[vector<16xi32>, vector<16xi32>], vector<16xf32>,
        %scatter3A_440 = arith.constant 1 : i32
        %scatter3A_441 = arith.constant 0 : i32
        %scatter3A_442 = arith.constant 0 : i32
        %scatter3A_443 = arith.constant 0 : i32
        %scatter3A_444 = tpu.memref_slice %arg7[%scatter3A_440, %scatter3A_441, %scatter3A_442, %scatter3A_443] : memref<2x8x8x128xf32, #tpu.memory_space<vmem>> -> memref<1x8x8x128xf32, #tpu.memory_space<vmem>>
        %scatter3A_445 = tpu.memref_squeeze %scatter3A_444 : memref<1x8x8x128xf32, #tpu.memory_space<vmem>> -> memref<8x8x128xf32, #tpu.memory_space<vmem>>
        tpu.vector_store_idx %scatter3A_445[%add3A_385, %and3A_255, %add3A_270], %gather3A_439 : memref<8x8x128xf32, #tpu.memory_space<vmem>>[vector<16xi32>, vector<16xi32>, vector<16xi32>], vector<16xf32>,
        %gather3A_446 = arith.constant 1 : i32
        %gather3A_447 = arith.constant 0 : i32
        %gather3A_448 = arith.constant 0 : i32
        %gather3A_449 = tpu.memref_slice %arg6[%gather3A_446, %gather3A_447, %gather3A_448] : memref<2x128x64xf32, #tpu.memory_space<vmem>> -> memref<1x128x64xf32, #tpu.memory_space<vmem>>
        %gather3A_450 = tpu.memref_squeeze %gather3A_449 : memref<1x128x64xf32, #tpu.memory_space<vmem>> -> memref<128x64xf32, #tpu.memory_space<vmem>>
        %gather3A_451 = tpu.vector_load_idx %gather3A_450[%add3A_273, %add3A_382] : memref<128x64xf32, #tpu.memory_space<vmem>>[vector<16xi32>, vector<16xi32>], vector<16xf32>,
        %scatter3A_452 = arith.constant 1 : i32
        %scatter3A_453 = arith.constant 0 : i32
        %scatter3A_454 = arith.constant 0 : i32
        %scatter3A_455 = arith.constant 0 : i32
        %scatter3A_456 = tpu.memref_slice %arg7[%scatter3A_452, %scatter3A_453, %scatter3A_454, %scatter3A_455] : memref<2x8x8x128xf32, #tpu.memory_space<vmem>> -> memref<1x8x8x128xf32, #tpu.memory_space<vmem>>
        %scatter3A_457 = tpu.memref_squeeze %scatter3A_456 : memref<1x8x8x128xf32, #tpu.memory_space<vmem>> -> memref<8x8x128xf32, #tpu.memory_space<vmem>>
        tpu.vector_store_idx %scatter3A_457[%add3A_385, %and3A_255, %add3A_273], %gather3A_451 : memref<8x8x128xf32, #tpu.memory_space<vmem>>[vector<16xi32>, vector<16xi32>, vector<16xi32>], vector<16xf32>,
        %gather3A_458 = arith.constant 1 : i32
        %gather3A_459 = arith.constant 0 : i32
        %gather3A_460 = arith.constant 0 : i32
        %gather3A_461 = tpu.memref_slice %arg6[%gather3A_458, %gather3A_459, %gather3A_460] : memref<2x128x64xf32, #tpu.memory_space<vmem>> -> memref<1x128x64xf32, #tpu.memory_space<vmem>>
        %gather3A_462 = tpu.memref_squeeze %gather3A_461 : memref<1x128x64xf32, #tpu.memory_space<vmem>> -> memref<128x64xf32, #tpu.memory_space<vmem>>
        %gather3A_463 = tpu.vector_load_idx %gather3A_462[%add3A_276, %add3A_382] : memref<128x64xf32, #tpu.memory_space<vmem>>[vector<16xi32>, vector<16xi32>], vector<16xf32>,
        %scatter3A_464 = arith.constant 1 : i32
        %scatter3A_465 = arith.constant 0 : i32
        %scatter3A_466 = arith.constant 0 : i32
        %scatter3A_467 = arith.constant 0 : i32
        %scatter3A_468 = tpu.memref_slice %arg7[%scatter3A_464, %scatter3A_465, %scatter3A_466, %scatter3A_467] : memref<2x8x8x128xf32, #tpu.memory_space<vmem>> -> memref<1x8x8x128xf32, #tpu.memory_space<vmem>>
        %scatter3A_469 = tpu.memref_squeeze %scatter3A_468 : memref<1x8x8x128xf32, #tpu.memory_space<vmem>> -> memref<8x8x128xf32, #tpu.memory_space<vmem>>
        tpu.vector_store_idx %scatter3A_469[%add3A_385, %and3A_255, %add3A_276], %gather3A_463 : memref<8x8x128xf32, #tpu.memory_space<vmem>>[vector<16xi32>, vector<16xi32>, vector<16xi32>], vector<16xf32>,
        %gather3A_470 = arith.constant 1 : i32
        %gather3A_471 = arith.constant 0 : i32
        %gather3A_472 = arith.constant 0 : i32
        %gather3A_473 = tpu.memref_slice %arg6[%gather3A_470, %gather3A_471, %gather3A_472] : memref<2x128x64xf32, #tpu.memory_space<vmem>> -> memref<1x128x64xf32, #tpu.memory_space<vmem>>
        %gather3A_474 = tpu.memref_squeeze %gather3A_473 : memref<1x128x64xf32, #tpu.memory_space<vmem>> -> memref<128x64xf32, #tpu.memory_space<vmem>>
        %gather3A_475 = tpu.vector_load_idx %gather3A_474[%add3A_279, %add3A_382] : memref<128x64xf32, #tpu.memory_space<vmem>>[vector<16xi32>, vector<16xi32>], vector<16xf32>,
        %scatter3A_476 = arith.constant 1 : i32
        %scatter3A_477 = arith.constant 0 : i32
        %scatter3A_478 = arith.constant 0 : i32
        %scatter3A_479 = arith.constant 0 : i32
        %scatter3A_480 = tpu.memref_slice %arg7[%scatter3A_476, %scatter3A_477, %scatter3A_478, %scatter3A_479] : memref<2x8x8x128xf32, #tpu.memory_space<vmem>> -> memref<1x8x8x128xf32, #tpu.memory_space<vmem>>
        %scatter3A_481 = tpu.memref_squeeze %scatter3A_480 : memref<1x8x8x128xf32, #tpu.memory_space<vmem>> -> memref<8x8x128xf32, #tpu.memory_space<vmem>>
        tpu.vector_store_idx %scatter3A_481[%add3A_385, %and3A_255, %add3A_279], %gather3A_475 : memref<8x8x128xf32, #tpu.memory_space<vmem>>[vector<16xi32>, vector<16xi32>, vector<16xi32>], vector<16xf32>,
        %add3A_482 = arith.constant 32 : i32
        %add3A_483 = vector.broadcast %add3A_482 : i32 to vector<16xi32>
        %add3A_484 = arith.addi %rem3A_250, %add3A_483 : vector<16xi32>
        %add3A_485 = arith.constant 4 : i32
        %add3A_486 = vector.broadcast %add3A_485 : i32 to vector<16xi32>
        %add3A_487 = arith.addi %shift_right_logical3A_252, %add3A_486 : vector<16xi32>
        %gather3A_488 = arith.constant 1 : i32
        %gather3A_489 = arith.constant 0 : i32
        %gather3A_490 = arith.constant 0 : i32
        %gather3A_491 = tpu.memref_slice %arg6[%gather3A_488, %gather3A_489, %gather3A_490] : memref<2x128x64xf32, #tpu.memory_space<vmem>> -> memref<1x128x64xf32, #tpu.memory_space<vmem>>
        %gather3A_492 = tpu.memref_squeeze %gather3A_491 : memref<1x128x64xf32, #tpu.memory_space<vmem>> -> memref<128x64xf32, #tpu.memory_space<vmem>>
        %gather3A_493 = tpu.vector_load_idx %gather3A_492[%add3A_258, %add3A_484] : memref<128x64xf32, #tpu.memory_space<vmem>>[vector<16xi32>, vector<16xi32>], vector<16xf32>,
        %scatter3A_494 = arith.constant 1 : i32
        %scatter3A_495 = arith.constant 0 : i32
        %scatter3A_496 = arith.constant 0 : i32
        %scatter3A_497 = arith.constant 0 : i32
        %scatter3A_498 = tpu.memref_slice %arg7[%scatter3A_494, %scatter3A_495, %scatter3A_496, %scatter3A_497] : memref<2x8x8x128xf32, #tpu.memory_space<vmem>> -> memref<1x8x8x128xf32, #tpu.memory_space<vmem>>
        %scatter3A_499 = tpu.memref_squeeze %scatter3A_498 : memref<1x8x8x128xf32, #tpu.memory_space<vmem>> -> memref<8x8x128xf32, #tpu.memory_space<vmem>>
        tpu.vector_store_idx %scatter3A_499[%add3A_487, %and3A_255, %add3A_258], %gather3A_493 : memref<8x8x128xf32, #tpu.memory_space<vmem>>[vector<16xi32>, vector<16xi32>, vector<16xi32>], vector<16xf32>,
        %gather3A_500 = arith.constant 1 : i32
        %gather3A_501 = arith.constant 0 : i32
        %gather3A_502 = arith.constant 0 : i32
        %gather3A_503 = tpu.memref_slice %arg6[%gather3A_500, %gather3A_501, %gather3A_502] : memref<2x128x64xf32, #tpu.memory_space<vmem>> -> memref<1x128x64xf32, #tpu.memory_space<vmem>>
        %gather3A_504 = tpu.memref_squeeze %gather3A_503 : memref<1x128x64xf32, #tpu.memory_space<vmem>> -> memref<128x64xf32, #tpu.memory_space<vmem>>
        %gather3A_505 = tpu.vector_load_idx %gather3A_504[%add3A_261, %add3A_484] : memref<128x64xf32, #tpu.memory_space<vmem>>[vector<16xi32>, vector<16xi32>], vector<16xf32>,
        %scatter3A_506 = arith.constant 1 : i32
        %scatter3A_507 = arith.constant 0 : i32
        %scatter3A_508 = arith.constant 0 : i32
        %scatter3A_509 = arith.constant 0 : i32
        %scatter3A_510 = tpu.memref_slice %arg7[%scatter3A_506, %scatter3A_507, %scatter3A_508, %scatter3A_509] : memref<2x8x8x128xf32, #tpu.memory_space<vmem>> -> memref<1x8x8x128xf32, #tpu.memory_space<vmem>>
        %scatter3A_511 = tpu.memref_squeeze %scatter3A_510 : memref<1x8x8x128xf32, #tpu.memory_space<vmem>> -> memref<8x8x128xf32, #tpu.memory_space<vmem>>
        tpu.vector_store_idx %scatter3A_511[%add3A_487, %and3A_255, %add3A_261], %gather3A_505 : memref<8x8x128xf32, #tpu.memory_space<vmem>>[vector<16xi32>, vector<16xi32>, vector<16xi32>], vector<16xf32>,
        %gather3A_512 = arith.constant 1 : i32
        %gather3A_513 = arith.constant 0 : i32
        %gather3A_514 = arith.constant 0 : i32
        %gather3A_515 = tpu.memref_slice %arg6[%gather3A_512, %gather3A_513, %gather3A_514] : memref<2x128x64xf32, #tpu.memory_space<vmem>> -> memref<1x128x64xf32, #tpu.memory_space<vmem>>
        %gather3A_516 = tpu.memref_squeeze %gather3A_515 : memref<1x128x64xf32, #tpu.memory_space<vmem>> -> memref<128x64xf32, #tpu.memory_space<vmem>>
        %gather3A_517 = tpu.vector_load_idx %gather3A_516[%add3A_264, %add3A_484] : memref<128x64xf32, #tpu.memory_space<vmem>>[vector<16xi32>, vector<16xi32>], vector<16xf32>,
        %scatter3A_518 = arith.constant 1 : i32
        %scatter3A_519 = arith.constant 0 : i32
        %scatter3A_520 = arith.constant 0 : i32
        %scatter3A_521 = arith.constant 0 : i32
        %scatter3A_522 = tpu.memref_slice %arg7[%scatter3A_518, %scatter3A_519, %scatter3A_520, %scatter3A_521] : memref<2x8x8x128xf32, #tpu.memory_space<vmem>> -> memref<1x8x8x128xf32, #tpu.memory_space<vmem>>
        %scatter3A_523 = tpu.memref_squeeze %scatter3A_522 : memref<1x8x8x128xf32, #tpu.memory_space<vmem>> -> memref<8x8x128xf32, #tpu.memory_space<vmem>>
        tpu.vector_store_idx %scatter3A_523[%add3A_487, %and3A_255, %add3A_264], %gather3A_517 : memref<8x8x128xf32, #tpu.memory_space<vmem>>[vector<16xi32>, vector<16xi32>, vector<16xi32>], vector<16xf32>,
        %gather3A_524 = arith.constant 1 : i32
        %gather3A_525 = arith.constant 0 : i32
        %gather3A_526 = arith.constant 0 : i32
        %gather3A_527 = tpu.memref_slice %arg6[%gather3A_524, %gather3A_525, %gather3A_526] : memref<2x128x64xf32, #tpu.memory_space<vmem>> -> memref<1x128x64xf32, #tpu.memory_space<vmem>>
        %gather3A_528 = tpu.memref_squeeze %gather3A_527 : memref<1x128x64xf32, #tpu.memory_space<vmem>> -> memref<128x64xf32, #tpu.memory_space<vmem>>
        %gather3A_529 = tpu.vector_load_idx %gather3A_528[%add3A_267, %add3A_484] : memref<128x64xf32, #tpu.memory_space<vmem>>[vector<16xi32>, vector<16xi32>], vector<16xf32>,
        %scatter3A_530 = arith.constant 1 : i32
        %scatter3A_531 = arith.constant 0 : i32
        %scatter3A_532 = arith.constant 0 : i32
        %scatter3A_533 = arith.constant 0 : i32
        %scatter3A_534 = tpu.memref_slice %arg7[%scatter3A_530, %scatter3A_531, %scatter3A_532, %scatter3A_533] : memref<2x8x8x128xf32, #tpu.memory_space<vmem>> -> memref<1x8x8x128xf32, #tpu.memory_space<vmem>>
        %scatter3A_535 = tpu.memref_squeeze %scatter3A_534 : memref<1x8x8x128xf32, #tpu.memory_space<vmem>> -> memref<8x8x128xf32, #tpu.memory_space<vmem>>
        tpu.vector_store_idx %scatter3A_535[%add3A_487, %and3A_255, %add3A_267], %gather3A_529 : memref<8x8x128xf32, #tpu.memory_space<vmem>>[vector<16xi32>, vector<16xi32>, vector<16xi32>], vector<16xf32>,
        %gather3A_536 = arith.constant 1 : i32
        %gather3A_537 = arith.constant 0 : i32
        %gather3A_538 = arith.constant 0 : i32
        %gather3A_539 = tpu.memref_slice %arg6[%gather3A_536, %gather3A_537, %gather3A_538] : memref<2x128x64xf32, #tpu.memory_space<vmem>> -> memref<1x128x64xf32, #tpu.memory_space<vmem>>
        %gather3A_540 = tpu.memref_squeeze %gather3A_539 : memref<1x128x64xf32, #tpu.memory_space<vmem>> -> memref<128x64xf32, #tpu.memory_space<vmem>>
        %gather3A_541 = tpu.vector_load_idx %gather3A_540[%add3A_270, %add3A_484] : memref<128x64xf32, #tpu.memory_space<vmem>>[vector<16xi32>, vector<16xi32>], vector<16xf32>,
        %scatter3A_542 = arith.constant 1 : i32
        %scatter3A_543 = arith.constant 0 : i32
        %scatter3A_544 = arith.constant 0 : i32
        %scatter3A_545 = arith.constant 0 : i32
        %scatter3A_546 = tpu.memref_slice %arg7[%scatter3A_542, %scatter3A_543, %scatter3A_544, %scatter3A_545] : memref<2x8x8x128xf32, #tpu.memory_space<vmem>> -> memref<1x8x8x128xf32, #tpu.memory_space<vmem>>
        %scatter3A_547 = tpu.memref_squeeze %scatter3A_546 : memref<1x8x8x128xf32, #tpu.memory_space<vmem>> -> memref<8x8x128xf32, #tpu.memory_space<vmem>>
        tpu.vector_store_idx %scatter3A_547[%add3A_487, %and3A_255, %add3A_270], %gather3A_541 : memref<8x8x128xf32, #tpu.memory_space<vmem>>[vector<16xi32>, vector<16xi32>, vector<16xi32>], vector<16xf32>,
        %gather3A_548 = arith.constant 1 : i32
        %gather3A_549 = arith.constant 0 : i32
        %gather3A_550 = arith.constant 0 : i32
        %gather3A_551 = tpu.memref_slice %arg6[%gather3A_548, %gather3A_549, %gather3A_550] : memref<2x128x64xf32, #tpu.memory_space<vmem>> -> memref<1x128x64xf32, #tpu.memory_space<vmem>>
        %gather3A_552 = tpu.memref_squeeze %gather3A_551 : memref<1x128x64xf32, #tpu.memory_space<vmem>> -> memref<128x64xf32, #tpu.memory_space<vmem>>
        %gather3A_553 = tpu.vector_load_idx %gather3A_552[%add3A_273, %add3A_484] : memref<128x64xf32, #tpu.memory_space<vmem>>[vector<16xi32>, vector<16xi32>], vector<16xf32>,
        %scatter3A_554 = arith.constant 1 : i32
        %scatter3A_555 = arith.constant 0 : i32
        %scatter3A_556 = arith.constant 0 : i32
        %scatter3A_557 = arith.constant 0 : i32
        %scatter3A_558 = tpu.memref_slice %arg7[%scatter3A_554, %scatter3A_555, %scatter3A_556, %scatter3A_557] : memref<2x8x8x128xf32, #tpu.memory_space<vmem>> -> memref<1x8x8x128xf32, #tpu.memory_space<vmem>>
        %scatter3A_559 = tpu.memref_squeeze %scatter3A_558 : memref<1x8x8x128xf32, #tpu.memory_space<vmem>> -> memref<8x8x128xf32, #tpu.memory_space<vmem>>
        tpu.vector_store_idx %scatter3A_559[%add3A_487, %and3A_255, %add3A_273], %gather3A_553 : memref<8x8x128xf32, #tpu.memory_space<vmem>>[vector<16xi32>, vector<16xi32>, vector<16xi32>], vector<16xf32>,
        %gather3A_560 = arith.constant 1 : i32
        %gather3A_561 = arith.constant 0 : i32
        %gather3A_562 = arith.constant 0 : i32
        %gather3A_563 = tpu.memref_slice %arg6[%gather3A_560, %gather3A_561, %gather3A_562] : memref<2x128x64xf32, #tpu.memory_space<vmem>> -> memref<1x128x64xf32, #tpu.memory_space<vmem>>
        %gather3A_564 = tpu.memref_squeeze %gather3A_563 : memref<1x128x64xf32, #tpu.memory_space<vmem>> -> memref<128x64xf32, #tpu.memory_space<vmem>>
        %gather3A_565 = tpu.vector_load_idx %gather3A_564[%add3A_276, %add3A_484] : memref<128x64xf32, #tpu.memory_space<vmem>>[vector<16xi32>, vector<16xi32>], vector<16xf32>,
        %scatter3A_566 = arith.constant 1 : i32
        %scatter3A_567 = arith.constant 0 : i32
        %scatter3A_568 = arith.constant 0 : i32
        %scatter3A_569 = arith.constant 0 : i32
        %scatter3A_570 = tpu.memref_slice %arg7[%scatter3A_566, %scatter3A_567, %scatter3A_568, %scatter3A_569] : memref<2x8x8x128xf32, #tpu.memory_space<vmem>> -> memref<1x8x8x128xf32, #tpu.memory_space<vmem>>
        %scatter3A_571 = tpu.memref_squeeze %scatter3A_570 : memref<1x8x8x128xf32, #tpu.memory_space<vmem>> -> memref<8x8x128xf32, #tpu.memory_space<vmem>>
        tpu.vector_store_idx %scatter3A_571[%add3A_487, %and3A_255, %add3A_276], %gather3A_565 : memref<8x8x128xf32, #tpu.memory_space<vmem>>[vector<16xi32>, vector<16xi32>, vector<16xi32>], vector<16xf32>,
        %gather3A_572 = arith.constant 1 : i32
        %gather3A_573 = arith.constant 0 : i32
        %gather3A_574 = arith.constant 0 : i32
        %gather3A_575 = tpu.memref_slice %arg6[%gather3A_572, %gather3A_573, %gather3A_574] : memref<2x128x64xf32, #tpu.memory_space<vmem>> -> memref<1x128x64xf32, #tpu.memory_space<vmem>>
        %gather3A_576 = tpu.memref_squeeze %gather3A_575 : memref<1x128x64xf32, #tpu.memory_space<vmem>> -> memref<128x64xf32, #tpu.memory_space<vmem>>
        %gather3A_577 = tpu.vector_load_idx %gather3A_576[%add3A_279, %add3A_484] : memref<128x64xf32, #tpu.memory_space<vmem>>[vector<16xi32>, vector<16xi32>], vector<16xf32>,
        %scatter3A_578 = arith.constant 1 : i32
        %scatter3A_579 = arith.constant 0 : i32
        %scatter3A_580 = arith.constant 0 : i32
        %scatter3A_581 = arith.constant 0 : i32
        %scatter3A_582 = tpu.memref_slice %arg7[%scatter3A_578, %scatter3A_579, %scatter3A_580, %scatter3A_581] : memref<2x8x8x128xf32, #tpu.memory_space<vmem>> -> memref<1x8x8x128xf32, #tpu.memory_space<vmem>>
        %scatter3A_583 = tpu.memref_squeeze %scatter3A_582 : memref<1x8x8x128xf32, #tpu.memory_space<vmem>> -> memref<8x8x128xf32, #tpu.memory_space<vmem>>
        tpu.vector_store_idx %scatter3A_583[%add3A_487, %and3A_255, %add3A_279], %gather3A_577 : memref<8x8x128xf32, #tpu.memory_space<vmem>>[vector<16xi32>, vector<16xi32>, vector<16xi32>], vector<16xf32>,
        %add3A_584 = arith.constant 48 : i32
        %add3A_585 = vector.broadcast %add3A_584 : i32 to vector<16xi32>
        %add3A_586 = arith.addi %rem3A_250, %add3A_585 : vector<16xi32>
        %add3A_587 = arith.constant 6 : i32
        %add3A_588 = vector.broadcast %add3A_587 : i32 to vector<16xi32>
        %add3A_589 = arith.addi %shift_right_logical3A_252, %add3A_588 : vector<16xi32>
        %gather3A_590 = arith.constant 1 : i32
        %gather3A_591 = arith.constant 0 : i32
        %gather3A_592 = arith.constant 0 : i32
        %gather3A_593 = tpu.memref_slice %arg6[%gather3A_590, %gather3A_591, %gather3A_592] : memref<2x128x64xf32, #tpu.memory_space<vmem>> -> memref<1x128x64xf32, #tpu.memory_space<vmem>>
        %gather3A_594 = tpu.memref_squeeze %gather3A_593 : memref<1x128x64xf32, #tpu.memory_space<vmem>> -> memref<128x64xf32, #tpu.memory_space<vmem>>
        %gather3A_595 = tpu.vector_load_idx %gather3A_594[%add3A_258, %add3A_586] : memref<128x64xf32, #tpu.memory_space<vmem>>[vector<16xi32>, vector<16xi32>], vector<16xf32>,
        %scatter3A_596 = arith.constant 1 : i32
        %scatter3A_597 = arith.constant 0 : i32
        %scatter3A_598 = arith.constant 0 : i32
        %scatter3A_599 = arith.constant 0 : i32
        %scatter3A_600 = tpu.memref_slice %arg7[%scatter3A_596, %scatter3A_597, %scatter3A_598, %scatter3A_599] : memref<2x8x8x128xf32, #tpu.memory_space<vmem>> -> memref<1x8x8x128xf32, #tpu.memory_space<vmem>>
        %scatter3A_601 = tpu.memref_squeeze %scatter3A_600 : memref<1x8x8x128xf32, #tpu.memory_space<vmem>> -> memref<8x8x128xf32, #tpu.memory_space<vmem>>
        tpu.vector_store_idx %scatter3A_601[%add3A_589, %and3A_255, %add3A_258], %gather3A_595 : memref<8x8x128xf32, #tpu.memory_space<vmem>>[vector<16xi32>, vector<16xi32>, vector<16xi32>], vector<16xf32>,
        %gather3A_602 = arith.constant 1 : i32
        %gather3A_603 = arith.constant 0 : i32
        %gather3A_604 = arith.constant 0 : i32
        %gather3A_605 = tpu.memref_slice %arg6[%gather3A_602, %gather3A_603, %gather3A_604] : memref<2x128x64xf32, #tpu.memory_space<vmem>> -> memref<1x128x64xf32, #tpu.memory_space<vmem>>
        %gather3A_606 = tpu.memref_squeeze %gather3A_605 : memref<1x128x64xf32, #tpu.memory_space<vmem>> -> memref<128x64xf32, #tpu.memory_space<vmem>>
        %gather3A_607 = tpu.vector_load_idx %gather3A_606[%add3A_261, %add3A_586] : memref<128x64xf32, #tpu.memory_space<vmem>>[vector<16xi32>, vector<16xi32>], vector<16xf32>,
        %scatter3A_608 = arith.constant 1 : i32
        %scatter3A_609 = arith.constant 0 : i32
        %scatter3A_610 = arith.constant 0 : i32
        %scatter3A_611 = arith.constant 0 : i32
        %scatter3A_612 = tpu.memref_slice %arg7[%scatter3A_608, %scatter3A_609, %scatter3A_610, %scatter3A_611] : memref<2x8x8x128xf32, #tpu.memory_space<vmem>> -> memref<1x8x8x128xf32, #tpu.memory_space<vmem>>
        %scatter3A_613 = tpu.memref_squeeze %scatter3A_612 : memref<1x8x8x128xf32, #tpu.memory_space<vmem>> -> memref<8x8x128xf32, #tpu.memory_space<vmem>>
        tpu.vector_store_idx %scatter3A_613[%add3A_589, %and3A_255, %add3A_261], %gather3A_607 : memref<8x8x128xf32, #tpu.memory_space<vmem>>[vector<16xi32>, vector<16xi32>, vector<16xi32>], vector<16xf32>,
        %gather3A_614 = arith.constant 1 : i32
        %gather3A_615 = arith.constant 0 : i32
        %gather3A_616 = arith.constant 0 : i32
        %gather3A_617 = tpu.memref_slice %arg6[%gather3A_614, %gather3A_615, %gather3A_616] : memref<2x128x64xf32, #tpu.memory_space<vmem>> -> memref<1x128x64xf32, #tpu.memory_space<vmem>>
        %gather3A_618 = tpu.memref_squeeze %gather3A_617 : memref<1x128x64xf32, #tpu.memory_space<vmem>> -> memref<128x64xf32, #tpu.memory_space<vmem>>
        %gather3A_619 = tpu.vector_load_idx %gather3A_618[%add3A_264, %add3A_586] : memref<128x64xf32, #tpu.memory_space<vmem>>[vector<16xi32>, vector<16xi32>], vector<16xf32>,
        %scatter3A_620 = arith.constant 1 : i32
        %scatter3A_621 = arith.constant 0 : i32
        %scatter3A_622 = arith.constant 0 : i32
        %scatter3A_623 = arith.constant 0 : i32
        %scatter3A_624 = tpu.memref_slice %arg7[%scatter3A_620, %scatter3A_621, %scatter3A_622, %scatter3A_623] : memref<2x8x8x128xf32, #tpu.memory_space<vmem>> -> memref<1x8x8x128xf32, #tpu.memory_space<vmem>>
        %scatter3A_625 = tpu.memref_squeeze %scatter3A_624 : memref<1x8x8x128xf32, #tpu.memory_space<vmem>> -> memref<8x8x128xf32, #tpu.memory_space<vmem>>
        tpu.vector_store_idx %scatter3A_625[%add3A_589, %and3A_255, %add3A_264], %gather3A_619 : memref<8x8x128xf32, #tpu.memory_space<vmem>>[vector<16xi32>, vector<16xi32>, vector<16xi32>], vector<16xf32>,
        %gather3A_626 = arith.constant 1 : i32
        %gather3A_627 = arith.constant 0 : i32
        %gather3A_628 = arith.constant 0 : i32
        %gather3A_629 = tpu.memref_slice %arg6[%gather3A_626, %gather3A_627, %gather3A_628] : memref<2x128x64xf32, #tpu.memory_space<vmem>> -> memref<1x128x64xf32, #tpu.memory_space<vmem>>
        %gather3A_630 = tpu.memref_squeeze %gather3A_629 : memref<1x128x64xf32, #tpu.memory_space<vmem>> -> memref<128x64xf32, #tpu.memory_space<vmem>>
        %gather3A_631 = tpu.vector_load_idx %gather3A_630[%add3A_267, %add3A_586] : memref<128x64xf32, #tpu.memory_space<vmem>>[vector<16xi32>, vector<16xi32>], vector<16xf32>,
        %scatter3A_632 = arith.constant 1 : i32
        %scatter3A_633 = arith.constant 0 : i32
        %scatter3A_634 = arith.constant 0 : i32
        %scatter3A_635 = arith.constant 0 : i32
        %scatter3A_636 = tpu.memref_slice %arg7[%scatter3A_632, %scatter3A_633, %scatter3A_634, %scatter3A_635] : memref<2x8x8x128xf32, #tpu.memory_space<vmem>> -> memref<1x8x8x128xf32, #tpu.memory_space<vmem>>
        %scatter3A_637 = tpu.memref_squeeze %scatter3A_636 : memref<1x8x8x128xf32, #tpu.memory_space<vmem>> -> memref<8x8x128xf32, #tpu.memory_space<vmem>>
        tpu.vector_store_idx %scatter3A_637[%add3A_589, %and3A_255, %add3A_267], %gather3A_631 : memref<8x8x128xf32, #tpu.memory_space<vmem>>[vector<16xi32>, vector<16xi32>, vector<16xi32>], vector<16xf32>,
        %gather3A_638 = arith.constant 1 : i32
        %gather3A_639 = arith.constant 0 : i32
        %gather3A_640 = arith.constant 0 : i32
        %gather3A_641 = tpu.memref_slice %arg6[%gather3A_638, %gather3A_639, %gather3A_640] : memref<2x128x64xf32, #tpu.memory_space<vmem>> -> memref<1x128x64xf32, #tpu.memory_space<vmem>>
        %gather3A_642 = tpu.memref_squeeze %gather3A_641 : memref<1x128x64xf32, #tpu.memory_space<vmem>> -> memref<128x64xf32, #tpu.memory_space<vmem>>
        %gather3A_643 = tpu.vector_load_idx %gather3A_642[%add3A_270, %add3A_586] : memref<128x64xf32, #tpu.memory_space<vmem>>[vector<16xi32>, vector<16xi32>], vector<16xf32>,
        %scatter3A_644 = arith.constant 1 : i32
        %scatter3A_645 = arith.constant 0 : i32
        %scatter3A_646 = arith.constant 0 : i32
        %scatter3A_647 = arith.constant 0 : i32
        %scatter3A_648 = tpu.memref_slice %arg7[%scatter3A_644, %scatter3A_645, %scatter3A_646, %scatter3A_647] : memref<2x8x8x128xf32, #tpu.memory_space<vmem>> -> memref<1x8x8x128xf32, #tpu.memory_space<vmem>>
        %scatter3A_649 = tpu.memref_squeeze %scatter3A_648 : memref<1x8x8x128xf32, #tpu.memory_space<vmem>> -> memref<8x8x128xf32, #tpu.memory_space<vmem>>
        tpu.vector_store_idx %scatter3A_649[%add3A_589, %and3A_255, %add3A_270], %gather3A_643 : memref<8x8x128xf32, #tpu.memory_space<vmem>>[vector<16xi32>, vector<16xi32>, vector<16xi32>], vector<16xf32>,
        %gather3A_650 = arith.constant 1 : i32
        %gather3A_651 = arith.constant 0 : i32
        %gather3A_652 = arith.constant 0 : i32
        %gather3A_653 = tpu.memref_slice %arg6[%gather3A_650, %gather3A_651, %gather3A_652] : memref<2x128x64xf32, #tpu.memory_space<vmem>> -> memref<1x128x64xf32, #tpu.memory_space<vmem>>
        %gather3A_654 = tpu.memref_squeeze %gather3A_653 : memref<1x128x64xf32, #tpu.memory_space<vmem>> -> memref<128x64xf32, #tpu.memory_space<vmem>>
        %gather3A_655 = tpu.vector_load_idx %gather3A_654[%add3A_273, %add3A_586] : memref<128x64xf32, #tpu.memory_space<vmem>>[vector<16xi32>, vector<16xi32>], vector<16xf32>,
        %scatter3A_656 = arith.constant 1 : i32
        %scatter3A_657 = arith.constant 0 : i32
        %scatter3A_658 = arith.constant 0 : i32
        %scatter3A_659 = arith.constant 0 : i32
        %scatter3A_660 = tpu.memref_slice %arg7[%scatter3A_656, %scatter3A_657, %scatter3A_658, %scatter3A_659] : memref<2x8x8x128xf32, #tpu.memory_space<vmem>> -> memref<1x8x8x128xf32, #tpu.memory_space<vmem>>
        %scatter3A_661 = tpu.memref_squeeze %scatter3A_660 : memref<1x8x8x128xf32, #tpu.memory_space<vmem>> -> memref<8x8x128xf32, #tpu.memory_space<vmem>>
        tpu.vector_store_idx %scatter3A_661[%add3A_589, %and3A_255, %add3A_273], %gather3A_655 : memref<8x8x128xf32, #tpu.memory_space<vmem>>[vector<16xi32>, vector<16xi32>, vector<16xi32>], vector<16xf32>,
        %gather3A_662 = arith.constant 1 : i32
        %gather3A_663 = arith.constant 0 : i32
        %gather3A_664 = arith.constant 0 : i32
        %gather3A_665 = tpu.memref_slice %arg6[%gather3A_662, %gather3A_663, %gather3A_664] : memref<2x128x64xf32, #tpu.memory_space<vmem>> -> memref<1x128x64xf32, #tpu.memory_space<vmem>>
        %gather3A_666 = tpu.memref_squeeze %gather3A_665 : memref<1x128x64xf32, #tpu.memory_space<vmem>> -> memref<128x64xf32, #tpu.memory_space<vmem>>
        %gather3A_667 = tpu.vector_load_idx %gather3A_666[%add3A_276, %add3A_586] : memref<128x64xf32, #tpu.memory_space<vmem>>[vector<16xi32>, vector<16xi32>], vector<16xf32>,
        %scatter3A_668 = arith.constant 1 : i32
        %scatter3A_669 = arith.constant 0 : i32
        %scatter3A_670 = arith.constant 0 : i32
        %scatter3A_671 = arith.constant 0 : i32
        %scatter3A_672 = tpu.memref_slice %arg7[%scatter3A_668, %scatter3A_669, %scatter3A_670, %scatter3A_671] : memref<2x8x8x128xf32, #tpu.memory_space<vmem>> -> memref<1x8x8x128xf32, #tpu.memory_space<vmem>>
        %scatter3A_673 = tpu.memref_squeeze %scatter3A_672 : memref<1x8x8x128xf32, #tpu.memory_space<vmem>> -> memref<8x8x128xf32, #tpu.memory_space<vmem>>
        tpu.vector_store_idx %scatter3A_673[%add3A_589, %and3A_255, %add3A_276], %gather3A_667 : memref<8x8x128xf32, #tpu.memory_space<vmem>>[vector<16xi32>, vector<16xi32>, vector<16xi32>], vector<16xf32>,
        %gather3A_674 = arith.constant 1 : i32
        %gather3A_675 = arith.constant 0 : i32
        %gather3A_676 = arith.constant 0 : i32
        %gather3A_677 = tpu.memref_slice %arg6[%gather3A_674, %gather3A_675, %gather3A_676] : memref<2x128x64xf32, #tpu.memory_space<vmem>> -> memref<1x128x64xf32, #tpu.memory_space<vmem>>
        %gather3A_678 = tpu.memref_squeeze %gather3A_677 : memref<1x128x64xf32, #tpu.memory_space<vmem>> -> memref<128x64xf32, #tpu.memory_space<vmem>>
        %gather3A_679 = tpu.vector_load_idx %gather3A_678[%add3A_279, %add3A_586] : memref<128x64xf32, #tpu.memory_space<vmem>>[vector<16xi32>, vector<16xi32>], vector<16xf32>,
        %scatter3A_680 = arith.constant 1 : i32
        %scatter3A_681 = arith.constant 0 : i32
        %scatter3A_682 = arith.constant 0 : i32
        %scatter3A_683 = arith.constant 0 : i32
        %scatter3A_684 = tpu.memref_slice %arg7[%scatter3A_680, %scatter3A_681, %scatter3A_682, %scatter3A_683] : memref<2x8x8x128xf32, #tpu.memory_space<vmem>> -> memref<1x8x8x128xf32, #tpu.memory_space<vmem>>
        %scatter3A_685 = tpu.memref_squeeze %scatter3A_684 : memref<1x8x8x128xf32, #tpu.memory_space<vmem>> -> memref<8x8x128xf32, #tpu.memory_space<vmem>>
        tpu.vector_store_idx %scatter3A_685[%add3A_589, %and3A_255, %add3A_279], %gather3A_679 : memref<8x8x128xf32, #tpu.memory_space<vmem>>[vector<16xi32>, vector<16xi32>, vector<16xi32>], vector<16xf32>,
      }
      %scan3A_176 = arith.constant 16 : i32
      %add3A_177 = arith.constant 1 : i32
      %add3A_178 = arith.addi %add3A_67, %add3A_177 : i32
      %add3A_179 = arith.addi %mul3A_2, %add3A_178 : i32
      %jit3A_180 = arith.constant 32 : i32
      %div3A_181 = arith.divsi %add3A_179, %jit3A_180 : i32
      %sign3A_182 = arith.constant 0 : i32
      %sign3A_183 = arith.cmpi sgt, %add3A_179, %sign3A_182 : i32
      %sign3A_184 = arith.extui %sign3A_183 : i1 to i32
      %sign3A_185 = arith.constant 0 : i32
      %sign3A_186 = arith.cmpi slt, %add3A_179, %sign3A_185 : i32
      %sign3A_187 = arith.extui %sign3A_186 : i1 to i32
      %sign3A_188 = arith.subi %sign3A_184, %sign3A_187 : i32
      %sign3A_189 = arith.constant 0 : i32
      %sign3A_190 = arith.cmpi sgt, %jit3A_180, %sign3A_189 : i32
      %sign3A_191 = arith.extui %sign3A_190 : i1 to i32
      %sign3A_192 = arith.constant 0 : i32
      %sign3A_193 = arith.cmpi slt, %jit3A_180, %sign3A_192 : i32
      %sign3A_194 = arith.extui %sign3A_193 : i1 to i32
      %sign3A_195 = arith.subi %sign3A_191, %sign3A_194 : i32
      %ne3A_196 = arith.cmpi ne, %sign3A_188, %sign3A_195 : i32
      %rem3A_197 = arith.remsi %add3A_179, %jit3A_180 : i32
      %ne3A_198 = arith.constant 0 : i32
      %ne3A_199 = arith.cmpi ne, %rem3A_197, %ne3A_198 : i32
      %and3A_200 = arith.andi %ne3A_196, %ne3A_199 : i1
      %sub3A_201 = arith.constant 1 : i32
      %sub3A_202 = arith.subi %div3A_181, %sub3A_201 : i32
      %select_n3A_203 = arith.select %and3A_200, %sub3A_202, %div3A_181 : i32
      %jit3A_204 = arith.constant 32 : i32
      %eq3A_205 = arith.constant 0 : i32
      %eq3A_206 = arith.cmpi eq, %jit3A_204, %eq3A_205 : i32
      %jit3A_207 = arith.constant 1 : i32
      %select_n3A_208 = arith.select %eq3A_206, %jit3A_207, %jit3A_204 : i32
      %rem3A_209 = arith.remsi %add3A_179, %select_n3A_208 : i32
      %ne3A_210 = arith.constant 0 : i32
      %ne3A_211 = arith.cmpi ne, %rem3A_209, %ne3A_210 : i32
      %lt3A_212 = arith.constant 0 : i32
      %lt3A_213 = arith.cmpi slt, %rem3A_209, %lt3A_212 : i32
      %lt3A_214 = arith.constant 0 : i32
      %lt3A_215 = arith.cmpi slt, %select_n3A_208, %lt3A_214 : i32
      %ne3A_216 = arith.xori %lt3A_213, %lt3A_215 : i1
      %and3A_217 = arith.andi %ne3A_216, %ne3A_211 : i1
      %add3A_218 = arith.addi %rem3A_209, %select_n3A_208 : i32
      %select_n3A_219 = arith.select %and3A_217, %add3A_218, %rem3A_209 : i32
      %dma_start3A_220 = arith.constant 1 : i32
      %dma_start3A_221 = arith.constant 0 : i32
      %dma_start3A_222 = arith.constant 0 : i32
      %dma_start3A_223 = arith.constant 0 : i32
      %dma_start3A_224 = tpu.memref_slice %arg7[%dma_start3A_220, %dma_start3A_221, %dma_start3A_222, %dma_start3A_223] : memref<2x8x8x128xf32, #tpu.memory_space<vmem>> -> memref<1x8x8x128xf32, #tpu.memory_space<vmem>>
      %dma_start3A_225 = tpu.memref_squeeze %dma_start3A_224 : memref<1x8x8x128xf32, #tpu.memory_space<vmem>> -> memref<8x8x128xf32, #tpu.memory_space<vmem>>
      %dma_start3A_226 = arith.constant 0 : i32
      %dma_start3A_227 = arith.constant 0 : i32
      %dma_start3A_228 = arith.constant 0 : i32
      %dma_start3A_229 = tpu.memref_slice %arg4[%select_n3A_203, %dma_start3A_226, %select_n3A_219, %dma_start3A_227, %dma_start3A_228] : memref<200x8x32x8x128xf32, #tpu.memory_space<hbm>> -> memref<1x8x1x8x128xf32, #tpu.memory_space<hbm>>
      %dma_start3A_230 = tpu.memref_squeeze %dma_start3A_229 : memref<1x8x1x8x128xf32, #tpu.memory_space<hbm>> -> memref<8x8x128xf32, #tpu.memory_space<hbm>>
      %dma_start3A_231 = arith.constant 0 : i32
      %dma_start3A_232 = arith.constant 0 : i32
      %dma_start3A_233 = arith.constant 0 : i32
      %dma_start3A_234 = tpu.memref_slice %arg4[%select_n3A_203, %dma_start3A_231, %select_n3A_219, %dma_start3A_232, %dma_start3A_233] : memref<200x8x32x8x128xf32, #tpu.memory_space<hbm>> -> memref<1x8x1x8x128xf32, #tpu.memory_space<hbm>>
      %dma_start3A_235 = tpu.memref_squeeze %dma_start3A_234 : memref<1x8x1x8x128xf32, #tpu.memory_space<hbm>> -> memref<8x8x128xf32, #tpu.memory_space<hbm>>
      %dma_start3A_236 = arith.constant 0 : i32
      %dma_start3A_237 = arith.constant 0 : i32
      %dma_start3A_238 = arith.constant 0 : i32
      %dma_start3A_239 = tpu.memref_slice %arg7[%dma_start3A_220, %dma_start3A_236, %dma_start3A_237, %dma_start3A_238] : memref<2x8x8x128xf32, #tpu.memory_space<vmem>> -> memref<1x8x8x128xf32, #tpu.memory_space<vmem>>
      %dma_start3A_240 = tpu.memref_squeeze %dma_start3A_239 : memref<1x8x8x128xf32, #tpu.memory_space<vmem>> -> memref<8x8x128xf32, #tpu.memory_space<vmem>>
      tpu.enqueue_dma source(%dma_start3A_240 : memref<8x8x128xf32, #tpu.memory_space<vmem>>) target(%dma_start3A_235 : memref<8x8x128xf32, #tpu.memory_space<hbm>>) target_semaphore(%arg11 : memref<!tpu.dma_semaphore, #tpu.memory_space<semaphore_mem>>)
    }
    %scan3A_17 = arith.constant 100 : i32
    %dma_wait3A = arith.constant 0 : i32
    %dma_wait3A_18 = arith.constant 0 : i32
    %dma_wait3A_19 = arith.constant 0 : i32
    %dma_wait3A_20 = arith.constant 0 : i32
    %dma_wait3A_21 = arith.constant 0 : i32
    %dma_wait3A_22 = arith.constant 0 : i32
    %dma_wait3A_23 = tpu.memref_slice %arg7[%dma_wait3A, %dma_wait3A_20, %dma_wait3A_21, %dma_wait3A_22] : memref<2x8x8x128xf32, #tpu.memory_space<vmem>> -> memref<1x8x8x128xf32, #tpu.memory_space<vmem>>
    %dma_wait3A_24 = tpu.memref_squeeze %dma_wait3A_23 : memref<1x8x8x128xf32, #tpu.memory_space<vmem>> -> memref<8x8x128xf32, #tpu.memory_space<vmem>>
    %dma_wait3A_25 = arith.constant 0 : i32
    %dma_wait3A_26 = arith.constant 0 : i32
    %dma_wait3A_27 = arith.constant 0 : i32
    %dma_wait3A_28 = tpu.memref_slice %arg4[%dma_wait3A_18, %dma_wait3A_25, %dma_wait3A_19, %dma_wait3A_26, %dma_wait3A_27] : memref<200x8x32x8x128xf32, #tpu.memory_space<hbm>> -> memref<1x8x1x8x128xf32, #tpu.memory_space<hbm>>
    %dma_wait3A_29 = tpu.memref_squeeze %dma_wait3A_28 : memref<1x8x1x8x128xf32, #tpu.memory_space<hbm>> -> memref<8x8x128xf32, #tpu.memory_space<hbm>>
    %dma_wait3A_30 = arith.constant 0 : i32
    %dma_wait3A_31 = arith.constant 0 : i32
    %dma_wait3A_32 = arith.constant 0 : i32
    %dma_wait3A_33 = tpu.memref_slice %arg4[%dma_wait3A_18, %dma_wait3A_30, %dma_wait3A_19, %dma_wait3A_31, %dma_wait3A_32] : memref<200x8x32x8x128xf32, #tpu.memory_space<hbm>> -> memref<1x8x1x8x128xf32, #tpu.memory_space<hbm>>
    %dma_wait3A_34 = tpu.memref_squeeze %dma_wait3A_33 : memref<1x8x1x8x128xf32, #tpu.memory_space<hbm>> -> memref<8x8x128xf32, #tpu.memory_space<hbm>>
    %dma_wait3A_35 = arith.constant 0 : i32
    %dma_wait3A_36 = arith.constant 0 : i32
    %dma_wait3A_37 = arith.constant 0 : i32
    %dma_wait3A_38 = tpu.memref_slice %arg7[%dma_wait3A, %dma_wait3A_35, %dma_wait3A_36, %dma_wait3A_37] : memref<2x8x8x128xf32, #tpu.memory_space<vmem>> -> memref<1x8x8x128xf32, #tpu.memory_space<vmem>>
    %dma_wait3A_39 = tpu.memref_squeeze %dma_wait3A_38 : memref<1x8x8x128xf32, #tpu.memory_space<vmem>> -> memref<8x8x128xf32, #tpu.memory_space<vmem>>
    tpu.wait_dma2 semaphore(%arg10 : memref<!tpu.dma_semaphore, #tpu.memory_space<semaphore_mem>>) src(%dma_wait3A_39 : memref<8x8x128xf32, #tpu.memory_space<vmem>>) dst(%dma_wait3A_34 : memref<8x8x128xf32, #tpu.memory_space<hbm>>)
    %dma_wait3A_40 = arith.constant 1 : i32
    %dma_wait3A_41 = arith.constant 0 : i32
    %dma_wait3A_42 = arith.constant 0 : i32
    %dma_wait3A_43 = arith.constant 0 : i32
    %dma_wait3A_44 = arith.constant 0 : i32
    %dma_wait3A_45 = arith.constant 0 : i32
    %dma_wait3A_46 = tpu.memref_slice %arg7[%dma_wait3A_40, %dma_wait3A_43, %dma_wait3A_44, %dma_wait3A_45] : memref<2x8x8x128xf32, #tpu.memory_space<vmem>> -> memref<1x8x8x128xf32, #tpu.memory_space<vmem>>
    %dma_wait3A_47 = tpu.memref_squeeze %dma_wait3A_46 : memref<1x8x8x128xf32, #tpu.memory_space<vmem>> -> memref<8x8x128xf32, #tpu.memory_space<vmem>>
    %dma_wait3A_48 = arith.constant 0 : i32
    %dma_wait3A_49 = arith.constant 0 : i32
    %dma_wait3A_50 = arith.constant 0 : i32
    %dma_wait3A_51 = tpu.memref_slice %arg4[%dma_wait3A_41, %dma_wait3A_48, %dma_wait3A_42, %dma_wait3A_49, %dma_wait3A_50] : memref<200x8x32x8x128xf32, #tpu.memory_space<hbm>> -> memref<1x8x1x8x128xf32, #tpu.memory_space<hbm>>
    %dma_wait3A_52 = tpu.memref_squeeze %dma_wait3A_51 : memref<1x8x1x8x128xf32, #tpu.memory_space<hbm>> -> memref<8x8x128xf32, #tpu.memory_space<hbm>>
    %dma_wait3A_53 = arith.constant 0 : i32
    %dma_wait3A_54 = arith.constant 0 : i32
    %dma_wait3A_55 = arith.constant 0 : i32
    %dma_wait3A_56 = tpu.memref_slice %arg4[%dma_wait3A_41, %dma_wait3A_53, %dma_wait3A_42, %dma_wait3A_54, %dma_wait3A_55] : memref<200x8x32x8x128xf32, #tpu.memory_space<hbm>> -> memref<1x8x1x8x128xf32, #tpu.memory_space<hbm>>
    %dma_wait3A_57 = tpu.memref_squeeze %dma_wait3A_56 : memref<1x8x1x8x128xf32, #tpu.memory_space<hbm>> -> memref<8x8x128xf32, #tpu.memory_space<hbm>>
    %dma_wait3A_58 = arith.constant 0 : i32
    %dma_wait3A_59 = arith.constant 0 : i32
    %dma_wait3A_60 = arith.constant 0 : i32
    %dma_wait3A_61 = tpu.memref_slice %arg7[%dma_wait3A_40, %dma_wait3A_58, %dma_wait3A_59, %dma_wait3A_60] : memref<2x8x8x128xf32, #tpu.memory_space<vmem>> -> memref<1x8x8x128xf32, #tpu.memory_space<vmem>>
    %dma_wait3A_62 = tpu.memref_squeeze %dma_wait3A_61 : memref<1x8x8x128xf32, #tpu.memory_space<vmem>> -> memref<8x8x128xf32, #tpu.memory_space<vmem>>
    tpu.wait_dma2 semaphore(%arg11 : memref<!tpu.dma_semaphore, #tpu.memory_space<semaphore_mem>>) src(%dma_wait3A_62 : memref<8x8x128xf32, #tpu.memory_space<vmem>>) dst(%dma_wait3A_57 : memref<8x8x128xf32, #tpu.memory_space<hbm>>)
    return
  }
}

</mosaic_0001>

<sc_bundles>
// kernel: run.3.cloned.1.call-start
scs
__scs_entry_jumppad:
0x0: {  	(pc) =	sbr.rel $0x88, $3  }
0x1: {  	(tag) =	ssettag $0x0;
	lr =	simm.s32 $0x1  }
0x2: {  	[smem:$0x3F9F] =	sst lr;
	_ =	strace $0xD0000000  }
0x3: {  	_ = 	snop  }
0x4: {  	_ = 	snop  }
0x5: {  	_ = 	snop  }
0x6: {  	_ = 	snop  }
0x7: {  	_ = 	snop  }
__scs_overlays_trampoline_lowered:
0x8: {  	[smem:$0x3FAE] =	sst s0  }
0x9: {  	[smem:$0x3FAF] =	sst s1  }
0xa: {  	[smem:$0x3FB0] =	sst s2  }
0xb: {  	[smem:$0x3FB1] =	sst s3  }
0xc: {  	[smem:$0x3FB2] =	sst s4  }
0xd: {  	[smem:$0x3FB3] =	sst s5  }
0xe: {  	[smem:$0x3FB4] =	sst s6  }
0xf: {  	[smem:$0x3FB5] =	sst s7  }
0x10: {  	[smem:$0x3FB6] =	sst s8  }
0x11: {  	[smem:$0x3FB7] =	sst s9;
	s0 =	simm.s32 @!p0 $0x0  }
0x12: {  	s1 =	sld [smem:$0x3F9D];
	s0 =	simm.s32 @p0 $0x1  }
0x13: {  	[smem:$0x3FB8] =	sst s0;
	s0 =	simm.s32 @!p1 $0x0  }
0x14: {  	s2 =	sld [smem:$0x3F9C];
	s0 =	simm.s32 @p1 $0x1  }
0x15: {  	[smem:$0x3FB9] =	sst s0;
	s0 =	simm.s32 @!p2 $0x0  }
0x16: {  	s3 =	sld [smem:$0x3FDB];
	s0 =	simm.s32 @p2 $0x1  }
0x17: {  	s4 =	simm.s32 $0x1BF5;
	[smem:$0x3FBB] =	sst s0  }
0x18: {  	s0 =	sld [smem:$0x3F9E];
	_ =	swait.ge [sflag:s4], $0x0  }
0x19: {  	s7 =	sld [smem:$0x3F9F]  }
0x1a: {  	s8 =	sadd.s32 $0xFFFFE003, lr  }
0x1b: {  	s9 =	sadd.s32 $0xFFFFFEF7, lr;
	s5 =	simm.s32 $0xFFFFFFFF;
	p2 =	slt.u32 s8, $0xFFFFF086  }
0x1c: {  	p1 =	slt.u32 s9, $0xF7A;
	s5 =	simm.s32 @!p2 $0x0  }
0x1d: {  	s5 =	simm.s32 @p1 $0x1;
	p0 =	seq.s32 s7, s2  }
0x1e: {  	s7 =	smul.u32 @!p0 $0xF7A, s2;
	p2 =	seq.s32 @!p0 s5, $0x0  }
0x1f: {  	s9 =	smul.u32 $0xF7A, s1;
	s8 =	simm.s32 @!p0 $0x1BF5;
	p2 =	por !p2, p0  }
0x20: {  	[sflag:s8] =	ssyncset.s32 @!p0 $0xFFFFF086;
	s6 =	sadd.s32 @!p0 s3, s7;
	s7 =	simm.s32 @!p0 $0x108  }
0x21: {  	s3 =	sadd.s32 s3, s9;
	s6 =	sadd.s32 @!p0 $0x88, s6;
	s7 =	simm.s32 @p2 $0x1082  }
0x22: {  	[simem:s7], [sflag:s8] =	dma.local @!p0 [hbm:s6], $0xF7A  }
0x23: {  	s9 =	sor.u32 $0xD0000000, s2;
	s6 =	simm.s32 $0x108;
	_ =	swait.ge @!p0 [sflag:s8], $0x0  }
0x24: {  	s3 =	sadd.s32 $0x88, s3;
	s6 =	simm.s32 @!p1 $0x1082;
	[sflag:s4] =	ssyncset.s32 $0xFFFFF086  }
0x25: {  	[simem:s6], [sflag:s4] =	dma.local [hbm:s3], $0xF7A  }
0x26: {  	[smem:$0x3F9F] =	sst s1;
	(tag) =	ssettag s2;
	_ =	strace s9  }
0x27: {  	s1 =	sld [smem:$0x3FAF]  }
0x28: {  	s2 =	sld [smem:$0x3FB0]  }
0x29: {  	s4 =	sld [smem:$0x3FB2]  }
0x2a: {  	p0 =	seq.s32 s5, $0x0;
	s5 =	sld [smem:$0x3FB3]  }
0x2b: {  	s6 =	sld [smem:$0x3FB4]  }
0x2c: {  	s7 =	sld [smem:$0x3FB5]  }
0x2d: {  	s3 =	simm.s32 $0x108;
	s8 =	sld [smem:$0x3FB6]  }
0x2e: {  	s3 =	simm.s32 @!p0 $0x1082;
	s9 =	sld [smem:$0x3FB7]  }
0x2f: {  	lr =	sadd.s32 s0, s3;
	s0 =	sld [smem:$0x3FAE]  }
0x30: {  	s3 =	sld [smem:$0x3FB1]  }
0x31: {  	[smem:$0x3FBA] =	sst s10  }
0x32: {  	s10 =	sld [smem:$0x3FB8];
	_ =	sdelay $0x3  }
0x33: {  	p0 =	seq.s32 s10, $0x1;
	s10 =	sld [smem:$0x3FBA];
	_ =	sdelay $0x3  }
0x34: {  	[smem:$0x3FBA] =	sst s10  }
0x35: {  	s10 =	sld [smem:$0x3FB9];
	_ =	sdelay $0x3  }
0x36: {  	p1 =	seq.s32 s10, $0x1;
	s10 =	sld [smem:$0x3FBA];
	_ =	sdelay $0x3  }
0x37: {  	[smem:$0x3FBA] =	sst s10  }
0x38: {  	s10 =	sld [smem:$0x3FBB]  }
0x39: {  	_ = 	snop;
	(pc) =	sbr.ind lr, $3  }
0x3a: {  	_ = 	snop  }
0x3b: {  	_ = 	snop  }
0x3c: {  	p2 =	seq.s32 s10, $0x1;
	s10 =	sld [smem:$0x3FBA]  }
0x3d: {  	_ =	shalt  }
0x3e: {  	_ =	shalt  }
0x3f: {  	_ =	shalt  }
0x40: {  	_ =	shalt  }
0x41: {  	_ =	shalt  }
0x42: {  	_ =	shalt  }
0x43: {  	_ =	shalt  }
0x44: {  	_ =	shalt  }
0x45: {  	_ =	shalt  }
0x46: {  	_ =	shalt  }
0x47: {  	_ =	shalt  }
0x48: {  	_ =	shalt  }
0x49: {  	_ =	shalt  }
0x4a: {  	_ =	shalt  }
0x4b: {  	_ =	shalt  }
0x4c: {  	_ =	shalt  }
0x4d: {  	_ =	shalt  }
0x4e: {  	_ =	shalt  }
0x4f: {  	_ =	shalt  }
0x50: {  	_ =	shalt  }
0x51: {  	_ =	shalt  }
0x52: {  	_ =	shalt  }
0x53: {  	_ =	shalt  }
0x54: {  	_ =	shalt  }
0x55: {  	_ =	shalt  }
0x56: {  	_ =	shalt  }
0x57: {  	_ =	shalt  }
0x58: {  	_ =	shalt  }
0x59: {  	_ =	shalt  }
0x5a: {  	_ =	shalt  }
0x5b: {  	_ =	shalt  }
0x5c: {  	_ =	shalt  }
0x5d: {  	_ =	shalt  }
0x5e: {  	_ =	shalt  }
0x5f: {  	_ =	shalt  }
0x60: {  	_ =	shalt  }
0x61: {  	_ =	shalt  }
0x62: {  	_ =	shalt  }
0x63: {  	_ =	shalt  }
0x64: {  	_ =	shalt  }
0x65: {  	_ =	shalt  }
0x66: {  	_ =	shalt  }
0x67: {  	_ =	shalt  }
0x68: {  	_ =	shalt  }
0x69: {  	_ =	shalt  }
0x6a: {  	_ =	shalt  }
0x6b: {  	_ =	shalt  }
0x6c: {  	_ =	shalt  }
0x6d: {  	_ =	shalt  }
0x6e: {  	_ =	shalt  }
0x6f: {  	_ =	shalt  }
0x70: {  	_ =	shalt  }
0x71: {  	_ =	shalt  }
0x72: {  	_ =	shalt  }
0x73: {  	_ =	shalt  }
0x74: {  	_ =	shalt  }
0x75: {  	_ =	shalt  }
0x76: {  	_ =	shalt  }
0x77: {  	_ =	shalt  }
0x78: {  	_ =	shalt  }
0x79: {  	_ =	shalt  }
0x7a: {  	_ =	shalt  }
0x7b: {  	_ =	shalt  }
0x7c: {  	_ =	shalt  }
0x7d: {  	_ =	shalt  }
0x7e: {  	_ =	shalt  }
0x7f: {  	_ =	shalt  }
0x80: {  	_ =	shalt  }
0x81: {  	_ =	shalt  }
0x82: {  	_ =	shalt  }
0x83: {  	_ =	shalt  }
0x84: {  	_ =	shalt  }
0x85: {  	_ =	shalt  }
0x86: {  	_ =	shalt  }
0x87: {  	_ =	shalt  }
.Lfunc_end0:
.L_simem_size_0:
called_computation_lowered:
.L_overlay_start_0:
0x88: {  	s2 =	sld [smem:$0x3FD9]  }
0x89: {  	s3 =	sld [smem:$0x3FFE];
	_ =	sdelay $0x1  }
0x8a: {  	s1 =	srdreg.scid  }
0x8b: {  	s0 =	sand.u32 $0x1, s1  }
0x8c: {  	s17 =	sshll.u32 s0, $0xA;
	s2 =	sadd.s32 s3, s2  }
0x8d: {  	s2 =	sadd.s32 s2, s17  }
0x8e: {  	[smem:$0x3FC6] =	sst s2  }
0x8f: {  	_ = 	snop  }
0x90: {  	s2 =	sld [smem:$0x3FC8]  }
0x91: {  	s18 =	sld [smem:$0x3FD0];
	(tm) =	ssettm $0x1  }
0x92: {  	s4 =	sld [smem:$0x3FFB];
	_ =	sdelay $0x3  }
0x93: {  	_ =	strace s4  }
0x94: {  	s4 =	sld [smem:$0x3FFC];
	_ =	sdelay $0x3  }
0x95: {  	_ =	strace s4  }
0x96: {  	s4 =	sld [smem:$0x3FFD];
	_ =	sdelay $0x3  }
0x97: {  	_ =	strace s4  }
0x98: {  	_ =	strace $0x8FFFFFFF  }
0x99: {  	s19 =	sld [smem:$0x3FDB];
	_ =	sdelay $0x1  }
0x9a: {  	s5 =	simm.s32 $_scs_section_size  }
0x9b: {  	s6 =	simm.s32 $_size__tile_overlayer_lowered;
	s7 =	simm.s32 $_tile_overlayer_lowered  }
0x9c: {  	s22 =	simm.s32 $0x1BFF;
	s21 =	sshll.u32 s7, $0x1;
	s4 =	sadd.s32 s5, s19  }
0x9d: {  	s8 =	simm.s32 $0x0;
	s20 =	sshll.u32 s6, $0x1;
	s6 =	sadd.s32 s21, s4  }
0x9e: {  	[timem:s8], [sflag:s22] =	dma.local [hbm:s6], s20  }
0x9f: {  	_ =	swait.ge [sflag:s22], s20  }
0xa0: {  	s5 =	ssub.s32 $0x0, s20;
	[sflag:s22] =	ssyncset.done $0x0  }
0xa1: {  	[sflag:s22] =	ssyncadd.s32 s5;
	_ =	sdelay $0x1  }
0xa2: {  	s23 =	simm.s32 $0x1B8B  }
0xa3: {  	_ =	swait.ge [sflag:s23], $0x1  }
0xa4: {  	[sflag:s23] =	ssyncset.done $0x0  }
0xa5: {  	s25 =	simm.s32 $0x1B8E;
	s24 =	sld [smem:$0x3FFE];
	[sflag:s23] =	ssyncadd.s32 $0xFFFFFFFF  }
0xa6: {  	s26 =	simm.s32 $execute0_lowered;
	[smem:$0x3FD2] =	sst s25  }
0xa7: {  	s6 =	sshll.u32 s26, $0x1;
	_ =	strace $0x80000046;
	[dreg:$0x1] =	wrdreg $0xFFFFFFFF  }
0xa8: {  	s28 =	simm.s32 $_size_execute0_lowered;
	s4 =	sadd.s32 s4, s6;
	[dreg:$0x0] =	wrdreg $0x0  }
0xa9: {  	s6 =	sshll.u32 s28, $0x1;
	[dreg:$0x2] =	wrdreg s4  }
0xaa: {  	[dreg:$0x3] =	wrdreg s6  }
0xab: {  	[dreg:$0x4] =	wrdreg $0xC0  }
0xac: {  	_ =	task [dreg:s8], $0x5FFFF  }
0xad: {  	[dreg:$0x1] =	wrdreg $0xFFFFFFFF  }
0xae: {  	[dreg:$0x0] =	wrdreg $0x60  }
0xaf: {  	[dreg:$0x2] =	wrdreg s24  }
0xb0: {  	[dreg:$0x3] =	wrdreg s2  }
0xb1: {  	[dreg:$0x4] =	wrdreg s18  }
0xb2: {  	[dreg:$0x5] =	wrdreg $0x9  }
0xb3: {  	_ =	task.clear_ibuf [dreg:s8], $0x6FFFF;
	_ =	strace $0x90000046  }
0xb4: {  	s29 =	simm.s32 $0x9;
	_ =	strace $0x80000048  }
0xb5: {  	_ =	swait.ge [sflag:s29], $0x1  }
0xb6: {  	[sflag:s29] =	ssyncadd.s32 $0xFFFFFFFF  }
0xb7: {  	_ =	strace $0x90000048  }
0xb8: {  	_ =	sfence  }
0xb9: {  	s30 =	sld [smem:$0x0];
	_ =	sdelay $0x2  }
0xba: {  	s31 =	sshll.u32 s1, $0xD;
	s1 =	sshrl.u32 s1, $0x2  }
0xbb: {  	s3 =	sand.u32 $0x4000, s31;
	s1 =	sadd.s32 s1, s30  }
0xbc: {  	s0 =	sor.u32 s3, s0;
	s1 =	sshll.u32 s1, $0x11  }
0xbd: {  	s0 =	sor.u32 s1, s0  }
0xbe: {  	s0 =	sadd.s32 $0x8F2B, s0  }
0xbf: {  	[sflag:s0] =	ssyncadd.remote.s32 $0x1  }
0xc0: {  	_ =	sfence.sel $0xFFFF  }
0xc1: {  	[dreg:$0x0] =	wrdreg $0xFFFFFFFF;
	(pc) =	sbr.abs _section_cstart, $3  }
0xc2: {  	[dreg:$0x1] =	wrdreg $0xFFFFFFFF  }
0xc3: {  	_ =	task.clear_ibuf [dreg:s8], $0x2FFFF;
	_ =	strace $0x9FFFFFFF  }
0xc4: {  	(tm) =	ssettm $0x7FFFFFFF  }
0xc5: {  	_ =	shalt  }
tec
execute0_lowered:
.L_overlay_start_1:
0x0: {  	(tag) =	ssettag $0x1  }
0x1: {  	s4 =	rddreg [dreg:$0x0]  }
0x2: {  	s6 =	rddreg [dreg:$0x1]  }
0x3: {  	v7 =	vlaneseq.u32;
	s1 =	rddreg [dreg:$0x2];
	s3 =	simm.s32 $0x0  }
0x4: {  	[smem:$0x7FF] =	sst s3;
	v8 =	vor.u32 $0x1860, v7  }
0x5: {  	s0 =	rddreg [dreg:$0x3];
	v15 =	vor.u32 $0x10, v7;
	_ =	strace $0x80000047;
	[tilespmem:$0x1FC10] =	vst v8  }
0x6: {  	v16 =	vor.u32 $0x20, v7;
	[tilespmem:$0x1FC50] =	vst v15  }
0x7: {  	v22 =	vor.u32 $0x30, v7;
	[tilespmem:$0x1FC70] =	vst v16  }
0x8: {  	v1 =	vor.u32 $0x40, v7;
	[tilespmem:$0x1FC90] =	vst v22  }
0x9: {  	v24 =	vor.u32 $0x50, v7;
	[tilespmem:$0x1FCB0] =	vst v1  }
0xa: {  	v26 =	vor.u32 $0x60, v7;
	[tilespmem:$0x1FCD0] =	vst v24  }
0xb: {  	v43 =	vor.u32 $0x70, v7;
	[tilespmem:$0x1FCF0] =	vst v26  }
0xc: {  	v28 =	vor.u32 $0x800, v7;
	[tilespmem:$0x1FD10] =	vst v43  }
0xd: {  	v63 =	vor.u32 $0x810, v7;
	[tilespmem:$0x1FD30] =	vst v28  }
0xe: {  	v51 =	vor.u32 $0x820, v7;
	[tilespmem:$0x1FD50] =	vst v63  }
0xf: {  	v30 =	vor.u32 $0x830, v7;
	[tilespmem:$0x1FD70] =	vst v51  }
0x10: {  	v6 =	vor.u32 $0x840, v7;
	[tilespmem:$0x1FD90] =	vst v30  }
0x11: {  	v35 =	vor.u32 $0x850, v7;
	[tilespmem:$0x1FDB0] =	vst v6  }
0x12: {  	v37 =	vor.u32 $0x860, v7;
	[tilespmem:$0x1FDD0] =	vst v35  }
0x13: {  	v32 =	vor.u32 $0x870, v7;
	[tilespmem:$0x1FDF0] =	vst v37  }
0x14: {  	v44 =	vor.u32 $0x1000, v7;
	[tilespmem:$0x1FE10] =	vst v32  }
0x15: {  	v0 =	vor.u32 $0x1010, v7;
	[tilespmem:$0x1FE30] =	vst v44  }
0x16: {  	v25 =	vor.u32 $0x1020, v7;
	[tilespmem:$0x1FE50] =	vst v0  }
0x17: {  	v56 =	vor.u32 $0x1030, v7;
	[tilespmem:$0x1FE70] =	vst v25  }
0x18: {  	v29 =	vor.u32 $0x1040, v7;
	[tilespmem:$0x1FE90] =	vst v56  }
0x19: {  	v20 =	vor.u32 $0x1050, v7;
	[tilespmem:$0x1FEB0] =	vst v29  }
0x1a: {  	v53 =	vor.u32 $0x1060, v7;
	[tilespmem:$0x1FED0] =	vst v20  }
0x1b: {  	v27 =	vor.u32 $0x1070, v7;
	[tilespmem:$0x1FEF0] =	vst v53  }
0x1c: {  	v33 =	vor.u32 $0x1800, v7;
	[tilespmem:$0x1FF10] =	vst v27  }
0x1d: {  	v18 =	vor.u32 $0x1810, v7;
	[tilespmem:$0x1FF30] =	vst v33  }
0x1e: {  	v2 =	vor.u32 $0x1820, v7;
	[tilespmem:$0x1FF50] =	vst v18  }
0x1f: {  	v19 =	vor.u32 $0x1830, v7;
	[tilespmem:$0x1FF70] =	vst v2  }
0x20: {  	v62 =	vor.u32 $0x1840, v7;
	[tilespmem:$0x1FF90] =	vst v19  }
0x21: {  	v4 =	vmul.u32 $0x40, v7;
	v5 =	vor.u32 $0x1850, v7;
	[tilespmem:$0x1FFB0] =	vst v62  }
0x22: {  	[tilespmem:$0x1FFD0] =	vst v5  }
0x23: {  	v8 =	vor.u32 $0x1C30, v4;
	[tilespmem:$0x1FFF0] =	vst v4  }
0x24: {  	v38 =	vor.u32 $0x400, v4;
	[tilespmem:$0x1FC20] =	vst v8  }
0x25: {  	v17 =	vor.u32 $0x800, v4;
	[tilespmem:$0x1FC40] =	vst v38  }
0x26: {  	v3 =	vor.u32 $0xC00, v4;
	[tilespmem:$0x1FC60] =	vst v17  }
0x27: {  	v42 =	vor.u32 $0x1000, v4;
	[tilespmem:$0x1FC80] =	vst v3  }
0x28: {  	v23 =	vor.u32 $0x1400, v4;
	[tilespmem:$0x1FCA0] =	vst v42  }
0x29: {  	v13 =	vor.u32 $0x1800, v4;
	[tilespmem:$0x1FCC0] =	vst v23  }
0x2a: {  	v21 =	vor.u32 $0x1C00, v4;
	[tilespmem:$0x1FCE0] =	vst v13  }
0x2b: {  	v40 =	vor.u32 $0x10, v4;
	[tilespmem:$0x1FD00] =	vst v21  }
0x2c: {  	v12 =	vor.u32 $0x410, v4;
	[tilespmem:$0x1FD20] =	vst v40  }
0x2d: {  	v11 =	vor.u32 $0x810, v4;
	[tilespmem:$0x1FD40] =	vst v12  }
0x2e: {  	v31 =	vor.u32 $0xC10, v4;
	[tilespmem:$0x1FD60] =	vst v11  }
0x2f: {  	v36 =	vor.u32 $0x1010, v4;
	[tilespmem:$0x1FD80] =	vst v31  }
0x30: {  	v39 =	vor.u32 $0x1410, v4;
	[tilespmem:$0x1FDA0] =	vst v36  }
0x31: {  	v61 =	vor.u32 $0x1810, v4;
	[tilespmem:$0x1FDC0] =	vst v39  }
0x32: {  	v34 =	vor.u32 $0x1C10, v4;
	[tilespmem:$0x1FDE0] =	vst v61  }
0x33: {  	v48 =	vor.u32 $0x20, v4;
	[tilespmem:$0x1FE00] =	vst v34  }
0x34: {  	v46 =	vor.u32 $0x420, v4;
	[tilespmem:$0x1FE20] =	vst v48  }
0x35: {  	v47 =	vor.u32 $0x820, v4;
	[tilespmem:$0x1FE40] =	vst v46  }
0x36: {  	v45 =	vor.u32 $0xC20, v4;
	[tilespmem:$0x1FE60] =	vst v47  }
0x37: {  	v49 =	vor.u32 $0x1020, v4;
	[tilespmem:$0x1FE80] =	vst v45  }
0x38: {  	v55 =	vor.u32 $0x1420, v4;
	[tilespmem:$0x1FEA0] =	vst v49  }
0x39: {  	v14 =	vor.u32 $0x1820, v4;
	[tilespmem:$0x1FEC0] =	vst v55  }
0x3a: {  	v50 =	vor.u32 $0x1C20, v4;
	[tilespmem:$0x1FEE0] =	vst v14  }
0x3b: {  	s5 =	srdreg.scid;
	s2 =	stileid.u32;
	v52 =	vor.u32 $0x30, v4;
	[tilespmem:$0x1FF00] =	vst v50  }
0x3c: {  	s10 =	simm.s32 $0x6400;
	s11 =	simm.s32 $0x8400;
	s12 =	simm.s32 $0x1;
	v54 =	vor.u32 $0x430, v4;
	[tilespmem:$0x1FF20] =	vst v52  }
0x3d: {  	s13 =	simm.s32 $0xA400;
	s14 =	simm.s32 $0x400;
	s15 =	simm.s32 $0x8000;
	v41 =	vor.u32 $0x830, v4;
	[tilespmem:$0x1FF40] =	vst v54  }
0x3e: {  	s16 =	simm.s32 $0x2;
	s17 =	simm.s32 $0x4;
	s18 =	simm.s32 $0xC400;
	v58 =	vor.u32 $0xC30, v4;
	[tilespmem:$0x1FF60] =	vst v41  }
0x3f: {  	s19 =	simm.s32 $0x3;
	s5 =	sand.u32 $0x1, s5;
	s7 =	sshll.u32 s2, $0x1;
	v60 =	vor.u32 $0x1030, v4;
	[tilespmem:$0x1FF80] =	vst v58  }
0x40: {  	s20 =	simm.s32 $0x0;
	s8 =	ssub.s32 $0x2, s5;
	s5 =	sor.u32 s5, s7;
	v59 =	vor.u32 $0x1430, v4;
	[tilespmem:$0x1FFA0] =	vst v60  }
0x41: {  	s4 =	sadd.s32 $0xF42800, s4;
	s31 =	sshrl.u32 s8, $0x1;
	s9 =	smul.u32 $0xC80, s5;
	v10 =	vor.u32 $0x1830, v4;
	[tilespmem:$0x1FFC0] =	vst v59  }
0x42: {  	s5 =	smul.u32 $0xC8, s5;
	s7 =	ssub.s32 s8, s31;
	s8 =	simm.s32 $0x5;
	v8 =	vor.u32 $0x1870, v7;
	v57 =	vmov v3;
	[tilespmem:$0x1FFE0] =	vst v10  }
0x43: {  	v9 =	vmovc v42;
	s6 =	sadd.s32 s6, s9;
	s7 =	smax.u32 s7, $0x1;
	s9 =	simm.s32 $0x80;
	[tilespmem:$0x1FC30] =	vst v8;
	v3 =	vmovc v1;
	v42 =	vmov v0;
	v0 =	vmov v25;
	v1 =	vmov v56  }
.LBB2_1:
0x44: {  	[tilespmem:s3], [sflag:$0x5] =	stream.linear.gather [hbm4b:s6+s3], $0x6400, $0x38;
	[tilespmem:$0xE400] =	vst v63  }
0x45: {  	_ =	swait.ge [sflag:s8], $0x6400  }
0x46: {  	[sflag:s8] =	ssyncset.done $0x0  }
0x47: {  	s21 =	simm.s32 $0x0;
	[sflag:s8] =	ssyncadd.s32 $0xFFFF9C00  }
0x48: {  	[tilespmem:s10], [sflag:$0x1] =	stream.indirect.gather [hbm4b:s4+s9], $0x40, s3, s9, $0xb8;
	[tilespmem:$0xE400] =	vst v63  }
.LBB2_2:
0x49: {  	s22 =	sshllo.u32 s21, $0x1  }
0x4a: {  	s23 =	sshll.u32 s22, $0x7  }
0x4b: {  	s24 =	simm.s32 $0x0;
	v7 =	vmovc v38;
	v53 =	vmov v22;
	v22 =	vmov v3;
	v3 =	vlaneseq.u32;
	s23 =	sand.u32 $0x3FFFFF80, s23  }
0x4c: {  	v10 =	vmovc v29;
	v29 =	vmovc v63;
	v38 =	vmov v46;
	v46 =	vmov v0;
	v0 =	vadd.s32 s24, v3;
	[tilespmem:s11], [sflag:$0x2] =	stream.indirect.gather [hbm4b:s4+s9], $0x40, s23, s9, $0xb8;
	[tilespmem:$0xE400] =	vst v63  }
0x4d: {  	v63 =	vmovc v37;
	v37 =	vmovc v44;
	v44 =	vmov v47;
	v47 =	vmov v1;
	v1 =	vand.u32 $0xF, v0;
	_ =	swait.ge [sflag:s12], $0x2000  }
0x4e: {  	p0 =	seq.s32 s21, $0x0;
	v2 =	vor.u32 v4, v1;
	[sflag:s12] =	ssyncset.done $0x0  }
0x4f: {  	s23 =	simm.s32 @!p0 $0x3;
	[sflag:s12] =	ssyncadd.s32 $0xFFFFE000  }
0x50: {  	_ =	swait.ge @!p0 [sflag:s23], $0x2000  }
0x51: {  	v0 =	vshll.u32 v0, $0x7;
	[sflag:s23] =	ssyncset.done @!p0 $0x0  }
0x52: {  	v0 =	vand.u32 $0x780, v0;
	[sflag:s23] =	ssyncadd.s32 @!p0 $0xFFFFE000  }
0x53: {  	v33 =	vmovc v32;
	v32 =	vmovc v48;
	v48 =	vmov v49;
	v49 =	vmov v10;
	v3 =	vor.u32 v3, v0;
	v10 =	vld.idx.msk [tilespmem:v2+s10+$0x0], $0xffff  }
0x54: {  	v2 =	vor.u32 v7, v1;
	_ =	sdelay $0x3  }
0x55: {  	v8 =	vmov v15;
	[tilespmem:v3+s13+$0x0] =	vst.idx.msk $0xffff, v10  }
0x56: {  	v3 =	vor.u32 v8, v0;
	v14 =	vld.idx.msk [tilespmem:v2+s10+$0x0], $0xffff  }
0x57: {  	v2 =	vor.u32 v17, v1;
	_ =	sdelay $0x3  }
0x58: {  	[tilespmem:v3+s13+$0x0] =	vst.idx.msk $0xffff, v14  }
0x59: {  	v3 =	vor.u32 v16, v0;
	v14 =	vld.idx.msk [tilespmem:v2+s10+$0x0], $0xffff  }
0x5a: {  	v2 =	vor.u32 v57, v1;
	_ =	sdelay $0x3  }
0x5b: {  	v15 =	vmov v21;
	[tilespmem:v3+s13+$0x0] =	vst.idx.msk $0xffff, v14  }
0x5c: {  	v21 =	vmovc v28;
	v28 =	vmovc v12;
	v12 =	vmov v7;
	v7 =	vmov v17;
	v3 =	vor.u32 v53, v0;
	v17 =	vld.idx.msk [tilespmem:v2+s10+$0x0], $0xffff  }
0x5d: {  	v2 =	vor.u32 v9, v1;
	_ =	sdelay $0x3  }
0x5e: {  	[tilespmem:v3+s13+$0x0] =	vst.idx.msk $0xffff, v17  }
0x5f: {  	v14 =	vmov v9;
	v3 =	vor.u32 v22, v0;
	v9 =	vld.idx.msk [tilespmem:v2+s10+$0x0], $0xffff  }
0x60: {  	v2 =	vor.u32 v23, v1;
	_ =	sdelay $0x3  }
0x61: {  	[tilespmem:v3+s13+$0x0] =	vst.idx.msk $0xffff, v9  }
0x62: {  	v3 =	vor.u32 v24, v0;
	v9 =	vld.idx.msk [tilespmem:v2+s10+$0x0], $0xffff  }
0x63: {  	v2 =	vor.u32 v13, v1;
	_ =	sdelay $0x3  }
0x64: {  	[tilespmem:v3+s13+$0x0] =	vst.idx.msk $0xffff, v9  }
0x65: {  	v3 =	vor.u32 v26, v0;
	v9 =	vld.idx.msk [tilespmem:v2+s10+$0x0], $0xffff  }
0x66: {  	v2 =	vor.u32 v15, v1;
	_ =	sdelay $0x3  }
0x67: {  	[tilespmem:v3+s13+$0x0] =	vst.idx.msk $0xffff, v9  }
0x68: {  	v3 =	vor.u32 v43, v0;
	v9 =	vld.idx.msk [tilespmem:v2+s10+$0x0], $0xffff  }
0x69: {  	v2 =	vor.u32 v40, v1;
	_ =	sdelay $0x3  }
0x6a: {  	[tilespmem:v3+s13+$0x0] =	vst.idx.msk $0xffff, v9  }
0x6b: {  	v3 =	vor.u32 v21, v0;
	v9 =	vld.idx.msk [tilespmem:v2+s10+$0x0], $0xffff  }
0x6c: {  	v2 =	vor.u32 v28, v1;
	_ =	sdelay $0x3  }
0x6d: {  	[tilespmem:v3+s13+$0x0] =	vst.idx.msk $0xffff, v9  }
0x6e: {  	v3 =	vor.u32 v29, v0;
	v9 =	vld.idx.msk [tilespmem:v2+s10+$0x0], $0xffff  }
0x6f: {  	v2 =	vor.u32 v11, v1;
	_ =	sdelay $0x3  }
0x70: {  	[tilespmem:v3+s13+$0x0] =	vst.idx.msk $0xffff, v9  }
0x71: {  	v3 =	vor.u32 v51, v0;
	v9 =	vld.idx.msk [tilespmem:v2+s10+$0x0], $0xffff  }
0x72: {  	v2 =	vor.u32 v31, v1;
	_ =	sdelay $0x3  }
0x73: {  	[tilespmem:v3+s13+$0x0] =	vst.idx.msk $0xffff, v9  }
0x74: {  	v3 =	vor.u32 v30, v0;
	v9 =	vld.idx.msk [tilespmem:v2+s10+$0x0], $0xffff  }
0x75: {  	v2 =	vor.u32 v36, v1;
	_ =	sdelay $0x3  }
0x76: {  	[tilespmem:v3+s13+$0x0] =	vst.idx.msk $0xffff, v9  }
0x77: {  	v17 =	vmovc v23;
	v23 =	vmov v21;
	v21 =	vmov v11;
	v3 =	vor.u32 v6, v0;
	v11 =	vld.idx.msk [tilespmem:v2+s10+$0x0], $0xffff  }
0x78: {  	v2 =	vor.u32 v39, v1;
	_ =	sdelay $0x3  }
0x79: {  	[tilespmem:v3+s13+$0x0] =	vst.idx.msk $0xffff, v11  }
0x7a: {  	v9 =	vmov v6;
	v3 =	vor.u32 v35, v0;
	v6 =	vld.idx.msk [tilespmem:v2+s10+$0x0], $0xffff  }
0x7b: {  	v2 =	vor.u32 v61, v1;
	_ =	sdelay $0x3  }
0x7c: {  	[tilespmem:v3+s13+$0x0] =	vst.idx.msk $0xffff, v6  }
0x7d: {  	v3 =	vor.u32 v63, v0;
	v6 =	vld.idx.msk [tilespmem:v2+s10+$0x0], $0xffff  }
0x7e: {  	v2 =	vor.u32 v34, v1;
	_ =	sdelay $0x3  }
0x7f: {  	[tilespmem:v3+s13+$0x0] =	vst.idx.msk $0xffff, v6  }
0x80: {  	v3 =	vor.u32 v33, v0;
	v6 =	vld.idx.msk [tilespmem:v2+s10+$0x0], $0xffff  }
0x81: {  	v2 =	vor.u32 v32, v1;
	_ =	sdelay $0x3  }
0x82: {  	[tilespmem:v3+s13+$0x0] =	vst.idx.msk $0xffff, v6  }
0x83: {  	v3 =	vor.u32 v37, v0;
	v6 =	vld.idx.msk [tilespmem:v2+s10+$0x0], $0xffff  }
0x84: {  	v2 =	vor.u32 v38, v1;
	_ =	sdelay $0x3  }
0x85: {  	[tilespmem:v3+s13+$0x0] =	vst.idx.msk $0xffff, v6  }
0x86: {  	v3 =	vor.u32 v42, v0;
	v6 =	vld.idx.msk [tilespmem:v2+s10+$0x0], $0xffff  }
0x87: {  	v2 =	vor.u32 v44, v1;
	_ =	sdelay $0x3  }
0x88: {  	[tilespmem:v3+s13+$0x0] =	vst.idx.msk $0xffff, v6  }
0x89: {  	v3 =	vor.u32 v46, v0;
	v6 =	vld.idx.msk [tilespmem:v2+s10+$0x0], $0xffff  }
0x8a: {  	v2 =	vor.u32 v45, v1;
	_ =	sdelay $0x3  }
0x8b: {  	[tilespmem:v3+s13+$0x0] =	vst.idx.msk $0xffff, v6  }
0x8c: {  	v3 =	vor.u32 v47, v0;
	v6 =	vld.idx.msk [tilespmem:v2+s10+$0x0], $0xffff  }
0x8d: {  	v2 =	vor.u32 v48, v1;
	_ =	sdelay $0x3  }
0x8e: {  	[tilespmem:v3+s13+$0x0] =	vst.idx.msk $0xffff, v6  }
0x8f: {  	v3 =	vor.u32 v49, v0;
	v6 =	vld.idx.msk [tilespmem:v2+s10+$0x0], $0xffff  }
0x90: {  	v2 =	vor.u32 v55, v1;
	_ =	sdelay $0x3  }
0x91: {  	[tilespmem:v3+s13+$0x0] =	vst.idx.msk $0xffff, v6  }
0x92: {  	v6 =	vld.idx.msk [tilespmem:v2+s10+$0x0], $0xffff  }
0x93: {  	v2 =	vld [tilespmem:$0x1FEE0];
	_ =	sdelay $0x2  }
0x94: {  	v59 =	vmov v20  }
0x95: {  	v19 =	vmovc v53;
	v53 =	vmov v22;
	v22 =	vmov v40;
	v3 =	vor.u32 v59, v0  }
0x96: {  	v40 =	vmovc v63;
	v63 =	vmovc v42;
	v42 =	vmov v44;
	v44 =	vmov v2;
	v2 =	vor.u32 v2, v1;
	_ =	sdelay $0x3  }
0x97: {  	[tilespmem:v3+s13+$0x0] =	vst.idx.msk $0xffff, v6  }
0x98: {  	v6 =	vld.idx.msk [tilespmem:v2+s10+$0x0], $0xffff  }
0x99: {  	v2 =	vld [tilespmem:$0x1FEF0];
	_ =	sdelay $0x4  }
0x9a: {  	v11 =	vmov v35;
	v3 =	vor.u32 v2, v0  }
0x9b: {  	v35 =	vmovc v61;
	v61 =	vmovc v34;
	v34 =	vmov v47;
	v47 =	vmov v2;
	v2 =	vor.u32 v50, v1;
	_ =	sdelay $0x3  }
0x9c: {  	[tilespmem:v3+s13+$0x0] =	vst.idx.msk $0xffff, v6  }
0x9d: {  	v6 =	vld.idx.msk [tilespmem:v2+s10+$0x0], $0xffff  }
0x9e: {  	v2 =	vld [tilespmem:$0x1FF10];
	_ =	sdelay $0x4  }
0x9f: {  	v3 =	vor.u32 v2, v0  }
0xa0: {  	v49 =	vmov v2;
	v2 =	vor.u32 v52, v1;
	_ =	sdelay $0x3  }
0xa1: {  	[tilespmem:v3+s13+$0x0] =	vst.idx.msk $0xffff, v6  }
0xa2: {  	v6 =	vld.idx.msk [tilespmem:v2+s10+$0x0], $0xffff  }
0xa3: {  	v2 =	vld [tilespmem:$0x1FF30];
	_ =	sdelay $0x3  }
0xa4: {  	v10 =	vmov v8  }
0xa5: {  	v8 =	vmovc v16;
	v16 =	vmovc v57;
	v57 =	vmov v24;
	v24 =	vmov v13;
	v3 =	vor.u32 v2, v0  }
0xa6: {  	v13 =	vmovc v26;
	v26 =	vmovc v29;
	v29 =	vmov v51;
	v51 =	vmov v2;
	v2 =	vor.u32 v54, v1;
	_ =	sdelay $0x3  }
0xa7: {  	[tilespmem:v3+s13+$0x0] =	vst.idx.msk $0xffff, v6  }
0xa8: {  	v6 =	vld.idx.msk [tilespmem:v2+s10+$0x0], $0xffff  }
0xa9: {  	v2 =	vld [tilespmem:$0x1FF50];
	_ =	sdelay $0x4  }
0xaa: {  	v56 =	vmov v41;
	v3 =	vor.u32 v2, v0  }
0xab: {  	v2 =	vor.u32 v56, v1;
	_ =	sdelay $0x3  }
0xac: {  	[tilespmem:v3+s13+$0x0] =	vst.idx.msk $0xffff, v6  }
0xad: {  	v6 =	vld.idx.msk [tilespmem:v2+s10+$0x0], $0xffff  }
0xae: {  	v2 =	vld [tilespmem:$0x1FF70];
	_ =	sdelay $0x4  }
0xaf: {  	v25 =	vmov v31;
	v62 =	vmov v55;
	v3 =	vor.u32 v2, v0  }
0xb0: {  	v31 =	vmovc v30;
	v30 =	vmovc v39;
	v39 =	vmov v33;
	v33 =	vld [tilespmem:$0x1FF90];
	v55 =	vmov v2;
	v2 =	vor.u32 v58, v1;
	_ =	sdelay $0x3  }
0xb1: {  	[tilespmem:v3+s13+$0x0] =	vst.idx.msk $0xffff, v6  }
0xb2: {  	v3 =	vor.u32 v33, v0;
	v6 =	vld.idx.msk [tilespmem:v2+s10+$0x0], $0xffff  }
0xb3: {  	v2 =	vor.u32 v60, v1;
	_ =	sdelay $0x3  }
0xb4: {  	[tilespmem:v3+s13+$0x0] =	vst.idx.msk $0xffff, v6  }
0xb5: {  	v6 =	vld.idx.msk [tilespmem:v2+s10+$0x0], $0xffff  }
0xb6: {  	v2 =	vld [tilespmem:$0x1FFB0];
	_ =	sdelay $0x3  }
0xb7: {  	v41 =	vmov v37  }
0xb8: {  	v37 =	vmovc v38;
	v38 =	vmovc v45;
	v45 =	vmov v59;
	v59 =	vmov v2;
	v3 =	vor.u32 v2, v0;
	v2 =	vld [tilespmem:$0x1FFC0];
	_ =	sdelay $0x3  }
0xb9: {  	v18 =	vmov v43;
	v43 =	vmov v46  }
0xba: {  	v46 =	vmovc v50;
	v50 =	vmovc v54;
	v54 =	vmov v58;
	v58 =	vmov v2;
	v2 =	vor.u32 v2, v1;
	_ =	sdelay $0x3  }
0xbb: {  	[tilespmem:v3+s13+$0x0] =	vst.idx.msk $0xffff, v6;
	v6 =	vld [tilespmem:$0x1FFE0]  }
0xbc: {  	v20 =	vmov v15;
	v3 =	vor.u32 v5, v0;
	v15 =	vld.idx.msk [tilespmem:v2+s10+$0x0], $0xffff;
	_ =	sdelay $0x4  }
0xbd: {  	v2 =	vor.u32 v6, v1;
	[tilespmem:v3+s13+$0x0] =	vst.idx.msk $0xffff, v15;
	v3 =	vld [tilespmem:$0x1FC10]  }
0xbe: {  	v33 =	vmov v5;
	v5 =	vld [tilespmem:$0x1FC20];
	_ =	sdelay $0x3  }
0xbf: {  	v2 =	vld.idx.msk [tilespmem:v2+s10+$0x0], $0xffff;
	v3 =	vor.u32 v3, v0  }
0xc0: {  	v1 =	vor.u32 v5, v1  }
0xc1: {  	v48 =	vmov v52;
	v52 =	vmov v56;
	v56 =	vmov v60;
	v60 =	vld [tilespmem:$0x1FC30];
	_ =	sdelay $0x2  }
0xc2: {  	s31 =	simm.s32 $0x1;
	[tilespmem:v3+s13+$0x0] =	vst.idx.msk $0xffff, v2;
	v2 =	vlaneseq.u32  }
0xc3: {  	v27 =	vmovc v28;
	s24 =	simm.s32 $0x2;
	s23 =	sshll.u32 s21, $0x1;
	v28 =	vmovc v36;
	v36 =	vmov v32;
	v5 =	vmov v6;
	v2 =	vadd.s32 s31, v2;
	v3 =	vld.idx.msk [tilespmem:v1+s10+$0x0], $0xffff  }
.LBB2_3:
0xc4: {  	v1 =	vand.u32 $0xF, v2;
	v0 =	vor.u32 v60, v0  }
0xc5: {  	v6 =	vmov v4;
	v4 =	vor.u32 v4, v1;
	_ =	sdelay $0x2  }
0xc6: {  	v2 =	vshll.u32 v2, $0x7  }
0xc7: {  	v32 =	vlaneseq.u32;
	[tilespmem:v0+s13+$0x0] =	vst.idx.msk $0xffff, v3;
	v0 =	vand.u32 $0x780, v2  }
0xc8: {  	v3 =	vld.idx.msk [tilespmem:v4+s10+$0x0], $0xffff;
	v2 =	vor.u32 v32, v0  }
0xc9: {  	v4 =	vor.u32 v12, v1;
	_ =	sdelay $0x3  }
0xca: {  	[tilespmem:v2+s13+$0x0] =	vst.idx.msk $0xffff, v3  }
0xcb: {  	v3 =	vor.u32 v10, v0;
	v2 =	vld.idx.msk [tilespmem:v4+s10+$0x0], $0xffff  }
0xcc: {  	v4 =	vor.u32 v7, v1;
	_ =	sdelay $0x3  }
0xcd: {  	[tilespmem:v3+s13+$0x0] =	vst.idx.msk $0xffff, v2  }
0xce: {  	v3 =	vor.u32 v8, v0;
	v2 =	vld.idx.msk [tilespmem:v4+s10+$0x0], $0xffff  }
0xcf: {  	v4 =	vor.u32 v16, v1;
	_ =	sdelay $0x3  }
0xd0: {  	[tilespmem:v3+s13+$0x0] =	vst.idx.msk $0xffff, v2  }
0xd1: {  	v3 =	vor.u32 v19, v0;
	v2 =	vld.idx.msk [tilespmem:v4+s10+$0x0], $0xffff  }
0xd2: {  	v4 =	vor.u32 v14, v1;
	_ =	sdelay $0x3  }
0xd3: {  	[tilespmem:v3+s13+$0x0] =	vst.idx.msk $0xffff, v2  }
0xd4: {  	v3 =	vor.u32 v53, v0;
	v2 =	vld.idx.msk [tilespmem:v4+s10+$0x0], $0xffff  }
0xd5: {  	v4 =	vor.u32 v17, v1;
	_ =	sdelay $0x3  }
0xd6: {  	[tilespmem:v3+s13+$0x0] =	vst.idx.msk $0xffff, v2  }
0xd7: {  	v3 =	vor.u32 v57, v0;
	v2 =	vld.idx.msk [tilespmem:v4+s10+$0x0], $0xffff  }
0xd8: {  	v4 =	vor.u32 v24, v1;
	_ =	sdelay $0x3  }
0xd9: {  	[tilespmem:v3+s13+$0x0] =	vst.idx.msk $0xffff, v2  }
0xda: {  	v3 =	vor.u32 v13, v0;
	v2 =	vld.idx.msk [tilespmem:v4+s10+$0x0], $0xffff  }
0xdb: {  	v4 =	vor.u32 v20, v1;
	_ =	sdelay $0x3  }
0xdc: {  	[tilespmem:v3+s13+$0x0] =	vst.idx.msk $0xffff, v2  }
0xdd: {  	v3 =	vor.u32 v18, v0;
	v2 =	vld.idx.msk [tilespmem:v4+s10+$0x0], $0xffff  }
0xde: {  	v4 =	vor.u32 v22, v1;
	_ =	sdelay $0x3  }
0xdf: {  	[tilespmem:v3+s13+$0x0] =	vst.idx.msk $0xffff, v2  }
0xe0: {  	v3 =	vor.u32 v23, v0;
	v2 =	vld.idx.msk [tilespmem:v4+s10+$0x0], $0xffff  }
0xe1: {  	v4 =	vor.u32 v27, v1;
	_ =	sdelay $0x3  }
0xe2: {  	[tilespmem:v3+s13+$0x0] =	vst.idx.msk $0xffff, v2  }
0xe3: {  	v3 =	vor.u32 v26, v0;
	v2 =	vld.idx.msk [tilespmem:v4+s10+$0x0], $0xffff  }
0xe4: {  	v4 =	vor.u32 v21, v1;
	_ =	sdelay $0x3  }
0xe5: {  	[tilespmem:v3+s13+$0x0] =	vst.idx.msk $0xffff, v2  }
0xe6: {  	v3 =	vor.u32 v29, v0;
	v2 =	vld.idx.msk [tilespmem:v4+s10+$0x0], $0xffff  }
0xe7: {  	v4 =	vor.u32 v25, v1;
	_ =	sdelay $0x3  }
0xe8: {  	[tilespmem:v3+s13+$0x0] =	vst.idx.msk $0xffff, v2  }
0xe9: {  	v3 =	vor.u32 v31, v0;
	v2 =	vld.idx.msk [tilespmem:v4+s10+$0x0], $0xffff  }
0xea: {  	v4 =	vor.u32 v28, v1;
	_ =	sdelay $0x3  }
0xeb: {  	[tilespmem:v3+s13+$0x0] =	vst.idx.msk $0xffff, v2  }
0xec: {  	v3 =	vor.u32 v9, v0;
	v2 =	vld.idx.msk [tilespmem:v4+s10+$0x0], $0xffff  }
0xed: {  	v4 =	vor.u32 v30, v1;
	_ =	sdelay $0x3  }
0xee: {  	[tilespmem:v3+s13+$0x0] =	vst.idx.msk $0xffff, v2  }
0xef: {  	v3 =	vor.u32 v11, v0;
	v2 =	vld.idx.msk [tilespmem:v4+s10+$0x0], $0xffff  }
0xf0: {  	v4 =	vor.u32 v35, v1;
	_ =	sdelay $0x3  }
0xf1: {  	[tilespmem:v3+s13+$0x0] =	vst.idx.msk $0xffff, v2  }
0xf2: {  	v3 =	vor.u32 v40, v0;
	v2 =	vld.idx.msk [tilespmem:v4+s10+$0x0], $0xffff  }
0xf3: {  	v4 =	vor.u32 v61, v1;
	_ =	sdelay $0x3  }
0xf4: {  	[tilespmem:v3+s13+$0x0] =	vst.idx.msk $0xffff, v2  }
0xf5: {  	v3 =	vor.u32 v39, v0;
	v2 =	vld.idx.msk [tilespmem:v4+s10+$0x0], $0xffff  }
0xf6: {  	v4 =	vor.u32 v36, v1;
	_ =	sdelay $0x3  }
0xf7: {  	[tilespmem:v3+s13+$0x0] =	vst.idx.msk $0xffff, v2  }
0xf8: {  	v3 =	vor.u32 v41, v0;
	v2 =	vld.idx.msk [tilespmem:v4+s10+$0x0], $0xffff  }
0xf9: {  	v4 =	vor.u32 v37, v1;
	_ =	sdelay $0x3  }
0xfa: {  	[tilespmem:v3+s13+$0x0] =	vst.idx.msk $0xffff, v2  }
0xfb: {  	v3 =	vor.u32 v63, v0;
	v2 =	vld.idx.msk [tilespmem:v4+s10+$0x0], $0xffff  }
0xfc: {  	v4 =	vor.u32 v42, v1;
	_ =	sdelay $0x3  }
0xfd: {  	[tilespmem:v3+s13+$0x0] =	vst.idx.msk $0xffff, v2  }
0xfe: {  	v3 =	vor.u32 v43, v0;
	v2 =	vld.idx.msk [tilespmem:v4+s10+$0x0], $0xffff  }
0xff: {  	v4 =	vor.u32 v38, v1;
	_ =	sdelay $0x3  }
0x100: {  	[tilespmem:v3+s13+$0x0] =	vst.idx.msk $0xffff, v2  }
0x101: {  	v2 =	vld.idx.msk [tilespmem:v4+s10+$0x0], $0xffff  }
0x102: {  	v3 =	vor.u32 v34, v0;
	v4 =	vld [tilespmem:$0x1FEA0];
	_ =	sdelay $0x4  }
0x103: {  	v4 =	vor.u32 v4, v1;
	[tilespmem:v3+s13+$0x0] =	vst.idx.msk $0xffff, v2;
	v3 =	vld [tilespmem:$0x1FEB0];
	_ =	sdelay $0x4  }
0x104: {  	v2 =	vld.idx.msk [tilespmem:v4+s10+$0x0], $0xffff;
	v3 =	vor.u32 v3, v0  }
0x105: {  	v4 =	vor.u32 v62, v1;
	_ =	sdelay $0x3  }
0x106: {  	[tilespmem:v3+s13+$0x0] =	vst.idx.msk $0xffff, v2  }
0x107: {  	v3 =	vor.u32 v45, v0;
	v2 =	vld.idx.msk [tilespmem:v4+s10+$0x0], $0xffff  }
0x108: {  	v4 =	vor.u32 v44, v1;
	_ =	sdelay $0x3  }
0x109: {  	[tilespmem:v3+s13+$0x0] =	vst.idx.msk $0xffff, v2  }
0x10a: {  	v3 =	vor.u32 v47, v0;
	v2 =	vld.idx.msk [tilespmem:v4+s10+$0x0], $0xffff  }
0x10b: {  	v4 =	vor.u32 v46, v1;
	_ =	sdelay $0x3  }
0x10c: {  	[tilespmem:v3+s13+$0x0] =	vst.idx.msk $0xffff, v2  }
0x10d: {  	v3 =	vor.u32 v49, v0;
	v2 =	vld.idx.msk [tilespmem:v4+s10+$0x0], $0xffff  }
0x10e: {  	v4 =	vor.u32 v48, v1;
	_ =	sdelay $0x3  }
0x10f: {  	[tilespmem:v3+s13+$0x0] =	vst.idx.msk $0xffff, v2  }
0x110: {  	v3 =	vor.u32 v51, v0;
	v2 =	vld.idx.msk [tilespmem:v4+s10+$0x0], $0xffff;
	_ =	sdelay $0x4  }
0x111: {  	v4 =	vor.u32 v50, v1;
	[tilespmem:v3+s13+$0x0] =	vst.idx.msk $0xffff, v2;
	v3 =	vld [tilespmem:$0x1FF50];
	_ =	sdelay $0x4  }
0x112: {  	v2 =	vld.idx.msk [tilespmem:v4+s10+$0x0], $0xffff;
	v3 =	vor.u32 v3, v0  }
0x113: {  	v4 =	vor.u32 v52, v1;
	_ =	sdelay $0x3  }
0x114: {  	[tilespmem:v3+s13+$0x0] =	vst.idx.msk $0xffff, v2  }
0x115: {  	v3 =	vor.u32 v55, v0;
	v2 =	vld.idx.msk [tilespmem:v4+s10+$0x0], $0xffff;
	_ =	sdelay $0x4  }
0x116: {  	v4 =	vor.u32 v54, v1;
	[tilespmem:v3+s13+$0x0] =	vst.idx.msk $0xffff, v2;
	v3 =	vld [tilespmem:$0x1FF90];
	_ =	sdelay $0x4  }
0x117: {  	v2 =	vld.idx.msk [tilespmem:v4+s10+$0x0], $0xffff;
	v3 =	vor.u32 v3, v0  }
0x118: {  	v4 =	vor.u32 v56, v1;
	_ =	sdelay $0x3  }
0x119: {  	[tilespmem:v3+s13+$0x0] =	vst.idx.msk $0xffff, v2  }
0x11a: {  	v3 =	vor.u32 v59, v0;
	v2 =	vld.idx.msk [tilespmem:v4+s10+$0x0], $0xffff  }
0x11b: {  	v4 =	vor.u32 v58, v1;
	_ =	sdelay $0x3  }
0x11c: {  	[tilespmem:v3+s13+$0x0] =	vst.idx.msk $0xffff, v2  }
0x11d: {  	v3 =	vor.u32 v33, v0;
	v2 =	vld.idx.msk [tilespmem:v4+s10+$0x0], $0xffff;
	_ =	sdelay $0x4  }
0x11e: {  	v4 =	vor.u32 v5, v1;
	[tilespmem:v3+s13+$0x0] =	vst.idx.msk $0xffff, v2;
	v3 =	vld [tilespmem:$0x1FC10]  }
0x11f: {  	v15 =	vld [tilespmem:$0x1FC20];
	_ =	sdelay $0x3  }
0x120: {  	v2 =	vld.idx.msk [tilespmem:v4+s10+$0x0], $0xffff;
	v3 =	vor.u32 v3, v0  }
0x121: {  	p1 =	sne.s32 s24, $0xF;
	v1 =	vor.u32 v15, v1  }
.Ltmp0:
0x122: {  	_ = 	snop;
	(pc) =	sbr.rel @p1 .LBB2_3-.Ltmp0, $3  }
0x123: {  	_ =	sdelay $0x1  }
0x124: {  	[tilespmem:v3+s13+$0x0] =	vst.idx.msk $0xffff, v2  }
0x125: {  	v15 =	vlaneseq.u32;
	v4 =	vmov v6;
	v2 =	vadd.s32 s24, v32;
	s24 =	sadd.s32 $0x1, s24;
	v3 =	vld.idx.msk [tilespmem:v1+s10+$0x0], $0xffff  }
0x126: {  	v1 =	vand.u32 $0xF, v2;
	v0 =	vor.u32 v60, v0  }
0x127: {  	v4 =	vor.u32 v4, v1;
	_ =	sdelay $0x2  }
0x128: {  	v32 =	vshll.u32 v2, $0x7  }
0x129: {  	[tilespmem:v0+s13+$0x0] =	vst.idx.msk $0xffff, v3;
	v0 =	vand.u32 $0x780, v32  }
0x12a: {  	v2 =	vld.idx.msk [tilespmem:v4+s10+$0x0], $0xffff;
	v32 =	vor.u32 v15, v0  }
0x12b: {  	v4 =	vor.u32 v12, v1;
	_ =	sdelay $0x3  }
0x12c: {  	[tilespmem:v32+s13+$0x0] =	vst.idx.msk $0xffff, v2  }
0x12d: {  	v10 =	vor.u32 v10, v0;
	v2 =	vld.idx.msk [tilespmem:v4+s10+$0x0], $0xffff  }
0x12e: {  	v4 =	vor.u32 v7, v1;
	_ =	sdelay $0x3  }
0x12f: {  	[tilespmem:v10+s13+$0x0] =	vst.idx.msk $0xffff, v2  }
0x130: {  	v12 =	vor.u32 v8, v0;
	v2 =	vld.idx.msk [tilespmem:v4+s10+$0x0], $0xffff  }
0x131: {  	v4 =	vor.u32 v16, v1;
	_ =	sdelay $0x3  }
0x132: {  	[tilespmem:v12+s13+$0x0] =	vst.idx.msk $0xffff, v2  }
0x133: {  	v15 =	vor.u32 v19, v0;
	v2 =	vld.idx.msk [tilespmem:v4+s10+$0x0], $0xffff  }
0x134: {  	v4 =	vor.u32 v14, v1;
	_ =	sdelay $0x3  }
0x135: {  	[tilespmem:v15+s13+$0x0] =	vst.idx.msk $0xffff, v2  }
0x136: {  	v16 =	vor.u32 v53, v0;
	v2 =	vld.idx.msk [tilespmem:v4+s10+$0x0], $0xffff  }
0x137: {  	v4 =	vor.u32 v17, v1;
	_ =	sdelay $0x3  }
0x138: {  	[tilespmem:v16+s13+$0x0] =	vst.idx.msk $0xffff, v2  }
0x139: {  	v17 =	vor.u32 v57, v0;
	v2 =	vld.idx.msk [tilespmem:v4+s10+$0x0], $0xffff  }
0x13a: {  	v4 =	vor.u32 v24, v1;
	_ =	sdelay $0x3  }
0x13b: {  	[tilespmem:v17+s13+$0x0] =	vst.idx.msk $0xffff, v2  }
0x13c: {  	v19 =	vor.u32 v13, v0;
	v2 =	vld.idx.msk [tilespmem:v4+s10+$0x0], $0xffff  }
0x13d: {  	v4 =	vor.u32 v20, v1;
	_ =	sdelay $0x3  }
0x13e: {  	[tilespmem:v19+s13+$0x0] =	vst.idx.msk $0xffff, v2  }
0x13f: {  	v20 =	vor.u32 v18, v0;
	v2 =	vld.idx.msk [tilespmem:v4+s10+$0x0], $0xffff  }
0x140: {  	v4 =	vor.u32 v22, v1;
	_ =	sdelay $0x3  }
0x141: {  	[tilespmem:v20+s13+$0x0] =	vst.idx.msk $0xffff, v2  }
0x142: {  	v23 =	vor.u32 v23, v0;
	v2 =	vld.idx.msk [tilespmem:v4+s10+$0x0], $0xffff  }
0x143: {  	v4 =	vor.u32 v27, v1;
	_ =	sdelay $0x3  }
0x144: {  	[tilespmem:v23+s13+$0x0] =	vst.idx.msk $0xffff, v2  }
0x145: {  	v24 =	vor.u32 v26, v0;
	v2 =	vld.idx.msk [tilespmem:v4+s10+$0x0], $0xffff  }
0x146: {  	v4 =	vor.u32 v21, v1;
	_ =	sdelay $0x3  }
0x147: {  	[tilespmem:v24+s13+$0x0] =	vst.idx.msk $0xffff, v2  }
0x148: {  	v26 =	vor.u32 v29, v0;
	v2 =	vld.idx.msk [tilespmem:v4+s10+$0x0], $0xffff  }
0x149: {  	v4 =	vor.u32 v25, v1;
	_ =	sdelay $0x3  }
0x14a: {  	[tilespmem:v26+s13+$0x0] =	vst.idx.msk $0xffff, v2  }
0x14b: {  	v27 =	vor.u32 v31, v0;
	v2 =	vld.idx.msk [tilespmem:v4+s10+$0x0], $0xffff  }
0x14c: {  	v4 =	vor.u32 v28, v1;
	_ =	sdelay $0x3  }
0x14d: {  	[tilespmem:v27+s13+$0x0] =	vst.idx.msk $0xffff, v2  }
0x14e: {  	v29 =	vor.u32 v9, v0;
	v2 =	vld.idx.msk [tilespmem:v4+s10+$0x0], $0xffff  }
0x14f: {  	v4 =	vor.u32 v30, v1;
	_ =	sdelay $0x3  }
0x150: {  	[tilespmem:v29+s13+$0x0] =	vst.idx.msk $0xffff, v2  }
0x151: {  	v31 =	vor.u32 v11, v0;
	v2 =	vld.idx.msk [tilespmem:v4+s10+$0x0], $0xffff  }
0x152: {  	v4 =	vor.u32 v35, v1;
	_ =	sdelay $0x3  }
0x153: {  	[tilespmem:v31+s13+$0x0] =	vst.idx.msk $0xffff, v2  }
0x154: {  	v32 =	vor.u32 v40, v0;
	v2 =	vld.idx.msk [tilespmem:v4+s10+$0x0], $0xffff  }
0x155: {  	v4 =	vor.u32 v61, v1;
	_ =	sdelay $0x3  }
0x156: {  	[tilespmem:v32+s13+$0x0] =	vst.idx.msk $0xffff, v2  }
0x157: {  	v35 =	vor.u32 v39, v0;
	v2 =	vld.idx.msk [tilespmem:v4+s10+$0x0], $0xffff  }
0x158: {  	v4 =	vor.u32 v36, v1;
	_ =	sdelay $0x3  }
0x159: {  	[tilespmem:v35+s13+$0x0] =	vst.idx.msk $0xffff, v2  }
0x15a: {  	v39 =	vor.u32 v41, v0;
	v2 =	vld.idx.msk [tilespmem:v4+s10+$0x0], $0xffff  }
0x15b: {  	v4 =	vor.u32 v37, v1;
	_ =	sdelay $0x3  }
0x15c: {  	[tilespmem:v39+s13+$0x0] =	vst.idx.msk $0xffff, v2  }
0x15d: {  	v40 =	vor.u32 v63, v0;
	v2 =	vld.idx.msk [tilespmem:v4+s10+$0x0], $0xffff  }
0x15e: {  	v4 =	vor.u32 v42, v1;
	_ =	sdelay $0x3  }
0x15f: {  	[tilespmem:v40+s13+$0x0] =	vst.idx.msk $0xffff, v2  }
0x160: {  	v41 =	vor.u32 v43, v0;
	v2 =	vld.idx.msk [tilespmem:v4+s10+$0x0], $0xffff  }
0x161: {  	v4 =	vor.u32 v38, v1;
	_ =	sdelay $0x3  }
0x162: {  	[tilespmem:v41+s13+$0x0] =	vst.idx.msk $0xffff, v2  }
0x163: {  	v2 =	vld.idx.msk [tilespmem:v4+s10+$0x0], $0xffff  }
0x164: {  	v4 =	vld [tilespmem:$0x1FEA0];
	_ =	sdelay $0x3  }
0x165: {  	v42 =	vor.u32 v34, v0  }
0x166: {  	v43 =	vld [tilespmem:$0x1FEB0];
	v4 =	vor.u32 v4, v1;
	_ =	sdelay $0x3  }
0x167: {  	[tilespmem:v42+s13+$0x0] =	vst.idx.msk $0xffff, v2  }
0x168: {  	v3 =	vor.u32 v43, v0;
	v2 =	vld.idx.msk [tilespmem:v4+s10+$0x0], $0xffff  }
0x169: {  	v4 =	vor.u32 v62, v1;
	_ =	sdelay $0x3  }
0x16a: {  	[tilespmem:v3+s13+$0x0] =	vst.idx.msk $0xffff, v2  }
0x16b: {  	v45 =	vor.u32 v45, v0;
	v2 =	vld.idx.msk [tilespmem:v4+s10+$0x0], $0xffff  }
0x16c: {  	v4 =	vor.u32 v44, v1;
	_ =	sdelay $0x3  }
0x16d: {  	[tilespmem:v45+s13+$0x0] =	vst.idx.msk $0xffff, v2  }
0x16e: {  	v47 =	vor.u32 v47, v0;
	v2 =	vld.idx.msk [tilespmem:v4+s10+$0x0], $0xffff  }
0x16f: {  	v4 =	vor.u32 v46, v1;
	_ =	sdelay $0x3  }
0x170: {  	[tilespmem:v47+s13+$0x0] =	vst.idx.msk $0xffff, v2  }
0x171: {  	v49 =	vor.u32 v49, v0;
	v2 =	vld.idx.msk [tilespmem:v4+s10+$0x0], $0xffff  }
0x172: {  	v4 =	vor.u32 v48, v1;
	_ =	sdelay $0x3  }
0x173: {  	[tilespmem:v49+s13+$0x0] =	vst.idx.msk $0xffff, v2  }
0x174: {  	v51 =	vor.u32 v51, v0;
	v2 =	vld.idx.msk [tilespmem:v4+s10+$0x0], $0xffff  }
0x175: {  	v53 =	vld [tilespmem:$0x1FF50];
	v4 =	vor.u32 v50, v1;
	_ =	sdelay $0x3  }
0x176: {  	[tilespmem:v51+s13+$0x0] =	vst.idx.msk $0xffff, v2  }
0x177: {  	v3 =	vor.u32 v53, v0;
	v2 =	vld.idx.msk [tilespmem:v4+s10+$0x0], $0xffff  }
0x178: {  	v4 =	vor.u32 v52, v1;
	_ =	sdelay $0x3  }
0x179: {  	[tilespmem:v3+s13+$0x0] =	vst.idx.msk $0xffff, v2  }
0x17a: {  	v55 =	vor.u32 v55, v0;
	v2 =	vld.idx.msk [tilespmem:v4+s10+$0x0], $0xffff  }
0x17b: {  	v57 =	vld [tilespmem:$0x1FF90];
	v4 =	vor.u32 v54, v1;
	_ =	sdelay $0x3  }
0x17c: {  	[tilespmem:v55+s13+$0x0] =	vst.idx.msk $0xffff, v2  }
0x17d: {  	v3 =	vor.u32 v57, v0;
	v2 =	vld.idx.msk [tilespmem:v4+s10+$0x0], $0xffff  }
0x17e: {  	v4 =	vor.u32 v56, v1;
	_ =	sdelay $0x3  }
0x17f: {  	[tilespmem:v3+s13+$0x0] =	vst.idx.msk $0xffff, v2  }
0x180: {  	v61 =	vor.u32 v59, v0;
	v2 =	vld.idx.msk [tilespmem:v4+s10+$0x0], $0xffff  }
0x181: {  	v4 =	vor.u32 v58, v1;
	_ =	sdelay $0x3  }
0x182: {  	[tilespmem:v61+s13+$0x0] =	vst.idx.msk $0xffff, v2  }
0x183: {  	v62 =	vor.u32 v33, v0;
	v2 =	vld.idx.msk [tilespmem:v4+s10+$0x0], $0xffff  }
0x184: {  	v4 =	vor.u32 v5, v1;
	_ =	sdelay $0x3  }
0x185: {  	v63 =	vld [tilespmem:$0x1FC10];
	[tilespmem:v62+s13+$0x0] =	vst.idx.msk $0xffff, v2  }
0x186: {  	v2 =	vld.idx.msk [tilespmem:v4+s10+$0x0], $0xffff  }
0x187: {  	v4 =	vld [tilespmem:$0x1FC20];
	_ =	sdelay $0x3  }
0x188: {  	v3 =	vor.u32 v63, v0  }
0x189: {  	v1 =	vor.u32 v4, v1;
	_ =	sdelay $0x3  }
0x18a: {  	[tilespmem:v3+s13+$0x0] =	vst.idx.msk $0xffff, v2  }
0x18b: {  	v0 =	vor.u32 v60, v0;
	v1 =	vld.idx.msk [tilespmem:v1+s10+$0x0], $0xffff  }
0x18c: {  	s23 =	sadd.s32 s5, s23;
	p1 =	sne.s32 s21, $0x63  }
.Ltmp1:
0x18d: {  	s24 =	sshll.u32 s23, $0x7;
	(pc) =	sbr.rel @p1 .LBB2_6-.Ltmp1, $4  }
0x18e: {  	s23 =	sshll.u32 s23, $0xA;
	s24 =	sand.u32 $0xF00, s24  }
0x18f: {  	s23 =	sand.u32 $0xFFF8000, s23;
	s24 =	sadd.s32 s1, s24  }
0x190: {  	s23 =	sadd.s32 s23, s24;
	[tilespmem:v0+s13+$0x0] =	vst.idx.msk $0xffff, v1  }
0x191: {  	[hbm4b:s23+s14] =	stream.strided.scatter [tilespmem:s13], [sflag:$0x3], $0x2000, s15, s14, $0x38;
	[tilespmem:$0xE400] =	vst v63  }
.Ltmp2:
0x192: {  	(pc) =	sbr.rel .LBB2_7-.Ltmp2, $4  }
0x193: {  	_ = 	snop  }
0x194: {  	_ =	swait.ge [sflag:s16], $0x2000  }
0x195: {  	[sflag:s16] =	ssyncset.done $0x0  }
0x196: {  	[sflag:s16] =	ssyncadd.s32 $0xFFFFE000  }
.LBB2_6:
0x197: {  	s23 =	sshll.u32 s21, $0x8  }
0x198: {  	s23 =	sand.u32 $0x3FFFFF00, s23  }
.Ltmp3:
0x199: {  	s23 =	sadd.s32 $0x100, s23;
	(pc) =	sbr.rel @p0 .LBB2_8-.Ltmp3, $4  }
0x19a: {  	[tilespmem:s10], [sflag:$0x1] =	stream.indirect.gather [hbm4b:s4+s9], $0x40, s23, s9, $0xb8;
	[tilespmem:$0xE400] =	vst v63  }
0x19b: {  	_ =	swait.ge [sflag:s16], $0x2000  }
0x19c: {  	[sflag:s16] =	ssyncset.done $0x0  }
0x19d: {  	[sflag:s16] =	ssyncadd.s32 $0xFFFFE000  }
.LBB2_7:
0x19e: {  	_ =	swait.ge [sflag:s17], $0x2000  }
0x19f: {  	[sflag:s17] =	ssyncset.done $0x0  }
0x1a0: {  	[sflag:s17] =	ssyncadd.s32 $0xFFFFE000  }
.LBB2_8:
0x1a1: {  	s23 =	simm.s32 $0x0;
	v5 =	vlaneseq.u32  }
0x1a2: {  	v0 =	vadd.s32 s23, v5  }
0x1a3: {  	v1 =	vand.u32 $0xF, v0  }
0x1a4: {  	v2 =	vor.u32 v6, v1  }
0x1a5: {  	v4 =	vld [tilespmem:$0x1FC40];
	_ =	sdelay $0x1  }
0x1a6: {  	v0 =	vshll.u32 v0, $0x7  }
0x1a7: {  	v0 =	vand.u32 $0x780, v0  }
0x1a8: {  	v3 =	vor.u32 v5, v0;
	v2 =	vld.idx.msk [tilespmem:v2+s11+$0x0], $0xffff  }
0x1a9: {  	v7 =	vmov v4;
	v4 =	vor.u32 v4, v1;
	_ =	sdelay $0x3  }
0x1aa: {  	[tilespmem:v3+s18+$0x0] =	vst.idx.msk $0xffff, v2;
	v3 =	vld [tilespmem:$0x1FC50]  }
0x1ab: {  	v2 =	vld.idx.msk [tilespmem:v4+s11+$0x0], $0xffff  }
0x1ac: {  	v4 =	vld [tilespmem:$0x1FC60];
	_ =	sdelay $0x3  }
0x1ad: {  	v13 =	vmov v3;
	v3 =	vor.u32 v3, v0  }
0x1ae: {  	v14 =	vmov v4;
	v4 =	vor.u32 v4, v1;
	_ =	sdelay $0x3  }
0x1af: {  	[tilespmem:v3+s18+$0x0] =	vst.idx.msk $0xffff, v2;
	v3 =	vld [tilespmem:$0x1FC70]  }
0x1b0: {  	v2 =	vld.idx.msk [tilespmem:v4+s11+$0x0], $0xffff  }
0x1b1: {  	v4 =	vld [tilespmem:$0x1FC80];
	_ =	sdelay $0x3  }
0x1b2: {  	v15 =	vmov v3;
	v3 =	vor.u32 v3, v0  }
0x1b3: {  	v16 =	vmov v4;
	v4 =	vor.u32 v4, v1;
	_ =	sdelay $0x3  }
0x1b4: {  	[tilespmem:v3+s18+$0x0] =	vst.idx.msk $0xffff, v2;
	v3 =	vld [tilespmem:$0x1FC90]  }
0x1b5: {  	v2 =	vld.idx.msk [tilespmem:v4+s11+$0x0], $0xffff  }
0x1b6: {  	v4 =	vld [tilespmem:$0x1FCA0];
	_ =	sdelay $0x3  }
0x1b7: {  	v12 =	vmov v3;
	v3 =	vor.u32 v3, v0  }
0x1b8: {  	v18 =	vmov v4;
	v4 =	vor.u32 v4, v1;
	_ =	sdelay $0x3  }
0x1b9: {  	[tilespmem:v3+s18+$0x0] =	vst.idx.msk $0xffff, v2;
	v3 =	vld [tilespmem:$0x1FCB0]  }
0x1ba: {  	v2 =	vld.idx.msk [tilespmem:v4+s11+$0x0], $0xffff  }
0x1bb: {  	v4 =	vld [tilespmem:$0x1FCC0];
	_ =	sdelay $0x3  }
0x1bc: {  	v17 =	vmov v3;
	v3 =	vor.u32 v3, v0  }
0x1bd: {  	v20 =	vmov v4;
	v4 =	vor.u32 v4, v1;
	_ =	sdelay $0x3  }
0x1be: {  	[tilespmem:v3+s18+$0x0] =	vst.idx.msk $0xffff, v2;
	v3 =	vld [tilespmem:$0x1FCD0]  }
0x1bf: {  	v2 =	vld.idx.msk [tilespmem:v4+s11+$0x0], $0xffff  }
0x1c0: {  	v4 =	vld [tilespmem:$0x1FCE0];
	_ =	sdelay $0x3  }
0x1c1: {  	v19 =	vmov v3;
	v3 =	vor.u32 v3, v0  }
0x1c2: {  	v22 =	vmov v4;
	v4 =	vor.u32 v4, v1;
	_ =	sdelay $0x3  }
0x1c3: {  	[tilespmem:v3+s18+$0x0] =	vst.idx.msk $0xffff, v2;
	v3 =	vld [tilespmem:$0x1FCF0]  }
0x1c4: {  	v2 =	vld.idx.msk [tilespmem:v4+s11+$0x0], $0xffff  }
0x1c5: {  	v4 =	vld [tilespmem:$0x1FD00];
	_ =	sdelay $0x3  }
0x1c6: {  	v21 =	vmov v3;
	v3 =	vor.u32 v3, v0  }
0x1c7: {  	v24 =	vmov v4;
	v4 =	vor.u32 v4, v1;
	_ =	sdelay $0x3  }
0x1c8: {  	[tilespmem:v3+s18+$0x0] =	vst.idx.msk $0xffff, v2;
	v3 =	vld [tilespmem:$0x1FD10]  }
0x1c9: {  	v2 =	vld.idx.msk [tilespmem:v4+s11+$0x0], $0xffff  }
0x1ca: {  	v4 =	vld [tilespmem:$0x1FD20];
	_ =	sdelay $0x3  }
0x1cb: {  	v23 =	vmov v3;
	v3 =	vor.u32 v3, v0  }
0x1cc: {  	v26 =	vmov v4;
	v4 =	vor.u32 v4, v1;
	_ =	sdelay $0x3  }
0x1cd: {  	[tilespmem:v3+s18+$0x0] =	vst.idx.msk $0xffff, v2;
	v3 =	vld [tilespmem:$0x1FD30]  }
0x1ce: {  	v2 =	vld.idx.msk [tilespmem:v4+s11+$0x0], $0xffff  }
0x1cf: {  	v4 =	vld [tilespmem:$0x1FD40];
	_ =	sdelay $0x3  }
0x1d0: {  	v25 =	vmov v3;
	v3 =	vor.u32 v3, v0  }
0x1d1: {  	v28 =	vmov v4;
	v4 =	vor.u32 v4, v1;
	_ =	sdelay $0x3  }
0x1d2: {  	[tilespmem:v3+s18+$0x0] =	vst.idx.msk $0xffff, v2;
	v3 =	vld [tilespmem:$0x1FD50]  }
0x1d3: {  	v2 =	vld.idx.msk [tilespmem:v4+s11+$0x0], $0xffff  }
0x1d4: {  	v4 =	vld [tilespmem:$0x1FD60];
	_ =	sdelay $0x3  }
0x1d5: {  	v27 =	vmov v3;
	v3 =	vor.u32 v3, v0  }
0x1d6: {  	v30 =	vmov v4;
	v4 =	vor.u32 v4, v1;
	_ =	sdelay $0x3  }
0x1d7: {  	[tilespmem:v3+s18+$0x0] =	vst.idx.msk $0xffff, v2;
	v3 =	vld [tilespmem:$0x1FD70]  }
0x1d8: {  	v2 =	vld.idx.msk [tilespmem:v4+s11+$0x0], $0xffff  }
0x1d9: {  	v4 =	vld [tilespmem:$0x1FD80];
	_ =	sdelay $0x3  }
0x1da: {  	v29 =	vmov v3;
	v3 =	vor.u32 v3, v0  }
0x1db: {  	v31 =	vmov v4;
	v4 =	vor.u32 v4, v1;
	_ =	sdelay $0x3  }
0x1dc: {  	[tilespmem:v3+s18+$0x0] =	vst.idx.msk $0xffff, v2;
	v3 =	vld [tilespmem:$0x1FD90]  }
0x1dd: {  	v2 =	vld.idx.msk [tilespmem:v4+s11+$0x0], $0xffff  }
0x1de: {  	v4 =	vld [tilespmem:$0x1FDA0];
	_ =	sdelay $0x3  }
0x1df: {  	v35 =	vmov v3;
	v3 =	vor.u32 v3, v0  }
0x1e0: {  	v32 =	vmov v4;
	v4 =	vor.u32 v4, v1;
	_ =	sdelay $0x3  }
0x1e1: {  	[tilespmem:v3+s18+$0x0] =	vst.idx.msk $0xffff, v2;
	v3 =	vld [tilespmem:$0x1FDB0]  }
0x1e2: {  	v2 =	vld.idx.msk [tilespmem:v4+s11+$0x0], $0xffff  }
0x1e3: {  	v4 =	vld [tilespmem:$0x1FDC0];
	_ =	sdelay $0x3  }
0x1e4: {  	v37 =	vmov v3;
	v3 =	vor.u32 v3, v0  }
0x1e5: {  	v34 =	vmov v4;
	v4 =	vor.u32 v4, v1;
	_ =	sdelay $0x3  }
0x1e6: {  	[tilespmem:v3+s18+$0x0] =	vst.idx.msk $0xffff, v2;
	v3 =	vld [tilespmem:$0x1FDD0]  }
0x1e7: {  	v2 =	vld.idx.msk [tilespmem:v4+s11+$0x0], $0xffff  }
0x1e8: {  	v4 =	vld [tilespmem:$0x1FDE0];
	_ =	sdelay $0x3  }
0x1e9: {  	v39 =	vmov v3;
	v3 =	vor.u32 v3, v0  }
0x1ea: {  	v36 =	vmov v4;
	v4 =	vor.u32 v4, v1;
	_ =	sdelay $0x3  }
0x1eb: {  	[tilespmem:v3+s18+$0x0] =	vst.idx.msk $0xffff, v2;
	v3 =	vld [tilespmem:$0x1FDF0]  }
0x1ec: {  	v2 =	vld.idx.msk [tilespmem:v4+s11+$0x0], $0xffff  }
0x1ed: {  	v4 =	vld [tilespmem:$0x1FE00];
	_ =	sdelay $0x3  }
0x1ee: {  	v41 =	vmov v3;
	v3 =	vor.u32 v3, v0  }
0x1ef: {  	v40 =	vmov v4;
	v4 =	vor.u32 v4, v1;
	_ =	sdelay $0x3  }
0x1f0: {  	[tilespmem:v3+s18+$0x0] =	vst.idx.msk $0xffff, v2;
	v3 =	vld [tilespmem:$0x1FE10]  }
0x1f1: {  	v2 =	vld.idx.msk [tilespmem:v4+s11+$0x0], $0xffff  }
0x1f2: {  	v4 =	vld [tilespmem:$0x1FE20];
	_ =	sdelay $0x3  }
0x1f3: {  	v11 =	vmov v3;
	v3 =	vor.u32 v3, v0  }
0x1f4: {  	v8 =	vmov v4;
	v4 =	vor.u32 v4, v1;
	_ =	sdelay $0x3  }
0x1f5: {  	[tilespmem:v3+s18+$0x0] =	vst.idx.msk $0xffff, v2;
	v3 =	vld [tilespmem:$0x1FE30]  }
0x1f6: {  	v2 =	vld.idx.msk [tilespmem:v4+s11+$0x0], $0xffff  }
0x1f7: {  	v4 =	vld [tilespmem:$0x1FE40];
	_ =	sdelay $0x3  }
0x1f8: {  	v42 =	vmov v3;
	v3 =	vor.u32 v3, v0  }
0x1f9: {  	v43 =	vmov v4;
	v4 =	vor.u32 v4, v1;
	_ =	sdelay $0x3  }
0x1fa: {  	[tilespmem:v3+s18+$0x0] =	vst.idx.msk $0xffff, v2;
	v3 =	vld [tilespmem:$0x1FE50]  }
0x1fb: {  	v2 =	vld.idx.msk [tilespmem:v4+s11+$0x0], $0xffff  }
0x1fc: {  	v4 =	vld [tilespmem:$0x1FE60];
	_ =	sdelay $0x3  }
0x1fd: {  	v44 =	vmov v3;
	v3 =	vor.u32 v3, v0  }
0x1fe: {  	v45 =	vmov v4;
	v4 =	vor.u32 v4, v1;
	_ =	sdelay $0x3  }
0x1ff: {  	[tilespmem:v3+s18+$0x0] =	vst.idx.msk $0xffff, v2;
	v3 =	vld [tilespmem:$0x1FE70]  }
0x200: {  	v2 =	vld.idx.msk [tilespmem:v4+s11+$0x0], $0xffff  }
0x201: {  	v4 =	vld [tilespmem:$0x1FE80];
	_ =	sdelay $0x3  }
0x202: {  	v46 =	vmov v3;
	v3 =	vor.u32 v3, v0  }
0x203: {  	v47 =	vmov v4;
	v4 =	vor.u32 v4, v1;
	_ =	sdelay $0x3  }
0x204: {  	[tilespmem:v3+s18+$0x0] =	vst.idx.msk $0xffff, v2;
	v3 =	vld [tilespmem:$0x1FE90]  }
0x205: {  	v2 =	vld.idx.msk [tilespmem:v4+s11+$0x0], $0xffff  }
0x206: {  	v4 =	vld [tilespmem:$0x1FEA0];
	_ =	sdelay $0x3  }
0x207: {  	v48 =	vmov v3;
	v3 =	vor.u32 v3, v0  }
0x208: {  	v49 =	vmov v4;
	v4 =	vor.u32 v4, v1;
	_ =	sdelay $0x3  }
0x209: {  	[tilespmem:v3+s18+$0x0] =	vst.idx.msk $0xffff, v2;
	v3 =	vld [tilespmem:$0x1FEB0]  }
0x20a: {  	v2 =	vld.idx.msk [tilespmem:v4+s11+$0x0], $0xffff  }
0x20b: {  	v4 =	vld [tilespmem:$0x1FEC0];
	_ =	sdelay $0x3  }
0x20c: {  	v50 =	vmov v3;
	v3 =	vor.u32 v3, v0  }
0x20d: {  	v51 =	vmov v4;
	v4 =	vor.u32 v4, v1;
	_ =	sdelay $0x3  }
0x20e: {  	[tilespmem:v3+s18+$0x0] =	vst.idx.msk $0xffff, v2;
	v3 =	vld [tilespmem:$0x1FED0]  }
0x20f: {  	v2 =	vld.idx.msk [tilespmem:v4+s11+$0x0], $0xffff  }
0x210: {  	v4 =	vld [tilespmem:$0x1FEE0];
	_ =	sdelay $0x3  }
0x211: {  	v52 =	vmov v3;
	v3 =	vor.u32 v3, v0  }
0x212: {  	v53 =	vmov v4;
	v4 =	vor.u32 v4, v1;
	_ =	sdelay $0x3  }
0x213: {  	[tilespmem:v3+s18+$0x0] =	vst.idx.msk $0xffff, v2;
	v3 =	vld [tilespmem:$0x1FEF0]  }
0x214: {  	v2 =	vld.idx.msk [tilespmem:v4+s11+$0x0], $0xffff  }
0x215: {  	v4 =	vld [tilespmem:$0x1FF00];
	_ =	sdelay $0x3  }
0x216: {  	v54 =	vmov v3;
	v3 =	vor.u32 v3, v0  }
0x217: {  	v55 =	vmov v4;
	v4 =	vor.u32 v4, v1;
	_ =	sdelay $0x3  }
0x218: {  	[tilespmem:v3+s18+$0x0] =	vst.idx.msk $0xffff, v2;
	v3 =	vld [tilespmem:$0x1FF10]  }
0x219: {  	v2 =	vld.idx.msk [tilespmem:v4+s11+$0x0], $0xffff  }
0x21a: {  	v4 =	vld [tilespmem:$0x1FF20];
	_ =	sdelay $0x3  }
0x21b: {  	v56 =	vmov v3;
	v3 =	vor.u32 v3, v0  }
0x21c: {  	v57 =	vmov v4;
	v4 =	vor.u32 v4, v1;
	_ =	sdelay $0x3  }
0x21d: {  	[tilespmem:v3+s18+$0x0] =	vst.idx.msk $0xffff, v2;
	v3 =	vld [tilespmem:$0x1FF30]  }
0x21e: {  	v2 =	vld.idx.msk [tilespmem:v4+s11+$0x0], $0xffff  }
0x21f: {  	v4 =	vld [tilespmem:$0x1FF40];
	_ =	sdelay $0x3  }
0x220: {  	v58 =	vmov v3;
	v3 =	vor.u32 v3, v0  }
0x221: {  	v59 =	vmov v4;
	v4 =	vor.u32 v4, v1;
	_ =	sdelay $0x3  }
0x222: {  	[tilespmem:v3+s18+$0x0] =	vst.idx.msk $0xffff, v2;
	v3 =	vld [tilespmem:$0x1FF50]  }
0x223: {  	v2 =	vld.idx.msk [tilespmem:v4+s11+$0x0], $0xffff  }
0x224: {  	v4 =	vld [tilespmem:$0x1FF60];
	_ =	sdelay $0x3  }
0x225: {  	v33 =	vmov v3;
	v3 =	vor.u32 v3, v0  }
0x226: {  	v60 =	vmov v4;
	v4 =	vor.u32 v4, v1;
	_ =	sdelay $0x3  }
0x227: {  	[tilespmem:v3+s18+$0x0] =	vst.idx.msk $0xffff, v2;
	v3 =	vld [tilespmem:$0x1FF70]  }
0x228: {  	v2 =	vld.idx.msk [tilespmem:v4+s11+$0x0], $0xffff  }
0x229: {  	v4 =	vld [tilespmem:$0x1FF80];
	_ =	sdelay $0x3  }
0x22a: {  	v61 =	vmov v3;
	v3 =	vor.u32 v3, v0  }
0x22b: {  	v62 =	vmov v4;
	v4 =	vor.u32 v4, v1;
	_ =	sdelay $0x3  }
0x22c: {  	[tilespmem:v3+s18+$0x0] =	vst.idx.msk $0xffff, v2;
	v3 =	vld [tilespmem:$0x1FF90]  }
0x22d: {  	v2 =	vld.idx.msk [tilespmem:v4+s11+$0x0], $0xffff  }
0x22e: {  	v4 =	vld [tilespmem:$0x1FFA0];
	_ =	sdelay $0x3  }
0x22f: {  	v38 =	vmov v3;
	v3 =	vor.u32 v3, v0  }
0x230: {  	v63 =	vmov v4;
	v4 =	vor.u32 v4, v1;
	_ =	sdelay $0x3  }
0x231: {  	[tilespmem:v3+s18+$0x0] =	vst.idx.msk $0xffff, v2;
	v3 =	vld [tilespmem:$0x1FFB0]  }
0x232: {  	v2 =	vld.idx.msk [tilespmem:v4+s11+$0x0], $0xffff  }
0x233: {  	v4 =	vld [tilespmem:$0x1FFC0];
	_ =	sdelay $0x3  }
0x234: {  	v3 =	vor.u32 v3, v0  }
0x235: {  	v9 =	vmov v4;
	v4 =	vor.u32 v4, v1;
	_ =	sdelay $0x3  }
0x236: {  	[tilespmem:v3+s18+$0x0] =	vst.idx.msk $0xffff, v2;
	v3 =	vld [tilespmem:$0x1FFD0]  }
0x237: {  	v2 =	vld.idx.msk [tilespmem:v4+s11+$0x0], $0xffff  }
0x238: {  	v4 =	vld [tilespmem:$0x1FFE0];
	_ =	sdelay $0x3  }
0x239: {  	v3 =	vor.u32 v3, v0  }
0x23a: {  	v4 =	vor.u32 v4, v1;
	_ =	sdelay $0x3  }
0x23b: {  	[tilespmem:v3+s18+$0x0] =	vst.idx.msk $0xffff, v2;
	v3 =	vld [tilespmem:$0x1FC10]  }
0x23c: {  	v2 =	vld.idx.msk [tilespmem:v4+s11+$0x0], $0xffff  }
0x23d: {  	v4 =	vld [tilespmem:$0x1FC20];
	_ =	sdelay $0x3  }
0x23e: {  	v3 =	vor.u32 v3, v0  }
0x23f: {  	v1 =	vor.u32 v4, v1  }
0x240: {  	v10 =	vld [tilespmem:$0x1FC30];
	_ =	sdelay $0x2  }
0x241: {  	s31 =	simm.s32 $0x1;
	[tilespmem:v3+s18+$0x0] =	vst.idx.msk $0xffff, v2  }
0x242: {  	s23 =	simm.s32 $0x2;
	v2 =	vadd.s32 s31, v5;
	v3 =	vld.idx.msk [tilespmem:v1+s11+$0x0], $0xffff  }
.LBB2_9:
0x243: {  	v1 =	vand.u32 $0xF, v2;
	v0 =	vor.u32 v10, v0  }
0x244: {  	v4 =	vor.u32 v6, v1;
	_ =	sdelay $0x2  }
0x245: {  	v2 =	vshll.u32 v2, $0x7  }
0x246: {  	v5 =	vlaneseq.u32;
	[tilespmem:v0+s18+$0x0] =	vst.idx.msk $0xffff, v3;
	v0 =	vand.u32 $0x780, v2  }
0x247: {  	v3 =	vld.idx.msk [tilespmem:v4+s11+$0x0], $0xffff;
	v2 =	vor.u32 v5, v0  }
0x248: {  	v4 =	vor.u32 v7, v1;
	_ =	sdelay $0x3  }
0x249: {  	[tilespmem:v2+s18+$0x0] =	vst.idx.msk $0xffff, v3  }
0x24a: {  	v3 =	vor.u32 v13, v0;
	v2 =	vld.idx.msk [tilespmem:v4+s11+$0x0], $0xffff  }
0x24b: {  	v4 =	vor.u32 v14, v1;
	_ =	sdelay $0x3  }
0x24c: {  	[tilespmem:v3+s18+$0x0] =	vst.idx.msk $0xffff, v2  }
0x24d: {  	v3 =	vor.u32 v15, v0;
	v2 =	vld.idx.msk [tilespmem:v4+s11+$0x0], $0xffff  }
0x24e: {  	v4 =	vor.u32 v16, v1;
	_ =	sdelay $0x3  }
0x24f: {  	[tilespmem:v3+s18+$0x0] =	vst.idx.msk $0xffff, v2  }
0x250: {  	v3 =	vor.u32 v12, v0;
	v2 =	vld.idx.msk [tilespmem:v4+s11+$0x0], $0xffff  }
0x251: {  	v4 =	vor.u32 v18, v1;
	_ =	sdelay $0x3  }
0x252: {  	[tilespmem:v3+s18+$0x0] =	vst.idx.msk $0xffff, v2  }
0x253: {  	v3 =	vor.u32 v17, v0;
	v2 =	vld.idx.msk [tilespmem:v4+s11+$0x0], $0xffff  }
0x254: {  	v4 =	vor.u32 v20, v1;
	_ =	sdelay $0x3  }
0x255: {  	[tilespmem:v3+s18+$0x0] =	vst.idx.msk $0xffff, v2  }
0x256: {  	v3 =	vor.u32 v19, v0;
	v2 =	vld.idx.msk [tilespmem:v4+s11+$0x0], $0xffff  }
0x257: {  	v4 =	vor.u32 v22, v1;
	_ =	sdelay $0x3  }
0x258: {  	[tilespmem:v3+s18+$0x0] =	vst.idx.msk $0xffff, v2  }
0x259: {  	v3 =	vor.u32 v21, v0;
	v2 =	vld.idx.msk [tilespmem:v4+s11+$0x0], $0xffff  }
0x25a: {  	v4 =	vor.u32 v24, v1;
	_ =	sdelay $0x3  }
0x25b: {  	[tilespmem:v3+s18+$0x0] =	vst.idx.msk $0xffff, v2  }
0x25c: {  	v3 =	vor.u32 v23, v0;
	v2 =	vld.idx.msk [tilespmem:v4+s11+$0x0], $0xffff  }
0x25d: {  	v4 =	vor.u32 v26, v1;
	_ =	sdelay $0x3  }
0x25e: {  	[tilespmem:v3+s18+$0x0] =	vst.idx.msk $0xffff, v2  }
0x25f: {  	v3 =	vor.u32 v25, v0;
	v2 =	vld.idx.msk [tilespmem:v4+s11+$0x0], $0xffff  }
0x260: {  	v4 =	vor.u32 v28, v1;
	_ =	sdelay $0x3  }
0x261: {  	[tilespmem:v3+s18+$0x0] =	vst.idx.msk $0xffff, v2  }
0x262: {  	v3 =	vor.u32 v27, v0;
	v2 =	vld.idx.msk [tilespmem:v4+s11+$0x0], $0xffff  }
0x263: {  	v4 =	vor.u32 v30, v1;
	_ =	sdelay $0x3  }
0x264: {  	[tilespmem:v3+s18+$0x0] =	vst.idx.msk $0xffff, v2  }
0x265: {  	v3 =	vor.u32 v29, v0;
	v2 =	vld.idx.msk [tilespmem:v4+s11+$0x0], $0xffff  }
0x266: {  	v4 =	vor.u32 v31, v1;
	_ =	sdelay $0x3  }
0x267: {  	[tilespmem:v3+s18+$0x0] =	vst.idx.msk $0xffff, v2  }
0x268: {  	v3 =	vor.u32 v35, v0;
	v2 =	vld.idx.msk [tilespmem:v4+s11+$0x0], $0xffff  }
0x269: {  	v4 =	vor.u32 v32, v1;
	_ =	sdelay $0x3  }
0x26a: {  	[tilespmem:v3+s18+$0x0] =	vst.idx.msk $0xffff, v2  }
0x26b: {  	v3 =	vor.u32 v37, v0;
	v2 =	vld.idx.msk [tilespmem:v4+s11+$0x0], $0xffff  }
0x26c: {  	v4 =	vor.u32 v34, v1;
	_ =	sdelay $0x3  }
0x26d: {  	[tilespmem:v3+s18+$0x0] =	vst.idx.msk $0xffff, v2  }
0x26e: {  	v3 =	vor.u32 v39, v0;
	v2 =	vld.idx.msk [tilespmem:v4+s11+$0x0], $0xffff  }
0x26f: {  	v4 =	vor.u32 v36, v1;
	_ =	sdelay $0x3  }
0x270: {  	[tilespmem:v3+s18+$0x0] =	vst.idx.msk $0xffff, v2  }
0x271: {  	v3 =	vor.u32 v41, v0;
	v2 =	vld.idx.msk [tilespmem:v4+s11+$0x0], $0xffff  }
0x272: {  	v4 =	vor.u32 v40, v1;
	_ =	sdelay $0x3  }
0x273: {  	[tilespmem:v3+s18+$0x0] =	vst.idx.msk $0xffff, v2  }
0x274: {  	v3 =	vor.u32 v11, v0;
	v2 =	vld.idx.msk [tilespmem:v4+s11+$0x0], $0xffff  }
0x275: {  	v4 =	vor.u32 v8, v1;
	_ =	sdelay $0x3  }
0x276: {  	[tilespmem:v3+s18+$0x0] =	vst.idx.msk $0xffff, v2  }
0x277: {  	v3 =	vor.u32 v42, v0;
	v2 =	vld.idx.msk [tilespmem:v4+s11+$0x0], $0xffff  }
0x278: {  	v4 =	vor.u32 v43, v1;
	_ =	sdelay $0x3  }
0x279: {  	[tilespmem:v3+s18+$0x0] =	vst.idx.msk $0xffff, v2  }
0x27a: {  	v3 =	vor.u32 v44, v0;
	v2 =	vld.idx.msk [tilespmem:v4+s11+$0x0], $0xffff  }
0x27b: {  	v4 =	vor.u32 v45, v1;
	_ =	sdelay $0x3  }
0x27c: {  	[tilespmem:v3+s18+$0x0] =	vst.idx.msk $0xffff, v2  }
0x27d: {  	v3 =	vor.u32 v46, v0;
	v2 =	vld.idx.msk [tilespmem:v4+s11+$0x0], $0xffff  }
0x27e: {  	v4 =	vor.u32 v47, v1;
	_ =	sdelay $0x3  }
0x27f: {  	[tilespmem:v3+s18+$0x0] =	vst.idx.msk $0xffff, v2  }
0x280: {  	v3 =	vor.u32 v48, v0;
	v2 =	vld.idx.msk [tilespmem:v4+s11+$0x0], $0xffff  }
0x281: {  	v4 =	vor.u32 v49, v1;
	_ =	sdelay $0x3  }
0x282: {  	[tilespmem:v3+s18+$0x0] =	vst.idx.msk $0xffff, v2  }
0x283: {  	v3 =	vor.u32 v50, v0;
	v2 =	vld.idx.msk [tilespmem:v4+s11+$0x0], $0xffff  }
0x284: {  	v4 =	vor.u32 v51, v1;
	_ =	sdelay $0x3  }
0x285: {  	[tilespmem:v3+s18+$0x0] =	vst.idx.msk $0xffff, v2  }
0x286: {  	v3 =	vor.u32 v52, v0;
	v2 =	vld.idx.msk [tilespmem:v4+s11+$0x0], $0xffff  }
0x287: {  	v4 =	vor.u32 v53, v1;
	_ =	sdelay $0x3  }
0x288: {  	[tilespmem:v3+s18+$0x0] =	vst.idx.msk $0xffff, v2  }
0x289: {  	v3 =	vor.u32 v54, v0;
	v2 =	vld.idx.msk [tilespmem:v4+s11+$0x0], $0xffff  }
0x28a: {  	v4 =	vor.u32 v55, v1;
	_ =	sdelay $0x3  }
0x28b: {  	[tilespmem:v3+s18+$0x0] =	vst.idx.msk $0xffff, v2  }
0x28c: {  	v3 =	vor.u32 v56, v0;
	v2 =	vld.idx.msk [tilespmem:v4+s11+$0x0], $0xffff  }
0x28d: {  	v4 =	vor.u32 v57, v1;
	_ =	sdelay $0x3  }
0x28e: {  	[tilespmem:v3+s18+$0x0] =	vst.idx.msk $0xffff, v2  }
0x28f: {  	v3 =	vor.u32 v58, v0;
	v2 =	vld.idx.msk [tilespmem:v4+s11+$0x0], $0xffff  }
0x290: {  	v4 =	vor.u32 v59, v1;
	_ =	sdelay $0x3  }
0x291: {  	[tilespmem:v3+s18+$0x0] =	vst.idx.msk $0xffff, v2  }
0x292: {  	v3 =	vor.u32 v33, v0;
	v2 =	vld.idx.msk [tilespmem:v4+s11+$0x0], $0xffff  }
0x293: {  	v4 =	vor.u32 v60, v1;
	_ =	sdelay $0x3  }
0x294: {  	[tilespmem:v3+s18+$0x0] =	vst.idx.msk $0xffff, v2  }
0x295: {  	v3 =	vor.u32 v61, v0;
	v2 =	vld.idx.msk [tilespmem:v4+s11+$0x0], $0xffff  }
0x296: {  	v4 =	vor.u32 v62, v1;
	_ =	sdelay $0x3  }
0x297: {  	[tilespmem:v3+s18+$0x0] =	vst.idx.msk $0xffff, v2  }
0x298: {  	v3 =	vor.u32 v38, v0;
	v2 =	vld.idx.msk [tilespmem:v4+s11+$0x0], $0xffff;
	_ =	sdelay $0x4  }
0x299: {  	v4 =	vor.u32 v63, v1;
	[tilespmem:v3+s18+$0x0] =	vst.idx.msk $0xffff, v2;
	v3 =	vld [tilespmem:$0x1FFB0];
	_ =	sdelay $0x4  }
0x29a: {  	v2 =	vld.idx.msk [tilespmem:v4+s11+$0x0], $0xffff;
	v3 =	vor.u32 v3, v0  }
0x29b: {  	v4 =	vor.u32 v9, v1;
	_ =	sdelay $0x3  }
0x29c: {  	[tilespmem:v3+s18+$0x0] =	vst.idx.msk $0xffff, v2;
	v3 =	vld [tilespmem:$0x1FFD0]  }
0x29d: {  	v2 =	vld.idx.msk [tilespmem:v4+s11+$0x0], $0xffff  }
0x29e: {  	v4 =	vld [tilespmem:$0x1FFE0];
	_ =	sdelay $0x3  }
0x29f: {  	v3 =	vor.u32 v3, v0  }
0x2a0: {  	v4 =	vor.u32 v4, v1;
	_ =	sdelay $0x3  }
0x2a1: {  	[tilespmem:v3+s18+$0x0] =	vst.idx.msk $0xffff, v2;
	v3 =	vld [tilespmem:$0x1FC10]  }
0x2a2: {  	v2 =	vld.idx.msk [tilespmem:v4+s11+$0x0], $0xffff  }
0x2a3: {  	v4 =	vld [tilespmem:$0x1FC20];
	_ =	sdelay $0x3  }
0x2a4: {  	v3 =	vor.u32 v3, v0  }
0x2a5: {  	p0 =	sne.s32 s23, $0xF;
	v1 =	vor.u32 v4, v1  }
.Ltmp4:
0x2a6: {  	_ = 	snop;
	(pc) =	sbr.rel @p0 .LBB2_9-.Ltmp4, $3  }
0x2a7: {  	_ =	sdelay $0x1  }
0x2a8: {  	[tilespmem:v3+s18+$0x0] =	vst.idx.msk $0xffff, v2  }
0x2a9: {  	v4 =	vlaneseq.u32;
	v2 =	vadd.s32 s23, v5;
	s23 =	sadd.s32 $0x1, s23;
	v3 =	vld.idx.msk [tilespmem:v1+s11+$0x0], $0xffff  }
0x2aa: {  	v1 =	vand.u32 $0xF, v2;
	v0 =	vor.u32 v10, v0  }
0x2ab: {  	v5 =	vor.u32 v6, v1;
	_ =	sdelay $0x2  }
0x2ac: {  	v2 =	vshll.u32 v2, $0x7  }
0x2ad: {  	[tilespmem:v0+s18+$0x0] =	vst.idx.msk $0xffff, v3;
	v0 =	vand.u32 $0x780, v2  }
0x2ae: {  	v2 =	vld.idx.msk [tilespmem:v5+s11+$0x0], $0xffff;
	v3 =	vor.u32 v4, v0  }
0x2af: {  	v4 =	vor.u32 v7, v1;
	_ =	sdelay $0x3  }
0x2b0: {  	[tilespmem:v3+s18+$0x0] =	vst.idx.msk $0xffff, v2  }
0x2b1: {  	v3 =	vor.u32 v13, v0;
	v2 =	vld.idx.msk [tilespmem:v4+s11+$0x0], $0xffff  }
0x2b2: {  	v4 =	vor.u32 v14, v1;
	_ =	sdelay $0x3  }
0x2b3: {  	[tilespmem:v3+s18+$0x0] =	vst.idx.msk $0xffff, v2  }
0x2b4: {  	v3 =	vor.u32 v15, v0;
	v2 =	vld.idx.msk [tilespmem:v4+s11+$0x0], $0xffff  }
0x2b5: {  	v4 =	vor.u32 v16, v1;
	_ =	sdelay $0x3  }
0x2b6: {  	[tilespmem:v3+s18+$0x0] =	vst.idx.msk $0xffff, v2  }
0x2b7: {  	v3 =	vor.u32 v12, v0;
	v2 =	vld.idx.msk [tilespmem:v4+s11+$0x0], $0xffff  }
0x2b8: {  	v4 =	vor.u32 v18, v1;
	_ =	sdelay $0x3  }
0x2b9: {  	[tilespmem:v3+s18+$0x0] =	vst.idx.msk $0xffff, v2  }
0x2ba: {  	v3 =	vor.u32 v17, v0;
	v2 =	vld.idx.msk [tilespmem:v4+s11+$0x0], $0xffff  }
0x2bb: {  	v4 =	vor.u32 v20, v1;
	_ =	sdelay $0x3  }
0x2bc: {  	[tilespmem:v3+s18+$0x0] =	vst.idx.msk $0xffff, v2  }
0x2bd: {  	v3 =	vor.u32 v19, v0;
	v2 =	vld.idx.msk [tilespmem:v4+s11+$0x0], $0xffff  }
0x2be: {  	v4 =	vor.u32 v22, v1;
	_ =	sdelay $0x3  }
0x2bf: {  	[tilespmem:v3+s18+$0x0] =	vst.idx.msk $0xffff, v2  }
0x2c0: {  	v3 =	vor.u32 v21, v0;
	v2 =	vld.idx.msk [tilespmem:v4+s11+$0x0], $0xffff  }
0x2c1: {  	v4 =	vor.u32 v24, v1;
	_ =	sdelay $0x3  }
0x2c2: {  	[tilespmem:v3+s18+$0x0] =	vst.idx.msk $0xffff, v2  }
0x2c3: {  	v3 =	vor.u32 v23, v0;
	v2 =	vld.idx.msk [tilespmem:v4+s11+$0x0], $0xffff  }
0x2c4: {  	v4 =	vor.u32 v26, v1;
	_ =	sdelay $0x3  }
0x2c5: {  	[tilespmem:v3+s18+$0x0] =	vst.idx.msk $0xffff, v2  }
0x2c6: {  	v3 =	vor.u32 v25, v0;
	v2 =	vld.idx.msk [tilespmem:v4+s11+$0x0], $0xffff  }
0x2c7: {  	v4 =	vor.u32 v28, v1;
	_ =	sdelay $0x3  }
0x2c8: {  	[tilespmem:v3+s18+$0x0] =	vst.idx.msk $0xffff, v2  }
0x2c9: {  	v3 =	vor.u32 v27, v0;
	v2 =	vld.idx.msk [tilespmem:v4+s11+$0x0], $0xffff  }
0x2ca: {  	v4 =	vor.u32 v30, v1;
	_ =	sdelay $0x3  }
0x2cb: {  	[tilespmem:v3+s18+$0x0] =	vst.idx.msk $0xffff, v2  }
0x2cc: {  	v3 =	vor.u32 v29, v0;
	v2 =	vld.idx.msk [tilespmem:v4+s11+$0x0], $0xffff  }
0x2cd: {  	v4 =	vor.u32 v31, v1;
	_ =	sdelay $0x3  }
0x2ce: {  	[tilespmem:v3+s18+$0x0] =	vst.idx.msk $0xffff, v2  }
0x2cf: {  	v3 =	vor.u32 v35, v0;
	v2 =	vld.idx.msk [tilespmem:v4+s11+$0x0], $0xffff  }
0x2d0: {  	v4 =	vor.u32 v32, v1;
	_ =	sdelay $0x3  }
0x2d1: {  	[tilespmem:v3+s18+$0x0] =	vst.idx.msk $0xffff, v2  }
0x2d2: {  	v3 =	vor.u32 v37, v0;
	v2 =	vld.idx.msk [tilespmem:v4+s11+$0x0], $0xffff  }
0x2d3: {  	v4 =	vor.u32 v34, v1;
	_ =	sdelay $0x3  }
0x2d4: {  	[tilespmem:v3+s18+$0x0] =	vst.idx.msk $0xffff, v2  }
0x2d5: {  	v3 =	vor.u32 v39, v0;
	v2 =	vld.idx.msk [tilespmem:v4+s11+$0x0], $0xffff  }
0x2d6: {  	v4 =	vor.u32 v36, v1;
	_ =	sdelay $0x3  }
0x2d7: {  	[tilespmem:v3+s18+$0x0] =	vst.idx.msk $0xffff, v2  }
0x2d8: {  	v3 =	vor.u32 v41, v0;
	v2 =	vld.idx.msk [tilespmem:v4+s11+$0x0], $0xffff  }
0x2d9: {  	v4 =	vor.u32 v40, v1;
	_ =	sdelay $0x3  }
0x2da: {  	[tilespmem:v3+s18+$0x0] =	vst.idx.msk $0xffff, v2  }
0x2db: {  	v3 =	vor.u32 v11, v0;
	v2 =	vld.idx.msk [tilespmem:v4+s11+$0x0], $0xffff  }
0x2dc: {  	v4 =	vor.u32 v8, v1;
	_ =	sdelay $0x3  }
0x2dd: {  	[tilespmem:v3+s18+$0x0] =	vst.idx.msk $0xffff, v2  }
0x2de: {  	v3 =	vor.u32 v42, v0;
	v2 =	vld.idx.msk [tilespmem:v4+s11+$0x0], $0xffff  }
0x2df: {  	v4 =	vor.u32 v43, v1;
	_ =	sdelay $0x3  }
0x2e0: {  	[tilespmem:v3+s18+$0x0] =	vst.idx.msk $0xffff, v2  }
0x2e1: {  	v3 =	vor.u32 v44, v0;
	v2 =	vld.idx.msk [tilespmem:v4+s11+$0x0], $0xffff  }
0x2e2: {  	v4 =	vor.u32 v45, v1;
	_ =	sdelay $0x3  }
0x2e3: {  	[tilespmem:v3+s18+$0x0] =	vst.idx.msk $0xffff, v2  }
0x2e4: {  	v3 =	vor.u32 v46, v0;
	v2 =	vld.idx.msk [tilespmem:v4+s11+$0x0], $0xffff  }
0x2e5: {  	v4 =	vor.u32 v47, v1;
	_ =	sdelay $0x3  }
0x2e6: {  	[tilespmem:v3+s18+$0x0] =	vst.idx.msk $0xffff, v2  }
0x2e7: {  	v3 =	vor.u32 v48, v0;
	v2 =	vld.idx.msk [tilespmem:v4+s11+$0x0], $0xffff  }
0x2e8: {  	v4 =	vor.u32 v49, v1;
	_ =	sdelay $0x3  }
0x2e9: {  	[tilespmem:v3+s18+$0x0] =	vst.idx.msk $0xffff, v2  }
0x2ea: {  	v3 =	vor.u32 v50, v0;
	v2 =	vld.idx.msk [tilespmem:v4+s11+$0x0], $0xffff  }
0x2eb: {  	v4 =	vor.u32 v51, v1;
	_ =	sdelay $0x3  }
0x2ec: {  	[tilespmem:v3+s18+$0x0] =	vst.idx.msk $0xffff, v2  }
0x2ed: {  	v3 =	vor.u32 v52, v0;
	v2 =	vld.idx.msk [tilespmem:v4+s11+$0x0], $0xffff  }
0x2ee: {  	v4 =	vor.u32 v53, v1;
	_ =	sdelay $0x3  }
0x2ef: {  	[tilespmem:v3+s18+$0x0] =	vst.idx.msk $0xffff, v2  }
0x2f0: {  	v3 =	vor.u32 v54, v0;
	v2 =	vld.idx.msk [tilespmem:v4+s11+$0x0], $0xffff  }
0x2f1: {  	v4 =	vor.u32 v55, v1;
	_ =	sdelay $0x3  }
0x2f2: {  	[tilespmem:v3+s18+$0x0] =	vst.idx.msk $0xffff, v2  }
0x2f3: {  	v3 =	vor.u32 v56, v0;
	v2 =	vld.idx.msk [tilespmem:v4+s11+$0x0], $0xffff  }
0x2f4: {  	v4 =	vor.u32 v57, v1;
	_ =	sdelay $0x3  }
0x2f5: {  	[tilespmem:v3+s18+$0x0] =	vst.idx.msk $0xffff, v2  }
0x2f6: {  	v3 =	vor.u32 v58, v0;
	v2 =	vld.idx.msk [tilespmem:v4+s11+$0x0], $0xffff  }
0x2f7: {  	v4 =	vor.u32 v59, v1;
	_ =	sdelay $0x3  }
0x2f8: {  	[tilespmem:v3+s18+$0x0] =	vst.idx.msk $0xffff, v2  }
0x2f9: {  	v3 =	vor.u32 v33, v0;
	v2 =	vld.idx.msk [tilespmem:v4+s11+$0x0], $0xffff  }
0x2fa: {  	v4 =	vor.u32 v60, v1;
	_ =	sdelay $0x3  }
0x2fb: {  	[tilespmem:v3+s18+$0x0] =	vst.idx.msk $0xffff, v2  }
0x2fc: {  	v3 =	vor.u32 v61, v0;
	v2 =	vld.idx.msk [tilespmem:v4+s11+$0x0], $0xffff  }
0x2fd: {  	v4 =	vor.u32 v62, v1;
	_ =	sdelay $0x3  }
0x2fe: {  	[tilespmem:v3+s18+$0x0] =	vst.idx.msk $0xffff, v2  }
0x2ff: {  	v3 =	vor.u32 v38, v0;
	v2 =	vld.idx.msk [tilespmem:v4+s11+$0x0], $0xffff  }
0x300: {  	v54 =	vmov v59;
	v59 =	vld [tilespmem:$0x1FFB0];
	v4 =	vor.u32 v63, v1;
	_ =	sdelay $0x3  }
0x301: {  	[tilespmem:v3+s18+$0x0] =	vst.idx.msk $0xffff, v2  }
0x302: {  	v3 =	vor.u32 v59, v0;
	v2 =	vld.idx.msk [tilespmem:v4+s11+$0x0], $0xffff  }
0x303: {  	v5 =	vld [tilespmem:$0x1FFD0];
	v4 =	vor.u32 v9, v1;
	_ =	sdelay $0x2  }
0x304: {  	v10 =	vld [tilespmem:$0x1FFE0]  }
0x305: {  	v13 =	vld [tilespmem:$0x1FCE0];
	[tilespmem:v3+s18+$0x0] =	vst.idx.msk $0xffff, v2  }
0x306: {  	v3 =	vor.u32 v5, v0;
	v2 =	vld.idx.msk [tilespmem:v4+s11+$0x0], $0xffff  }
0x307: {  	v15 =	vld [tilespmem:$0x1FC50]  }
0x308: {  	v12 =	vld [tilespmem:$0x1FD40]  }
0x309: {  	v22 =	vld [tilespmem:$0x1FC90]  }
0x30a: {  	v21 =	vld [tilespmem:$0x1FD00];
	v4 =	vor.u32 v10, v1  }
0x30b: {  	[tilespmem:v3+s18+$0x0] =	vst.idx.msk $0xffff, v2;
	v3 =	vld [tilespmem:$0x1FC10]  }
0x30c: {  	v23 =	vld [tilespmem:$0x1FCC0]  }
0x30d: {  	v26 =	vld [tilespmem:$0x1FCF0]  }
0x30e: {  	v30 =	vld [tilespmem:$0x1FD90]  }
0x30f: {  	v2 =	vld.idx.msk [tilespmem:v4+s11+$0x0], $0xffff  }
0x310: {  	v4 =	vld [tilespmem:$0x1FC20];
	v3 =	vor.u32 v3, v0  }
0x311: {  	v35 =	vmov v39;
	v39 =	vld [tilespmem:$0x1FDC0]  }
0x312: {  	v20 =	vmov v36;
	v36 =	vld [tilespmem:$0x1FDA0]  }
0x313: {  	v34 =	vmov v40;
	v40 =	vld [tilespmem:$0x1FD20]  }
0x314: {  	v32 =	vmov v11;
	v11 =	vld [tilespmem:$0x1FD60]  }
0x315: {  	v1 =	vor.u32 v4, v1;
	[tilespmem:v3+s18+$0x0] =	vst.idx.msk $0xffff, v2;
	v2 =	vld [tilespmem:$0x1FC30]  }
0x316: {  	v18 =	vmov v43;
	v43 =	vld [tilespmem:$0x1FD10]  }
0x317: {  	v14 =	vmov v51;
	v51 =	vld [tilespmem:$0x1FD70]  }
0x318: {  	v7 =	vmovc v45;
	v45 =	vmov v47;
	v47 =	vmov v52;
	v52 =	vmov v57;
	v57 =	vld [tilespmem:$0x1FC80]  }
0x319: {  	v38 =	vld [tilespmem:$0x1FC40]  }
0x31a: {  	s21 =	sadd.s32 $0x1, s21;
	v1 =	vld.idx.msk [tilespmem:v1+s11+$0x0], $0xffff;
	v0 =	vor.u32 v2, v0  }
0x31b: {  	s22 =	sadd.s32 s5, s22;
	p0 =	sne.s32 s21, $0x64;
	v2 =	vld [tilespmem:$0x1FC70]  }
.Ltmp5:
0x31c: {  	v6 =	vmovc v37;
	s23 =	sshll.u32 s22, $0x7;
	v37 =	vmovc v41;
	v41 =	vmov v42;
	v33 =	vmov v60;
	v60 =	vmov v63;
	v63 =	vld [tilespmem:$0x1FD50];
	(pc) =	sbr.rel @p0 .LBB2_2-.Ltmp5, $4  }
0x31d: {  	s22 =	sshll.u32 s22, $0xA;
	s23 =	sand.u32 $0xF80, s23;
	v16 =	vmovc v48;
	v17 =	vmov v46;
	v24 =	vmov v19;
	v28 =	vmov v25;
	v4 =	vld [tilespmem:$0x1FFF0]  }
0x31e: {  	s22 =	sand.u32 $0xFFF8000, s22;
	s23 =	sadd.s32 s1, s23;
	v29 =	vmovc v50;
	v42 =	vmovc v44;
	v44 =	vmov v41;
	v46 =	vmov v18;
	v48 =	vmov v8;
	v3 =	vld [tilespmem:$0x1FCB0]  }
0x31f: {  	s22 =	sadd.s32 s22, s23;
	v50 =	vmovc v55;
	v55 =	vmovc v14;
	v58 =	vmov v62;
	v41 =	vmov v33;
	v61 =	vmov v20;
	v9 =	vld [tilespmem:$0x1FCA0];
	[tilespmem:v0+s18+$0x0] =	vst.idx.msk $0xffff, v1  }
0x320: {  	v20 =	vmovc v47;
	v47 =	vmovc v7;
	v0 =	vmov v17;
	v1 =	vmov v16;
	v16 =	vmov v2;
	v17 =	vld [tilespmem:$0x1FC60];
	[hbm4b:s22+s14] =	stream.strided.scatter [tilespmem:s18], [sflag:$0x4], $0x2000, s15, s14, $0x38  }
0x321: {  	s20 =	sadd.s32 $0x1, s20  }
0x322: {  	_ =	swait.ge [sflag:s19], $0x2000;
	p0 =	sne.s32 s20, s7  }
.Ltmp6:
0x323: {  	[sflag:s19] =	ssyncset.done $0x0;
	(pc) =	sbr.rel @p0 .LBB2_1-.Ltmp6, $4  }
0x324: {  	[sflag:s19] =	ssyncadd.s32 $0xFFFFE000  }
0x325: {  	_ =	swait.ge [sflag:s17], $0x2000  }
0x326: {  	[sflag:s17] =	ssyncset.done $0x0  }
0x327: {  	[sflag:s17] =	ssyncadd.s32 $0xFFFFE000  }
0x328: {  	_ =	sfence.sel $0x180000  }
0x329: {  	[bflag:$0x0] =	sbarrier.arrive $0xFFFF  }
0x32a: {  	p0 =	sne.s32 s2, $0x0;
	_ =	strace $0x90000047  }
0x32b: {  	s0 =	sadd.s32 @!p0 $0x100000, s0;
	[bflag:$0x2] =	sbarrier.arrive $0xFFFF  }
0x32c: {  	[sflag:s0] =	ssyncadd.tile.s32 @!p0 $0x1;
	_ =	shalt  }
.Lfunc_end2:
_tile_overlayer_lowered:
.L_overlay_start_2:
0x32d: {  	(tag) =	ssettag $0x2  }
0x32e: {  	s0 =	rddreg [dreg:$0x0];
	s2 =	stileid.u32  }
0x32f: {  	s1 =	rddreg [dreg:$0x1];
	p0 =	sne.s32 s2, $0x0  }
0x330: {  	s3 =	rddreg [dreg:$0x2];
	[bflag:$0x3] =	sbarrier.arrive $0xFFFF;
	s2 =	simm.s32 @!p0 $0x1C05  }
0x331: {  	[timem:s3], [sflag:s2] =	dma.local @!p0 [hbm:s0], s1  }
0x332: {  	s0 =	simm.s32 @!p0 $0x5  }
0x333: {  	_ =	swait.ge @!p0 [sflag:s0], s1  }
0x334: {  	s1 =	ssub.s32 @!p0 $0x0, s1;
	[sflag:s0] =	ssyncset.done @!p0 $0x0  }
0x335: {  	[sflag:s0] =	ssyncadd.s32 @!p0 s1  }
0x336: {  	[bflag:$0x3] =	sbarrier.arrive $0xFFFF  }
0x337: {  	_ =	shalt  }

</sc_bundles>
